<compile_context>
chip_gen: v7x
topology: tpu7x:2x2x1
jax: 0.10.2.dev20260603
libtpu: 0.0.44.dev20260713+nightly
codegen_flags: <defaults>
</compile_context>

<pallas_src>
import functools

import jax
import jax.numpy as jnp
from jax import lax
from jax.experimental import pallas as pl
from jax.experimental.pallas import tpu as pltpu
from jax.experimental.pallas import tpu_sc as plsc

NC = 2
NS = 16
NW = NC * NS
CHUNK = 128
PROP_F0 = 0.5
DEG_W = 128


def _ceil_to(a: int, m: int) -> int:
    return (a + m - 1) // m * m


def _deg_sc(dstp, ones_rows, zeros_deg, n: int, rpt: int, bounce: int):
    e_pad = dstp.shape[0]
    epw = e_pad // NW
    n_chunks = epw // CHUNK
    mesh = plsc.VectorSubcoreMesh(core_axis_name="c", subcore_axis_name="s",
                                  num_cores=NC, num_subcores=NS)

    @functools.partial(
        pl.kernel,
        out_type=jax.ShapeDtypeStruct((NC, n, DEG_W), jnp.float32),
        mesh=mesh,
        scratch_types=[
            pltpu.VMEM_SHARED((n, DEG_W), jnp.float32),
            pltpu.VMEM((CHUNK, DEG_W), jnp.float32),
            pltpu.VMEM((bounce, DEG_W), jnp.float32),
            pltpu.VMEM((CHUNK,), jnp.int32),
        ],
    )
    def k(dst_hbm, ones_hbm, zeros_hbm, deg_hbm, degtab, obuf, dbuf, didx):
        core = lax.axis_index("c")
        sub = lax.axis_index("s")
        wid = core * NS + sub

        pltpu.sync_copy(zeros_hbm, dbuf)
        pltpu.sync_copy(ones_hbm, obuf)
        for j in range(rpt // bounce):
            pltpu.sync_copy(dbuf, degtab.at[pl.ds(sub * rpt + j * bounce, bounce)])

        plsc.subcore_barrier()

        def step(i, _):
            pltpu.sync_copy(dst_hbm.at[pl.ds(wid * epw + i * CHUNK, CHUNK)], didx)
            pltpu.sync_copy(obuf, degtab.at[didx], add=True)
            return 0

        lax.fori_loop(0, n_chunks, step, 0)

        plsc.subcore_barrier()

        for j in range(rpt // bounce):
            r = sub * rpt + j * bounce
            pltpu.sync_copy(degtab.at[pl.ds(r, bounce)], dbuf)
            pltpu.sync_copy(dbuf, deg_hbm.at[core, pl.ds(r, bounce)])

    return k(dstp, ones_rows, zeros_deg)


def _prop_sc(g, srcp, dstp, zeros_rows, n: int, rpt: int, bounce: int,
             c0: int, c1: int):
    d = g.shape[1]
    mesh = plsc.VectorSubcoreMesh(core_axis_name="c", subcore_axis_name="s",
                                  num_cores=NC, num_subcores=NS)

    @functools.partial(
        pl.kernel,
        out_type=jax.ShapeDtypeStruct((NC, n, d), jnp.float32),
        mesh=mesh,
        scratch_types=[
            pltpu.VMEM_SHARED((n, d), jnp.float32),
            pltpu.VMEM((CHUNK, d), jnp.float32),
            pltpu.VMEM((CHUNK,), jnp.int32),
            pltpu.VMEM((CHUNK,), jnp.int32),
            pltpu.SemaphoreType.DMA,
        ],
    )
    def k(g_hbm, src_hbm, dst_hbm, zeros_hbm, out, acc, rows,
          sidx, didx, sem):
        core = lax.axis_index("c")
        sub = lax.axis_index("s")

        pltpu.sync_copy(zeros_hbm, rows)
        for j in range(rpt // bounce):
            pltpu.sync_copy(rows, acc.at[pl.ds(sub * rpt + j * bounce, bounce)])

        plsc.subcore_barrier()

        chunk_base = jnp.where(core == 0, sub * c0, NS * c0 + sub * c1)
        n_my = jnp.where(core == 0, c0, c1)

        def step(i, _):
            eb = (chunk_base + i) * CHUNK
            pltpu.sync_copy(src_hbm.at[pl.ds(eb, CHUNK)], sidx)
            pltpu.sync_copy(dst_hbm.at[pl.ds(eb, CHUNK)], didx)
            pltpu.async_copy(g_hbm.at[sidx], rows, sem).wait()
            pltpu.sync_copy(rows, acc.at[didx], add=True)
            return 0

        lax.fori_loop(0, n_my, step, 0)

        plsc.subcore_barrier()

        for j in range(rpt // bounce):
            r = sub * rpt + j * bounce
            pltpu.sync_copy(acc.at[pl.ds(r, bounce)], rows)
            pltpu.sync_copy(rows, out.at[core, pl.ds(r, bounce)])

    return k(g, srcp, dstp, zeros_rows)


def _dis(deg_blk):
    return lax.rsqrt(deg_blk[0, :, 0:1] + deg_blk[1, :, 0:1] + 1.0)


def _mm_scale_tc(x, w, deg, br: int):
    n, din = x.shape
    dout = w.shape[1]

    def body(x_ref, w_ref, deg_ref, o_ref):
        h = jnp.dot(x_ref[...], w_ref[...], preferred_element_type=jnp.float32)
        o_ref[...] = _dis(deg_ref[...]) * h

    return pl.pallas_call(
        body,
        grid=(n // br,),
        in_specs=[
            pl.BlockSpec((br, din), lambda i: (i, 0)),
            pl.BlockSpec((din, dout), lambda i: (0, 0)),
            pl.BlockSpec((NC, br, DEG_W), lambda i: (0, i, 0)),
        ],
        out_specs=pl.BlockSpec((br, dout), lambda i: (i, 0)),
        out_shape=jax.ShapeDtypeStruct((n, dout), jnp.float32),
    )(x, w, deg)


def _mid_tc(accs, g1, b1, wcat, deg, br: int):
    _, n, d = accs.shape
    dout = wcat.shape[1]

    def body(a_ref, g_ref, b_ref, w_ref, deg_ref, o_ref):
        dis = _dis(deg_ref[...])
        asum = a_ref[0] + a_ref[1] + g_ref[...]
        h = jnp.maximum(dis * asum + b_ref[0:1, :], 0.0)
        o_ref[...] = dis * jnp.dot(h, w_ref[...], preferred_element_type=jnp.float32)

    return pl.pallas_call(
        body,
        grid=(n // br,),
        in_specs=[
            pl.BlockSpec((NC, br, d), lambda i: (0, i, 0)),
            pl.BlockSpec((br, d), lambda i: (i, 0)),
            pl.BlockSpec((8, d), lambda i: (0, 0)),
            pl.BlockSpec((d, dout), lambda i: (0, 0)),
            pl.BlockSpec((NC, br, DEG_W), lambda i: (0, i, 0)),
        ],
        out_specs=pl.BlockSpec((br, dout), lambda i: (i, 0)),
        out_shape=jax.ShapeDtypeStruct((n, dout), jnp.float32),
    )(accs, g1, b1, wcat, deg)


def _final_tc(accs, g2, bcat, deg, br: int):
    _, n, d = accs.shape

    def body(a_ref, g_ref, b_ref, deg_ref, o_ref):
        dis = _dis(deg_ref[...])
        o_ref[...] = dis * (a_ref[0] + a_ref[1] + g_ref[...]) + b_ref[0:1, :]

    return pl.pallas_call(
        body,
        grid=(n // br,),
        in_specs=[
            pl.BlockSpec((NC, br, d), lambda i: (0, i, 0)),
            pl.BlockSpec((br, d), lambda i: (i, 0)),
            pl.BlockSpec((8, d), lambda i: (0, 0)),
            pl.BlockSpec((NC, br, DEG_W), lambda i: (0, i, 0)),
        ],
        out_specs=pl.BlockSpec((br, d), lambda i: (i, 0)),
        out_shape=jax.ShapeDtypeStruct((n, d), jnp.float32),
    )(accs, g2, bcat, deg)


def kernel(x, edge_index, W1, b1, Wmu, bmu, Wlv, blv):
    n, din = x.shape
    e = edge_index.shape[1]
    hid = W1.shape[1]
    z = Wmu.shape[1]

    npad = _ceil_to(n, NS * CHUNK)
    rpt = npad // NS
    bounce = CHUNK
    br = 512
    xp = jnp.pad(x, ((0, npad - n), (0, 0)))

    e_pad = _ceil_to(e, NW * CHUNK)
    c_tot = e_pad // CHUNK
    cpp = c_tot // NS
    c0 = max(1, int(round(cpp * PROP_F0)))
    c1 = cpp - c0
    src = edge_index[0]
    dst = edge_index[1]
    pad = e_pad - e
    srcp = jnp.concatenate([src, jnp.zeros((pad,), jnp.int32)])
    dstp = jnp.concatenate([dst, jnp.full((pad,), n, jnp.int32)])

    ones_rows = jnp.ones((CHUNK, DEG_W), jnp.float32)
    zeros_rows = jnp.zeros((bounce, hid), jnp.float32)

    deg = _deg_sc(dstp, ones_rows, zeros_rows, npad, rpt, bounce)

    g1 = _mm_scale_tc(xp, W1, deg, br)
    acc1 = _prop_sc(g1, srcp, dstp, zeros_rows, npad, rpt, bounce, c0, c1)

    wcat = jnp.concatenate([Wmu, Wlv], axis=1)
    bcat = jnp.broadcast_to(jnp.concatenate([bmu, blv])[None, :], (8, 2 * z))
    b1_b = jnp.broadcast_to(b1[None, :], (8, hid))

    g2 = _mid_tc(acc1, g1, b1_b, wcat, deg, br)
    acc2 = _prop_sc(g2, srcp, dstp, zeros_rows, npad, rpt, bounce, c0, c1)

    out = _final_tc(acc2, g2, bcat, deg, br)
    return (out[:n, :z], out[:n, z:])

# --- scband reference (transcript-rebuilt; emitter-appended) ---
"""Pipeline reference for scband-gencoder-44427141709912 (READ-ONLY COPY).

The authoritative reference and input builder live on the scoring server;
editing this copy changes nothing except your own understanding.
"""

import jax, jax.numpy as jnp
import numpy as np

N = 10000
E = 320000
IN_DIM = 128
HID_DIM = 128
Z_DIM = 64


def setup_inputs(seed: int = 0) -> dict:
    key = jax.random.key(seed)
    ks = jax.random.split(key, 8)
    x = jax.random.normal(ks[0], (N, IN_DIM), dtype=jnp.float32)
    edge_index = jax.random.randint(ks[1], (2, E), 0, N, dtype=jnp.int32)
    W1 = jax.random.normal(ks[2], (IN_DIM, HID_DIM), dtype=jnp.float32) * (1.0 / np.sqrt(IN_DIM))
    b1 = jnp.zeros((HID_DIM,), dtype=jnp.float32)
    Wmu = jax.random.normal(ks[3], (HID_DIM, Z_DIM), dtype=jnp.float32) * (1.0 / np.sqrt(HID_DIM))
    bmu = jnp.zeros((Z_DIM,), dtype=jnp.float32)
    Wlv = jax.random.normal(ks[4], (HID_DIM, Z_DIM), dtype=jnp.float32) * (1.0 / np.sqrt(HID_DIM))
    blv = jnp.zeros((Z_DIM,), dtype=jnp.float32)
    return {"x": x, "edge_index": edge_index, "W1": W1, "b1": b1,
            "Wmu": Wmu, "bmu": bmu, "Wlv": Wlv, "blv": blv}


def reference(x, edge_index, W1, b1, Wmu, bmu, Wlv, blv):
    # GCNConv (PyG-style): add self-loops, symmetric D^-1/2 (A+I) D^-1/2 normalization
    n = x.shape[0]
    src = edge_index[0]
    dst = edge_index[1]
    loop = jnp.arange(n, dtype=src.dtype)
    src = jnp.concatenate([src, loop])
    dst = jnp.concatenate([dst, loop])
    deg = jax.ops.segment_sum(jnp.ones_like(dst, dtype=jnp.float32), dst, num_segments=n)
    dis = jax.lax.rsqrt(jnp.maximum(deg, 1.0))
    norm = dis[src] * dis[dst]

    def conv(h, W, b):
        h = h @ W
        msg = h[src] * norm[:, None]
        agg = jax.ops.segment_sum(msg, dst, num_segments=n)
        return agg + b

    h = jax.nn.relu(conv(x, W1, b1))
    mu = conv(h, Wmu, bmu)
    logvar = conv(h, Wlv, blv)
    return (mu, logvar)

if __name__ == "__main__":
    import jax
    _d = setup_inputs()
    print(jax.jit(kernel)(*tuple(_d.values())))

</pallas_src>

<mosaic_0001>
#map = affine_map<(d0, d1) -> (0)>
#map1 = affine_map<(d0, d1) -> (0, 0)>
#map2 = affine_map<(d0, d1) -> (0, 0, 0)>
module attributes {stable_mosaic.version = 14 : i64} {
  func.func @k(%arg0: i32, %arg1: i32, %arg2: memref<323584xi32, #tpu.memory_space<hbm>>, %arg3: memref<128x128xf32, #tpu.memory_space<hbm>>, %arg4: memref<128x128xf32, #tpu.memory_space<hbm>>, %arg5: memref<2x10240x128xf32, #tpu.memory_space<hbm>>, %arg6: memref<10240x128xf32, #tpu.memory_space<vmem_shared>>, %arg7: memref<128x128xf32, #tpu.memory_space<vmem>>, %arg8: memref<128x128xf32, #tpu.memory_space<vmem>>, %arg9: memref<128xi32, #tpu.memory_space<vmem>>) attributes {dimension_semantics = [#tpu.dimension_semantics<core_parallel>, #tpu.dimension_semantics<subcore_parallel>], iteration_bounds = array<i64: 2, 16>, scalar_prefetch = 0 : i64, scratch_operands = 4 : i64, tpu.core_type = #tpu.core_type<sc_vector_subcore>, window_params = [{transform_indices = #map}, {transform_indices = #map1}, {transform_indices = #map1}, {transform_indices = #map2}]} {
    %mul3A = arith.constant 16 : i32
    %mul3A_0 = arith.muli %arg0, %mul3A : i32
    %add3A = arith.addi %mul3A_0, %arg1 : i32
    "tpu.region"() ({
      %run_scoped3A = tpu.sem_alloc : memref<!tpu.dma_semaphore, #tpu.memory_space<semaphore_mem>>
      tpu.enqueue_dma source(%arg4 : memref<128x128xf32, #tpu.memory_space<hbm>>) target(%arg8 : memref<128x128xf32, #tpu.memory_space<vmem>>) target_semaphore(%run_scoped3A : memref<!tpu.dma_semaphore, #tpu.memory_space<semaphore_mem>>)
      tpu.wait_dma2 semaphore(%run_scoped3A : memref<!tpu.dma_semaphore, #tpu.memory_space<semaphore_mem>>) src(%arg4 : memref<128x128xf32, #tpu.memory_space<hbm>>) dst(%arg8 : memref<128x128xf32, #tpu.memory_space<vmem>>)
      tpu.yield
    }) : () -> ()
    "tpu.region"() ({
      %run_scoped3A = tpu.sem_alloc : memref<!tpu.dma_semaphore, #tpu.memory_space<semaphore_mem>>
      tpu.enqueue_dma source(%arg3 : memref<128x128xf32, #tpu.memory_space<hbm>>) target(%arg7 : memref<128x128xf32, #tpu.memory_space<vmem>>) target_semaphore(%run_scoped3A : memref<!tpu.dma_semaphore, #tpu.memory_space<semaphore_mem>>)
      tpu.wait_dma2 semaphore(%run_scoped3A : memref<!tpu.dma_semaphore, #tpu.memory_space<semaphore_mem>>) src(%arg3 : memref<128x128xf32, #tpu.memory_space<hbm>>) dst(%arg7 : memref<128x128xf32, #tpu.memory_space<vmem>>)
      tpu.yield
    }) : () -> ()
    %mul3A_1 = arith.constant 640 : i32
    %mul3A_2 = arith.muli %arg1, %mul3A_1 : i32
    %add3A_3 = arith.constant 0 : i32
    %add3A_4 = arith.addi %mul3A_2, %add3A_3 : i32
    "tpu.region"() ({
      %run_scoped3A = tpu.sem_alloc : memref<!tpu.dma_semaphore, #tpu.memory_space<semaphore_mem>>
      %dma_start3A = arith.constant 0 : i32
      %dma_start3A_48 = tpu.memref_slice %arg6[%add3A_4, %dma_start3A] : memref<10240x128xf32, #tpu.memory_space<vmem_shared>> -> memref<128x128xf32, #tpu.memory_space<vmem_shared>>
      %dma_start3A_49 = arith.constant 0 : i32
      %dma_start3A_50 = tpu.memref_slice %arg6[%add3A_4, %dma_start3A_49] : memref<10240x128xf32, #tpu.memory_space<vmem_shared>> -> memref<128x128xf32, #tpu.memory_space<vmem_shared>>
      tpu.enqueue_dma source(%arg8 : memref<128x128xf32, #tpu.memory_space<vmem>>) target(%dma_start3A_50 : memref<128x128xf32, #tpu.memory_space<vmem_shared>>) target_semaphore(%run_scoped3A : memref<!tpu.dma_semaphore, #tpu.memory_space<semaphore_mem>>)
      %dma_wait3A = arith.constant 0 : i32
      %dma_wait3A_51 = tpu.memref_slice %arg6[%add3A_4, %dma_wait3A] : memref<10240x128xf32, #tpu.memory_space<vmem_shared>> -> memref<128x128xf32, #tpu.memory_space<vmem_shared>>
      %dma_wait3A_52 = arith.constant 0 : i32
      %dma_wait3A_53 = tpu.memref_slice %arg6[%add3A_4, %dma_wait3A_52] : memref<10240x128xf32, #tpu.memory_space<vmem_shared>> -> memref<128x128xf32, #tpu.memory_space<vmem_shared>>
      tpu.wait_dma2 semaphore(%run_scoped3A : memref<!tpu.dma_semaphore, #tpu.memory_space<semaphore_mem>>) src(%arg8 : memref<128x128xf32, #tpu.memory_space<vmem>>) dst(%dma_wait3A_53 : memref<128x128xf32, #tpu.memory_space<vmem_shared>>)
      tpu.yield
    }) : () -> ()
    %mul3A_5 = arith.constant 640 : i32
    %mul3A_6 = arith.muli %arg1, %mul3A_5 : i32
    %add3A_7 = arith.constant 128 : i32
    %add3A_8 = arith.addi %mul3A_6, %add3A_7 : i32
    "tpu.region"() ({
      %run_scoped3A = tpu.sem_alloc : memref<!tpu.dma_semaphore, #tpu.memory_space<semaphore_mem>>
      %dma_start3A = arith.constant 0 : i32
      %dma_start3A_48 = tpu.memref_slice %arg6[%add3A_8, %dma_start3A] : memref<10240x128xf32, #tpu.memory_space<vmem_shared>> -> memref<128x128xf32, #tpu.memory_space<vmem_shared>>
      %dma_start3A_49 = arith.constant 0 : i32
      %dma_start3A_50 = tpu.memref_slice %arg6[%add3A_8, %dma_start3A_49] : memref<10240x128xf32, #tpu.memory_space<vmem_shared>> -> memref<128x128xf32, #tpu.memory_space<vmem_shared>>
      tpu.enqueue_dma source(%arg8 : memref<128x128xf32, #tpu.memory_space<vmem>>) target(%dma_start3A_50 : memref<128x128xf32, #tpu.memory_space<vmem_shared>>) target_semaphore(%run_scoped3A : memref<!tpu.dma_semaphore, #tpu.memory_space<semaphore_mem>>)
      %dma_wait3A = arith.constant 0 : i32
      %dma_wait3A_51 = tpu.memref_slice %arg6[%add3A_8, %dma_wait3A] : memref<10240x128xf32, #tpu.memory_space<vmem_shared>> -> memref<128x128xf32, #tpu.memory_space<vmem_shared>>
      %dma_wait3A_52 = arith.constant 0 : i32
      %dma_wait3A_53 = tpu.memref_slice %arg6[%add3A_8, %dma_wait3A_52] : memref<10240x128xf32, #tpu.memory_space<vmem_shared>> -> memref<128x128xf32, #tpu.memory_space<vmem_shared>>
      tpu.wait_dma2 semaphore(%run_scoped3A : memref<!tpu.dma_semaphore, #tpu.memory_space<semaphore_mem>>) src(%arg8 : memref<128x128xf32, #tpu.memory_space<vmem>>) dst(%dma_wait3A_53 : memref<128x128xf32, #tpu.memory_space<vmem_shared>>)
      tpu.yield
    }) : () -> ()
    %mul3A_9 = arith.constant 640 : i32
    %mul3A_10 = arith.muli %arg1, %mul3A_9 : i32
    %add3A_11 = arith.constant 256 : i32
    %add3A_12 = arith.addi %mul3A_10, %add3A_11 : i32
    "tpu.region"() ({
      %run_scoped3A = tpu.sem_alloc : memref<!tpu.dma_semaphore, #tpu.memory_space<semaphore_mem>>
      %dma_start3A = arith.constant 0 : i32
      %dma_start3A_48 = tpu.memref_slice %arg6[%add3A_12, %dma_start3A] : memref<10240x128xf32, #tpu.memory_space<vmem_shared>> -> memref<128x128xf32, #tpu.memory_space<vmem_shared>>
      %dma_start3A_49 = arith.constant 0 : i32
      %dma_start3A_50 = tpu.memref_slice %arg6[%add3A_12, %dma_start3A_49] : memref<10240x128xf32, #tpu.memory_space<vmem_shared>> -> memref<128x128xf32, #tpu.memory_space<vmem_shared>>
      tpu.enqueue_dma source(%arg8 : memref<128x128xf32, #tpu.memory_space<vmem>>) target(%dma_start3A_50 : memref<128x128xf32, #tpu.memory_space<vmem_shared>>) target_semaphore(%run_scoped3A : memref<!tpu.dma_semaphore, #tpu.memory_space<semaphore_mem>>)
      %dma_wait3A = arith.constant 0 : i32
      %dma_wait3A_51 = tpu.memref_slice %arg6[%add3A_12, %dma_wait3A] : memref<10240x128xf32, #tpu.memory_space<vmem_shared>> -> memref<128x128xf32, #tpu.memory_space<vmem_shared>>
      %dma_wait3A_52 = arith.constant 0 : i32
      %dma_wait3A_53 = tpu.memref_slice %arg6[%add3A_12, %dma_wait3A_52] : memref<10240x128xf32, #tpu.memory_space<vmem_shared>> -> memref<128x128xf32, #tpu.memory_space<vmem_shared>>
      tpu.wait_dma2 semaphore(%run_scoped3A : memref<!tpu.dma_semaphore, #tpu.memory_space<semaphore_mem>>) src(%arg8 : memref<128x128xf32, #tpu.memory_space<vmem>>) dst(%dma_wait3A_53 : memref<128x128xf32, #tpu.memory_space<vmem_shared>>)
      tpu.yield
    }) : () -> ()
    %mul3A_13 = arith.constant 640 : i32
    %mul3A_14 = arith.muli %arg1, %mul3A_13 : i32
    %add3A_15 = arith.constant 384 : i32
    %add3A_16 = arith.addi %mul3A_14, %add3A_15 : i32
    "tpu.region"() ({
      %run_scoped3A = tpu.sem_alloc : memref<!tpu.dma_semaphore, #tpu.memory_space<semaphore_mem>>
      %dma_start3A = arith.constant 0 : i32
      %dma_start3A_48 = tpu.memref_slice %arg6[%add3A_16, %dma_start3A] : memref<10240x128xf32, #tpu.memory_space<vmem_shared>> -> memref<128x128xf32, #tpu.memory_space<vmem_shared>>
      %dma_start3A_49 = arith.constant 0 : i32
      %dma_start3A_50 = tpu.memref_slice %arg6[%add3A_16, %dma_start3A_49] : memref<10240x128xf32, #tpu.memory_space<vmem_shared>> -> memref<128x128xf32, #tpu.memory_space<vmem_shared>>
      tpu.enqueue_dma source(%arg8 : memref<128x128xf32, #tpu.memory_space<vmem>>) target(%dma_start3A_50 : memref<128x128xf32, #tpu.memory_space<vmem_shared>>) target_semaphore(%run_scoped3A : memref<!tpu.dma_semaphore, #tpu.memory_space<semaphore_mem>>)
      %dma_wait3A = arith.constant 0 : i32
      %dma_wait3A_51 = tpu.memref_slice %arg6[%add3A_16, %dma_wait3A] : memref<10240x128xf32, #tpu.memory_space<vmem_shared>> -> memref<128x128xf32, #tpu.memory_space<vmem_shared>>
      %dma_wait3A_52 = arith.constant 0 : i32
      %dma_wait3A_53 = tpu.memref_slice %arg6[%add3A_16, %dma_wait3A_52] : memref<10240x128xf32, #tpu.memory_space<vmem_shared>> -> memref<128x128xf32, #tpu.memory_space<vmem_shared>>
      tpu.wait_dma2 semaphore(%run_scoped3A : memref<!tpu.dma_semaphore, #tpu.memory_space<semaphore_mem>>) src(%arg8 : memref<128x128xf32, #tpu.memory_space<vmem>>) dst(%dma_wait3A_53 : memref<128x128xf32, #tpu.memory_space<vmem_shared>>)
      tpu.yield
    }) : () -> ()
    %mul3A_17 = arith.constant 640 : i32
    %mul3A_18 = arith.muli %arg1, %mul3A_17 : i32
    %add3A_19 = arith.constant 512 : i32
    %add3A_20 = arith.addi %mul3A_18, %add3A_19 : i32
    "tpu.region"() ({
      %run_scoped3A = tpu.sem_alloc : memref<!tpu.dma_semaphore, #tpu.memory_space<semaphore_mem>>
      %dma_start3A = arith.constant 0 : i32
      %dma_start3A_48 = tpu.memref_slice %arg6[%add3A_20, %dma_start3A] : memref<10240x128xf32, #tpu.memory_space<vmem_shared>> -> memref<128x128xf32, #tpu.memory_space<vmem_shared>>
      %dma_start3A_49 = arith.constant 0 : i32
      %dma_start3A_50 = tpu.memref_slice %arg6[%add3A_20, %dma_start3A_49] : memref<10240x128xf32, #tpu.memory_space<vmem_shared>> -> memref<128x128xf32, #tpu.memory_space<vmem_shared>>
      tpu.enqueue_dma source(%arg8 : memref<128x128xf32, #tpu.memory_space<vmem>>) target(%dma_start3A_50 : memref<128x128xf32, #tpu.memory_space<vmem_shared>>) target_semaphore(%run_scoped3A : memref<!tpu.dma_semaphore, #tpu.memory_space<semaphore_mem>>)
      %dma_wait3A = arith.constant 0 : i32
      %dma_wait3A_51 = tpu.memref_slice %arg6[%add3A_20, %dma_wait3A] : memref<10240x128xf32, #tpu.memory_space<vmem_shared>> -> memref<128x128xf32, #tpu.memory_space<vmem_shared>>
      %dma_wait3A_52 = arith.constant 0 : i32
      %dma_wait3A_53 = tpu.memref_slice %arg6[%add3A_20, %dma_wait3A_52] : memref<10240x128xf32, #tpu.memory_space<vmem_shared>> -> memref<128x128xf32, #tpu.memory_space<vmem_shared>>
      tpu.wait_dma2 semaphore(%run_scoped3A : memref<!tpu.dma_semaphore, #tpu.memory_space<semaphore_mem>>) src(%arg8 : memref<128x128xf32, #tpu.memory_space<vmem>>) dst(%dma_wait3A_53 : memref<128x128xf32, #tpu.memory_space<vmem_shared>>)
      tpu.yield
    }) : () -> ()
    %barrier3A = arith.constant 0 : index
    tpu.barrier barrier_id(%barrier3A)
    %scan3A = arith.constant 0 : i32
    %scan3A_21 = arith.constant 0 : i32
    %scan3A_22 = arith.constant 79 : i32
    %scan3A_23 = arith.addi %scan3A_21, %scan3A_22 : i32
    %scan3A_24 = arith.constant 1 : i32
    %scan3A_25 = scf.for %scan3A_48 = %scan3A_21 to %scan3A_23 step %scan3A_24 iter_args(%scan3A_49 = %scan3A) -> (i32)  : i32 {
      %mul3A_50 = arith.constant 10112 : i32
      %mul3A_51 = arith.muli %add3A, %mul3A_50 : i32
      %mul3A_52 = arith.constant 128 : i32
      %mul3A_53 = arith.muli %scan3A_48, %mul3A_52 : i32
      %add3A_54 = arith.addi %mul3A_51, %mul3A_53 : i32
      "tpu.region"() ({
        %run_scoped3A = tpu.sem_alloc : memref<!tpu.dma_semaphore, #tpu.memory_space<semaphore_mem>>
        %dma_start3A = tpu.memref_slice %arg2[%add3A_54] : memref<323584xi32, #tpu.memory_space<hbm>> -> memref<128xi32, #tpu.memory_space<hbm>>
        %dma_start3A_56 = tpu.memref_slice %arg2[%add3A_54] : memref<323584xi32, #tpu.memory_space<hbm>> -> memref<128xi32, #tpu.memory_space<hbm>>
        tpu.enqueue_dma source(%dma_start3A_56 : memref<128xi32, #tpu.memory_space<hbm>>) target(%arg9 : memref<128xi32, #tpu.memory_space<vmem>>) target_semaphore(%run_scoped3A : memref<!tpu.dma_semaphore, #tpu.memory_space<semaphore_mem>>)
        %dma_wait3A = tpu.memref_slice %arg2[%add3A_54] : memref<323584xi32, #tpu.memory_space<hbm>> -> memref<128xi32, #tpu.memory_space<hbm>>
        %dma_wait3A_57 = tpu.memref_slice %arg2[%add3A_54] : memref<323584xi32, #tpu.memory_space<hbm>> -> memref<128xi32, #tpu.memory_space<hbm>>
        tpu.wait_dma2 semaphore(%run_scoped3A : memref<!tpu.dma_semaphore, #tpu.memory_space<semaphore_mem>>) src(%dma_wait3A_57 : memref<128xi32, #tpu.memory_space<hbm>>) dst(%arg9 : memref<128xi32, #tpu.memory_space<vmem>>)
        tpu.yield
      }) : () -> ()
      "tpu.region"() ({
        %run_scoped3A = tpu.sem_alloc : memref<!tpu.dma_semaphore, #tpu.memory_space<semaphore_mem>>
        %dma_start3A = arith.constant 0 : i32
        %dma_start3A_56 = arith.constant 0 : i32
        %dma_start3A_57 = tpu.memref_slice %arg6[%dma_start3A, %dma_start3A_56] : memref<10240x128xf32, #tpu.memory_space<vmem_shared>> -> memref<10240x128xf32, #tpu.memory_space<vmem_shared>>
        tpu.enqueue_indirect_dma source(%arg7 : memref<128x128xf32, #tpu.memory_space<vmem>>) target(%dma_start3A_57 : memref<10240x128xf32, #tpu.memory_space<vmem_shared>>) offsets(%arg9 : memref<128xi32, #tpu.memory_space<vmem>>) semaphore(%run_scoped3A : memref<!tpu.dma_semaphore, #tpu.memory_space<semaphore_mem>>) {add = true}
        %dma_wait3A = arith.constant 0 : i32
        %dma_wait3A_58 = arith.constant 0 : i32
        %dma_wait3A_59 = tpu.memref_slice %arg6[%dma_wait3A, %dma_wait3A_58] : memref<10240x128xf32, #tpu.memory_space<vmem_shared>> -> memref<10240x128xf32, #tpu.memory_space<vmem_shared>>
        tpu.wait_indirect_dma semaphore(%run_scoped3A : memref<!tpu.dma_semaphore, #tpu.memory_space<semaphore_mem>>) src(%arg7 : memref<128x128xf32, #tpu.memory_space<vmem>>) dst(%dma_wait3A_59 : memref<10240x128xf32, #tpu.memory_space<vmem_shared>>)
        tpu.yield
      }) : () -> ()
      %scan3A_55 = arith.constant 0 : i32
      scf.yield %scan3A_55 : i32
    }
    %scan3A_26 = arith.constant 79 : i32
    %barrier3A_27 = arith.constant 0 : index
    tpu.barrier barrier_id(%barrier3A_27)
    %mul3A_28 = arith.constant 640 : i32
    %mul3A_29 = arith.muli %arg1, %mul3A_28 : i32
    %add3A_30 = arith.constant 0 : i32
    %add3A_31 = arith.addi %mul3A_29, %add3A_30 : i32
    "tpu.region"() ({
      %run_scoped3A = tpu.sem_alloc : memref<!tpu.dma_semaphore, #tpu.memory_space<semaphore_mem>>
      %dma_start3A = arith.constant 0 : i32
      %dma_start3A_48 = tpu.memref_slice %arg6[%add3A_31, %dma_start3A] : memref<10240x128xf32, #tpu.memory_space<vmem_shared>> -> memref<128x128xf32, #tpu.memory_space<vmem_shared>>
      %dma_start3A_49 = arith.constant 0 : i32
      %dma_start3A_50 = tpu.memref_slice %arg6[%add3A_31, %dma_start3A_49] : memref<10240x128xf32, #tpu.memory_space<vmem_shared>> -> memref<128x128xf32, #tpu.memory_space<vmem_shared>>
      tpu.enqueue_dma source(%dma_start3A_50 : memref<128x128xf32, #tpu.memory_space<vmem_shared>>) target(%arg8 : memref<128x128xf32, #tpu.memory_space<vmem>>) target_semaphore(%run_scoped3A : memref<!tpu.dma_semaphore, #tpu.memory_space<semaphore_mem>>)
      %dma_wait3A = arith.constant 0 : i32
      %dma_wait3A_51 = tpu.memref_slice %arg6[%add3A_31, %dma_wait3A] : memref<10240x128xf32, #tpu.memory_space<vmem_shared>> -> memref<128x128xf32, #tpu.memory_space<vmem_shared>>
      %dma_wait3A_52 = arith.constant 0 : i32
      %dma_wait3A_53 = tpu.memref_slice %arg6[%add3A_31, %dma_wait3A_52] : memref<10240x128xf32, #tpu.memory_space<vmem_shared>> -> memref<128x128xf32, #tpu.memory_space<vmem_shared>>
      tpu.wait_dma2 semaphore(%run_scoped3A : memref<!tpu.dma_semaphore, #tpu.memory_space<semaphore_mem>>) src(%dma_wait3A_53 : memref<128x128xf32, #tpu.memory_space<vmem_shared>>) dst(%arg8 : memref<128x128xf32, #tpu.memory_space<vmem>>)
      tpu.yield
    }) : () -> ()
    "tpu.region"() ({
      %run_scoped3A = tpu.sem_alloc : memref<!tpu.dma_semaphore, #tpu.memory_space<semaphore_mem>>
      %dma_start3A = arith.constant 0 : i32
      %dma_start3A_48 = tpu.memref_slice %arg5[%arg0, %add3A_31, %dma_start3A] : memref<2x10240x128xf32, #tpu.memory_space<hbm>> -> memref<1x128x128xf32, #tpu.memory_space<hbm>>
      %dma_start3A_49 = tpu.memref_squeeze %dma_start3A_48 : memref<1x128x128xf32, #tpu.memory_space<hbm>> -> memref<128x128xf32, #tpu.memory_space<hbm>>
      %dma_start3A_50 = arith.constant 0 : i32
      %dma_start3A_51 = tpu.memref_slice %arg5[%arg0, %add3A_31, %dma_start3A_50] : memref<2x10240x128xf32, #tpu.memory_space<hbm>> -> memref<1x128x128xf32, #tpu.memory_space<hbm>>
      %dma_start3A_52 = tpu.memref_squeeze %dma_start3A_51 : memref<1x128x128xf32, #tpu.memory_space<hbm>> -> memref<128x128xf32, #tpu.memory_space<hbm>>
      tpu.enqueue_dma source(%arg8 : memref<128x128xf32, #tpu.memory_space<vmem>>) target(%dma_start3A_52 : memref<128x128xf32, #tpu.memory_space<hbm>>) target_semaphore(%run_scoped3A : memref<!tpu.dma_semaphore, #tpu.memory_space<semaphore_mem>>)
      %dma_wait3A = arith.constant 0 : i32
      %dma_wait3A_53 = tpu.memref_slice %arg5[%arg0, %add3A_31, %dma_wait3A] : memref<2x10240x128xf32, #tpu.memory_space<hbm>> -> memref<1x128x128xf32, #tpu.memory_space<hbm>>
      %dma_wait3A_54 = tpu.memref_squeeze %dma_wait3A_53 : memref<1x128x128xf32, #tpu.memory_space<hbm>> -> memref<128x128xf32, #tpu.memory_space<hbm>>
      %dma_wait3A_55 = arith.constant 0 : i32
      %dma_wait3A_56 = tpu.memref_slice %arg5[%arg0, %add3A_31, %dma_wait3A_55] : memref<2x10240x128xf32, #tpu.memory_space<hbm>> -> memref<1x128x128xf32, #tpu.memory_space<hbm>>
      %dma_wait3A_57 = tpu.memref_squeeze %dma_wait3A_56 : memref<1x128x128xf32, #tpu.memory_space<hbm>> -> memref<128x128xf32, #tpu.memory_space<hbm>>
      tpu.wait_dma2 semaphore(%run_scoped3A : memref<!tpu.dma_semaphore, #tpu.memory_space<semaphore_mem>>) src(%arg8 : memref<128x128xf32, #tpu.memory_space<vmem>>) dst(%dma_wait3A_57 : memref<128x128xf32, #tpu.memory_space<hbm>>)
      tpu.yield
    }) : () -> ()
    %mul3A_32 = arith.constant 640 : i32
    %mul3A_33 = arith.muli %arg1, %mul3A_32 : i32
    %add3A_34 = arith.constant 128 : i32
    %add3A_35 = arith.addi %mul3A_33, %add3A_34 : i32
    "tpu.region"() ({
      %run_scoped3A = tpu.sem_alloc : memref<!tpu.dma_semaphore, #tpu.memory_space<semaphore_mem>>
      %dma_start3A = arith.constant 0 : i32
      %dma_start3A_48 = tpu.memref_slice %arg6[%add3A_35, %dma_start3A] : memref<10240x128xf32, #tpu.memory_space<vmem_shared>> -> memref<128x128xf32, #tpu.memory_space<vmem_shared>>
      %dma_start3A_49 = arith.constant 0 : i32
      %dma_start3A_50 = tpu.memref_slice %arg6[%add3A_35, %dma_start3A_49] : memref<10240x128xf32, #tpu.memory_space<vmem_shared>> -> memref<128x128xf32, #tpu.memory_space<vmem_shared>>
      tpu.enqueue_dma source(%dma_start3A_50 : memref<128x128xf32, #tpu.memory_space<vmem_shared>>) target(%arg8 : memref<128x128xf32, #tpu.memory_space<vmem>>) target_semaphore(%run_scoped3A : memref<!tpu.dma_semaphore, #tpu.memory_space<semaphore_mem>>)
      %dma_wait3A = arith.constant 0 : i32
      %dma_wait3A_51 = tpu.memref_slice %arg6[%add3A_35, %dma_wait3A] : memref<10240x128xf32, #tpu.memory_space<vmem_shared>> -> memref<128x128xf32, #tpu.memory_space<vmem_shared>>
      %dma_wait3A_52 = arith.constant 0 : i32
      %dma_wait3A_53 = tpu.memref_slice %arg6[%add3A_35, %dma_wait3A_52] : memref<10240x128xf32, #tpu.memory_space<vmem_shared>> -> memref<128x128xf32, #tpu.memory_space<vmem_shared>>
      tpu.wait_dma2 semaphore(%run_scoped3A : memref<!tpu.dma_semaphore, #tpu.memory_space<semaphore_mem>>) src(%dma_wait3A_53 : memref<128x128xf32, #tpu.memory_space<vmem_shared>>) dst(%arg8 : memref<128x128xf32, #tpu.memory_space<vmem>>)
      tpu.yield
    }) : () -> ()
    "tpu.region"() ({
      %run_scoped3A = tpu.sem_alloc : memref<!tpu.dma_semaphore, #tpu.memory_space<semaphore_mem>>
      %dma_start3A = arith.constant 0 : i32
      %dma_start3A_48 = tpu.memref_slice %arg5[%arg0, %add3A_35, %dma_start3A] : memref<2x10240x128xf32, #tpu.memory_space<hbm>> -> memref<1x128x128xf32, #tpu.memory_space<hbm>>
      %dma_start3A_49 = tpu.memref_squeeze %dma_start3A_48 : memref<1x128x128xf32, #tpu.memory_space<hbm>> -> memref<128x128xf32, #tpu.memory_space<hbm>>
      %dma_start3A_50 = arith.constant 0 : i32
      %dma_start3A_51 = tpu.memref_slice %arg5[%arg0, %add3A_35, %dma_start3A_50] : memref<2x10240x128xf32, #tpu.memory_space<hbm>> -> memref<1x128x128xf32, #tpu.memory_space<hbm>>
      %dma_start3A_52 = tpu.memref_squeeze %dma_start3A_51 : memref<1x128x128xf32, #tpu.memory_space<hbm>> -> memref<128x128xf32, #tpu.memory_space<hbm>>
      tpu.enqueue_dma source(%arg8 : memref<128x128xf32, #tpu.memory_space<vmem>>) target(%dma_start3A_52 : memref<128x128xf32, #tpu.memory_space<hbm>>) target_semaphore(%run_scoped3A : memref<!tpu.dma_semaphore, #tpu.memory_space<semaphore_mem>>)
      %dma_wait3A = arith.constant 0 : i32
      %dma_wait3A_53 = tpu.memref_slice %arg5[%arg0, %add3A_35, %dma_wait3A] : memref<2x10240x128xf32, #tpu.memory_space<hbm>> -> memref<1x128x128xf32, #tpu.memory_space<hbm>>
      %dma_wait3A_54 = tpu.memref_squeeze %dma_wait3A_53 : memref<1x128x128xf32, #tpu.memory_space<hbm>> -> memref<128x128xf32, #tpu.memory_space<hbm>>
      %dma_wait3A_55 = arith.constant 0 : i32
      %dma_wait3A_56 = tpu.memref_slice %arg5[%arg0, %add3A_35, %dma_wait3A_55] : memref<2x10240x128xf32, #tpu.memory_space<hbm>> -> memref<1x128x128xf32, #tpu.memory_space<hbm>>
      %dma_wait3A_57 = tpu.memref_squeeze %dma_wait3A_56 : memref<1x128x128xf32, #tpu.memory_space<hbm>> -> memref<128x128xf32, #tpu.memory_space<hbm>>
      tpu.wait_dma2 semaphore(%run_scoped3A : memref<!tpu.dma_semaphore, #tpu.memory_space<semaphore_mem>>) src(%arg8 : memref<128x128xf32, #tpu.memory_space<vmem>>) dst(%dma_wait3A_57 : memref<128x128xf32, #tpu.memory_space<hbm>>)
      tpu.yield
    }) : () -> ()
    %mul3A_36 = arith.constant 640 : i32
    %mul3A_37 = arith.muli %arg1, %mul3A_36 : i32
    %add3A_38 = arith.constant 256 : i32
    %add3A_39 = arith.addi %mul3A_37, %add3A_38 : i32
    "tpu.region"() ({
      %run_scoped3A = tpu.sem_alloc : memref<!tpu.dma_semaphore, #tpu.memory_space<semaphore_mem>>
      %dma_start3A = arith.constant 0 : i32
      %dma_start3A_48 = tpu.memref_slice %arg6[%add3A_39, %dma_start3A] : memref<10240x128xf32, #tpu.memory_space<vmem_shared>> -> memref<128x128xf32, #tpu.memory_space<vmem_shared>>
      %dma_start3A_49 = arith.constant 0 : i32
      %dma_start3A_50 = tpu.memref_slice %arg6[%add3A_39, %dma_start3A_49] : memref<10240x128xf32, #tpu.memory_space<vmem_shared>> -> memref<128x128xf32, #tpu.memory_space<vmem_shared>>
      tpu.enqueue_dma source(%dma_start3A_50 : memref<128x128xf32, #tpu.memory_space<vmem_shared>>) target(%arg8 : memref<128x128xf32, #tpu.memory_space<vmem>>) target_semaphore(%run_scoped3A : memref<!tpu.dma_semaphore, #tpu.memory_space<semaphore_mem>>)
      %dma_wait3A = arith.constant 0 : i32
      %dma_wait3A_51 = tpu.memref_slice %arg6[%add3A_39, %dma_wait3A] : memref<10240x128xf32, #tpu.memory_space<vmem_shared>> -> memref<128x128xf32, #tpu.memory_space<vmem_shared>>
      %dma_wait3A_52 = arith.constant 0 : i32
      %dma_wait3A_53 = tpu.memref_slice %arg6[%add3A_39, %dma_wait3A_52] : memref<10240x128xf32, #tpu.memory_space<vmem_shared>> -> memref<128x128xf32, #tpu.memory_space<vmem_shared>>
      tpu.wait_dma2 semaphore(%run_scoped3A : memref<!tpu.dma_semaphore, #tpu.memory_space<semaphore_mem>>) src(%dma_wait3A_53 : memref<128x128xf32, #tpu.memory_space<vmem_shared>>) dst(%arg8 : memref<128x128xf32, #tpu.memory_space<vmem>>)
      tpu.yield
    }) : () -> ()
    "tpu.region"() ({
      %run_scoped3A = tpu.sem_alloc : memref<!tpu.dma_semaphore, #tpu.memory_space<semaphore_mem>>
      %dma_start3A = arith.constant 0 : i32
      %dma_start3A_48 = tpu.memref_slice %arg5[%arg0, %add3A_39, %dma_start3A] : memref<2x10240x128xf32, #tpu.memory_space<hbm>> -> memref<1x128x128xf32, #tpu.memory_space<hbm>>
      %dma_start3A_49 = tpu.memref_squeeze %dma_start3A_48 : memref<1x128x128xf32, #tpu.memory_space<hbm>> -> memref<128x128xf32, #tpu.memory_space<hbm>>
      %dma_start3A_50 = arith.constant 0 : i32
      %dma_start3A_51 = tpu.memref_slice %arg5[%arg0, %add3A_39, %dma_start3A_50] : memref<2x10240x128xf32, #tpu.memory_space<hbm>> -> memref<1x128x128xf32, #tpu.memory_space<hbm>>
      %dma_start3A_52 = tpu.memref_squeeze %dma_start3A_51 : memref<1x128x128xf32, #tpu.memory_space<hbm>> -> memref<128x128xf32, #tpu.memory_space<hbm>>
      tpu.enqueue_dma source(%arg8 : memref<128x128xf32, #tpu.memory_space<vmem>>) target(%dma_start3A_52 : memref<128x128xf32, #tpu.memory_space<hbm>>) target_semaphore(%run_scoped3A : memref<!tpu.dma_semaphore, #tpu.memory_space<semaphore_mem>>)
      %dma_wait3A = arith.constant 0 : i32
      %dma_wait3A_53 = tpu.memref_slice %arg5[%arg0, %add3A_39, %dma_wait3A] : memref<2x10240x128xf32, #tpu.memory_space<hbm>> -> memref<1x128x128xf32, #tpu.memory_space<hbm>>
      %dma_wait3A_54 = tpu.memref_squeeze %dma_wait3A_53 : memref<1x128x128xf32, #tpu.memory_space<hbm>> -> memref<128x128xf32, #tpu.memory_space<hbm>>
      %dma_wait3A_55 = arith.constant 0 : i32
      %dma_wait3A_56 = tpu.memref_slice %arg5[%arg0, %add3A_39, %dma_wait3A_55] : memref<2x10240x128xf32, #tpu.memory_space<hbm>> -> memref<1x128x128xf32, #tpu.memory_space<hbm>>
      %dma_wait3A_57 = tpu.memref_squeeze %dma_wait3A_56 : memref<1x128x128xf32, #tpu.memory_space<hbm>> -> memref<128x128xf32, #tpu.memory_space<hbm>>
      tpu.wait_dma2 semaphore(%run_scoped3A : memref<!tpu.dma_semaphore, #tpu.memory_space<semaphore_mem>>) src(%arg8 : memref<128x128xf32, #tpu.memory_space<vmem>>) dst(%dma_wait3A_57 : memref<128x128xf32, #tpu.memory_space<hbm>>)
      tpu.yield
    }) : () -> ()
    %mul3A_40 = arith.constant 640 : i32
    %mul3A_41 = arith.muli %arg1, %mul3A_40 : i32
    %add3A_42 = arith.constant 384 : i32
    %add3A_43 = arith.addi %mul3A_41, %add3A_42 : i32
    "tpu.region"() ({
      %run_scoped3A = tpu.sem_alloc : memref<!tpu.dma_semaphore, #tpu.memory_space<semaphore_mem>>
      %dma_start3A = arith.constant 0 : i32
      %dma_start3A_48 = tpu.memref_slice %arg6[%add3A_43, %dma_start3A] : memref<10240x128xf32, #tpu.memory_space<vmem_shared>> -> memref<128x128xf32, #tpu.memory_space<vmem_shared>>
      %dma_start3A_49 = arith.constant 0 : i32
      %dma_start3A_50 = tpu.memref_slice %arg6[%add3A_43, %dma_start3A_49] : memref<10240x128xf32, #tpu.memory_space<vmem_shared>> -> memref<128x128xf32, #tpu.memory_space<vmem_shared>>
      tpu.enqueue_dma source(%dma_start3A_50 : memref<128x128xf32, #tpu.memory_space<vmem_shared>>) target(%arg8 : memref<128x128xf32, #tpu.memory_space<vmem>>) target_semaphore(%run_scoped3A : memref<!tpu.dma_semaphore, #tpu.memory_space<semaphore_mem>>)
      %dma_wait3A = arith.constant 0 : i32
      %dma_wait3A_51 = tpu.memref_slice %arg6[%add3A_43, %dma_wait3A] : memref<10240x128xf32, #tpu.memory_space<vmem_shared>> -> memref<128x128xf32, #tpu.memory_space<vmem_shared>>
      %dma_wait3A_52 = arith.constant 0 : i32
      %dma_wait3A_53 = tpu.memref_slice %arg6[%add3A_43, %dma_wait3A_52] : memref<10240x128xf32, #tpu.memory_space<vmem_shared>> -> memref<128x128xf32, #tpu.memory_space<vmem_shared>>
      tpu.wait_dma2 semaphore(%run_scoped3A : memref<!tpu.dma_semaphore, #tpu.memory_space<semaphore_mem>>) src(%dma_wait3A_53 : memref<128x128xf32, #tpu.memory_space<vmem_shared>>) dst(%arg8 : memref<128x128xf32, #tpu.memory_space<vmem>>)
      tpu.yield
    }) : () -> ()
    "tpu.region"() ({
      %run_scoped3A = tpu.sem_alloc : memref<!tpu.dma_semaphore, #tpu.memory_space<semaphore_mem>>
      %dma_start3A = arith.constant 0 : i32
      %dma_start3A_48 = tpu.memref_slice %arg5[%arg0, %add3A_43, %dma_start3A] : memref<2x10240x128xf32, #tpu.memory_space<hbm>> -> memref<1x128x128xf32, #tpu.memory_space<hbm>>
      %dma_start3A_49 = tpu.memref_squeeze %dma_start3A_48 : memref<1x128x128xf32, #tpu.memory_space<hbm>> -> memref<128x128xf32, #tpu.memory_space<hbm>>
      %dma_start3A_50 = arith.constant 0 : i32
      %dma_start3A_51 = tpu.memref_slice %arg5[%arg0, %add3A_43, %dma_start3A_50] : memref<2x10240x128xf32, #tpu.memory_space<hbm>> -> memref<1x128x128xf32, #tpu.memory_space<hbm>>
      %dma_start3A_52 = tpu.memref_squeeze %dma_start3A_51 : memref<1x128x128xf32, #tpu.memory_space<hbm>> -> memref<128x128xf32, #tpu.memory_space<hbm>>
      tpu.enqueue_dma source(%arg8 : memref<128x128xf32, #tpu.memory_space<vmem>>) target(%dma_start3A_52 : memref<128x128xf32, #tpu.memory_space<hbm>>) target_semaphore(%run_scoped3A : memref<!tpu.dma_semaphore, #tpu.memory_space<semaphore_mem>>)
      %dma_wait3A = arith.constant 0 : i32
      %dma_wait3A_53 = tpu.memref_slice %arg5[%arg0, %add3A_43, %dma_wait3A] : memref<2x10240x128xf32, #tpu.memory_space<hbm>> -> memref<1x128x128xf32, #tpu.memory_space<hbm>>
      %dma_wait3A_54 = tpu.memref_squeeze %dma_wait3A_53 : memref<1x128x128xf32, #tpu.memory_space<hbm>> -> memref<128x128xf32, #tpu.memory_space<hbm>>
      %dma_wait3A_55 = arith.constant 0 : i32
      %dma_wait3A_56 = tpu.memref_slice %arg5[%arg0, %add3A_43, %dma_wait3A_55] : memref<2x10240x128xf32, #tpu.memory_space<hbm>> -> memref<1x128x128xf32, #tpu.memory_space<hbm>>
      %dma_wait3A_57 = tpu.memref_squeeze %dma_wait3A_56 : memref<1x128x128xf32, #tpu.memory_space<hbm>> -> memref<128x128xf32, #tpu.memory_space<hbm>>
      tpu.wait_dma2 semaphore(%run_scoped3A : memref<!tpu.dma_semaphore, #tpu.memory_space<semaphore_mem>>) src(%arg8 : memref<128x128xf32, #tpu.memory_space<vmem>>) dst(%dma_wait3A_57 : memref<128x128xf32, #tpu.memory_space<hbm>>)
      tpu.yield
    }) : () -> ()
    %mul3A_44 = arith.constant 640 : i32
    %mul3A_45 = arith.muli %arg1, %mul3A_44 : i32
    %add3A_46 = arith.constant 512 : i32
    %add3A_47 = arith.addi %mul3A_45, %add3A_46 : i32
    "tpu.region"() ({
      %run_scoped3A = tpu.sem_alloc : memref<!tpu.dma_semaphore, #tpu.memory_space<semaphore_mem>>
      %dma_start3A = arith.constant 0 : i32
      %dma_start3A_48 = tpu.memref_slice %arg6[%add3A_47, %dma_start3A] : memref<10240x128xf32, #tpu.memory_space<vmem_shared>> -> memref<128x128xf32, #tpu.memory_space<vmem_shared>>
      %dma_start3A_49 = arith.constant 0 : i32
      %dma_start3A_50 = tpu.memref_slice %arg6[%add3A_47, %dma_start3A_49] : memref<10240x128xf32, #tpu.memory_space<vmem_shared>> -> memref<128x128xf32, #tpu.memory_space<vmem_shared>>
      tpu.enqueue_dma source(%dma_start3A_50 : memref<128x128xf32, #tpu.memory_space<vmem_shared>>) target(%arg8 : memref<128x128xf32, #tpu.memory_space<vmem>>) target_semaphore(%run_scoped3A : memref<!tpu.dma_semaphore, #tpu.memory_space<semaphore_mem>>)
      %dma_wait3A = arith.constant 0 : i32
      %dma_wait3A_51 = tpu.memref_slice %arg6[%add3A_47, %dma_wait3A] : memref<10240x128xf32, #tpu.memory_space<vmem_shared>> -> memref<128x128xf32, #tpu.memory_space<vmem_shared>>
      %dma_wait3A_52 = arith.constant 0 : i32
      %dma_wait3A_53 = tpu.memref_slice %arg6[%add3A_47, %dma_wait3A_52] : memref<10240x128xf32, #tpu.memory_space<vmem_shared>> -> memref<128x128xf32, #tpu.memory_space<vmem_shared>>
      tpu.wait_dma2 semaphore(%run_scoped3A : memref<!tpu.dma_semaphore, #tpu.memory_space<semaphore_mem>>) src(%dma_wait3A_53 : memref<128x128xf32, #tpu.memory_space<vmem_shared>>) dst(%arg8 : memref<128x128xf32, #tpu.memory_space<vmem>>)
      tpu.yield
    }) : () -> ()
    "tpu.region"() ({
      %run_scoped3A = tpu.sem_alloc : memref<!tpu.dma_semaphore, #tpu.memory_space<semaphore_mem>>
      %dma_start3A = arith.constant 0 : i32
      %dma_start3A_48 = tpu.memref_slice %arg5[%arg0, %add3A_47, %dma_start3A] : memref<2x10240x128xf32, #tpu.memory_space<hbm>> -> memref<1x128x128xf32, #tpu.memory_space<hbm>>
      %dma_start3A_49 = tpu.memref_squeeze %dma_start3A_48 : memref<1x128x128xf32, #tpu.memory_space<hbm>> -> memref<128x128xf32, #tpu.memory_space<hbm>>
      %dma_start3A_50 = arith.constant 0 : i32
      %dma_start3A_51 = tpu.memref_slice %arg5[%arg0, %add3A_47, %dma_start3A_50] : memref<2x10240x128xf32, #tpu.memory_space<hbm>> -> memref<1x128x128xf32, #tpu.memory_space<hbm>>
      %dma_start3A_52 = tpu.memref_squeeze %dma_start3A_51 : memref<1x128x128xf32, #tpu.memory_space<hbm>> -> memref<128x128xf32, #tpu.memory_space<hbm>>
      tpu.enqueue_dma source(%arg8 : memref<128x128xf32, #tpu.memory_space<vmem>>) target(%dma_start3A_52 : memref<128x128xf32, #tpu.memory_space<hbm>>) target_semaphore(%run_scoped3A : memref<!tpu.dma_semaphore, #tpu.memory_space<semaphore_mem>>)
      %dma_wait3A = arith.constant 0 : i32
      %dma_wait3A_53 = tpu.memref_slice %arg5[%arg0, %add3A_47, %dma_wait3A] : memref<2x10240x128xf32, #tpu.memory_space<hbm>> -> memref<1x128x128xf32, #tpu.memory_space<hbm>>
      %dma_wait3A_54 = tpu.memref_squeeze %dma_wait3A_53 : memref<1x128x128xf32, #tpu.memory_space<hbm>> -> memref<128x128xf32, #tpu.memory_space<hbm>>
      %dma_wait3A_55 = arith.constant 0 : i32
      %dma_wait3A_56 = tpu.memref_slice %arg5[%arg0, %add3A_47, %dma_wait3A_55] : memref<2x10240x128xf32, #tpu.memory_space<hbm>> -> memref<1x128x128xf32, #tpu.memory_space<hbm>>
      %dma_wait3A_57 = tpu.memref_squeeze %dma_wait3A_56 : memref<1x128x128xf32, #tpu.memory_space<hbm>> -> memref<128x128xf32, #tpu.memory_space<hbm>>
      tpu.wait_dma2 semaphore(%run_scoped3A : memref<!tpu.dma_semaphore, #tpu.memory_space<semaphore_mem>>) src(%arg8 : memref<128x128xf32, #tpu.memory_space<vmem>>) dst(%dma_wait3A_57 : memref<128x128xf32, #tpu.memory_space<hbm>>)
      tpu.yield
    }) : () -> ()
    return
  }
}

#map = affine_map<(d0, d1) -> (0, 0)>
#map1 = affine_map<(d0, d1) -> (0)>
#map2 = affine_map<(d0, d1) -> (0, 0, 0)>
module attributes {stable_mosaic.version = 14 : i64} {
  func.func @k(%arg0: i32, %arg1: i32, %arg2: memref<10240x128xf32, #tpu.memory_space<hbm>>, %arg3: memref<323584xi32, #tpu.memory_space<hbm>>, %arg4: memref<323584xi32, #tpu.memory_space<hbm>>, %arg5: memref<128x128xf32, #tpu.memory_space<hbm>>, %arg6: memref<2x10240x128xf32, #tpu.memory_space<hbm>>, %arg7: memref<10240x128xf32, #tpu.memory_space<vmem_shared>>, %arg8: memref<128x128xf32, #tpu.memory_space<vmem>>, %arg9: memref<128xi32, #tpu.memory_space<vmem>>, %arg10: memref<128xi32, #tpu.memory_space<vmem>>, %arg11: memref<!tpu.dma_semaphore, #tpu.memory_space<semaphore_mem>>) attributes {dimension_semantics = [#tpu.dimension_semantics<core_parallel>, #tpu.dimension_semantics<subcore_parallel>], iteration_bounds = array<i64: 2, 16>, scalar_prefetch = 0 : i64, scratch_operands = 5 : i64, tpu.core_type = #tpu.core_type<sc_vector_subcore>, window_params = [{transform_indices = #map}, {transform_indices = #map1}, {transform_indices = #map1}, {transform_indices = #map}, {transform_indices = #map2}]} {
    "tpu.region"() ({
      %run_scoped3A = tpu.sem_alloc : memref<!tpu.dma_semaphore, #tpu.memory_space<semaphore_mem>>
      tpu.enqueue_dma source(%arg5 : memref<128x128xf32, #tpu.memory_space<hbm>>) target(%arg8 : memref<128x128xf32, #tpu.memory_space<vmem>>) target_semaphore(%run_scoped3A : memref<!tpu.dma_semaphore, #tpu.memory_space<semaphore_mem>>)
      tpu.wait_dma2 semaphore(%run_scoped3A : memref<!tpu.dma_semaphore, #tpu.memory_space<semaphore_mem>>) src(%arg5 : memref<128x128xf32, #tpu.memory_space<hbm>>) dst(%arg8 : memref<128x128xf32, #tpu.memory_space<vmem>>)
      tpu.yield
    }) : () -> ()
    %mul3A = arith.constant 640 : i32
    %mul3A_0 = arith.muli %arg1, %mul3A : i32
    %add3A = arith.constant 0 : i32
    %add3A_1 = arith.addi %mul3A_0, %add3A : i32
    "tpu.region"() ({
      %run_scoped3A = tpu.sem_alloc : memref<!tpu.dma_semaphore, #tpu.memory_space<semaphore_mem>>
      %dma_start3A = arith.constant 0 : i32
      %dma_start3A_61 = tpu.memref_slice %arg7[%add3A_1, %dma_start3A] : memref<10240x128xf32, #tpu.memory_space<vmem_shared>> -> memref<128x128xf32, #tpu.memory_space<vmem_shared>>
      %dma_start3A_62 = arith.constant 0 : i32
      %dma_start3A_63 = tpu.memref_slice %arg7[%add3A_1, %dma_start3A_62] : memref<10240x128xf32, #tpu.memory_space<vmem_shared>> -> memref<128x128xf32, #tpu.memory_space<vmem_shared>>
      tpu.enqueue_dma source(%arg8 : memref<128x128xf32, #tpu.memory_space<vmem>>) target(%dma_start3A_63 : memref<128x128xf32, #tpu.memory_space<vmem_shared>>) target_semaphore(%run_scoped3A : memref<!tpu.dma_semaphore, #tpu.memory_space<semaphore_mem>>)
      %dma_wait3A = arith.constant 0 : i32
      %dma_wait3A_64 = tpu.memref_slice %arg7[%add3A_1, %dma_wait3A] : memref<10240x128xf32, #tpu.memory_space<vmem_shared>> -> memref<128x128xf32, #tpu.memory_space<vmem_shared>>
      %dma_wait3A_65 = arith.constant 0 : i32
      %dma_wait3A_66 = tpu.memref_slice %arg7[%add3A_1, %dma_wait3A_65] : memref<10240x128xf32, #tpu.memory_space<vmem_shared>> -> memref<128x128xf32, #tpu.memory_space<vmem_shared>>
      tpu.wait_dma2 semaphore(%run_scoped3A : memref<!tpu.dma_semaphore, #tpu.memory_space<semaphore_mem>>) src(%arg8 : memref<128x128xf32, #tpu.memory_space<vmem>>) dst(%dma_wait3A_66 : memref<128x128xf32, #tpu.memory_space<vmem_shared>>)
      tpu.yield
    }) : () -> ()
    %mul3A_2 = arith.constant 640 : i32
    %mul3A_3 = arith.muli %arg1, %mul3A_2 : i32
    %add3A_4 = arith.constant 128 : i32
    %add3A_5 = arith.addi %mul3A_3, %add3A_4 : i32
    "tpu.region"() ({
      %run_scoped3A = tpu.sem_alloc : memref<!tpu.dma_semaphore, #tpu.memory_space<semaphore_mem>>
      %dma_start3A = arith.constant 0 : i32
      %dma_start3A_61 = tpu.memref_slice %arg7[%add3A_5, %dma_start3A] : memref<10240x128xf32, #tpu.memory_space<vmem_shared>> -> memref<128x128xf32, #tpu.memory_space<vmem_shared>>
      %dma_start3A_62 = arith.constant 0 : i32
      %dma_start3A_63 = tpu.memref_slice %arg7[%add3A_5, %dma_start3A_62] : memref<10240x128xf32, #tpu.memory_space<vmem_shared>> -> memref<128x128xf32, #tpu.memory_space<vmem_shared>>
      tpu.enqueue_dma source(%arg8 : memref<128x128xf32, #tpu.memory_space<vmem>>) target(%dma_start3A_63 : memref<128x128xf32, #tpu.memory_space<vmem_shared>>) target_semaphore(%run_scoped3A : memref<!tpu.dma_semaphore, #tpu.memory_space<semaphore_mem>>)
      %dma_wait3A = arith.constant 0 : i32
      %dma_wait3A_64 = tpu.memref_slice %arg7[%add3A_5, %dma_wait3A] : memref<10240x128xf32, #tpu.memory_space<vmem_shared>> -> memref<128x128xf32, #tpu.memory_space<vmem_shared>>
      %dma_wait3A_65 = arith.constant 0 : i32
      %dma_wait3A_66 = tpu.memref_slice %arg7[%add3A_5, %dma_wait3A_65] : memref<10240x128xf32, #tpu.memory_space<vmem_shared>> -> memref<128x128xf32, #tpu.memory_space<vmem_shared>>
      tpu.wait_dma2 semaphore(%run_scoped3A : memref<!tpu.dma_semaphore, #tpu.memory_space<semaphore_mem>>) src(%arg8 : memref<128x128xf32, #tpu.memory_space<vmem>>) dst(%dma_wait3A_66 : memref<128x128xf32, #tpu.memory_space<vmem_shared>>)
      tpu.yield
    }) : () -> ()
    %mul3A_6 = arith.constant 640 : i32
    %mul3A_7 = arith.muli %arg1, %mul3A_6 : i32
    %add3A_8 = arith.constant 256 : i32
    %add3A_9 = arith.addi %mul3A_7, %add3A_8 : i32
    "tpu.region"() ({
      %run_scoped3A = tpu.sem_alloc : memref<!tpu.dma_semaphore, #tpu.memory_space<semaphore_mem>>
      %dma_start3A = arith.constant 0 : i32
      %dma_start3A_61 = tpu.memref_slice %arg7[%add3A_9, %dma_start3A] : memref<10240x128xf32, #tpu.memory_space<vmem_shared>> -> memref<128x128xf32, #tpu.memory_space<vmem_shared>>
      %dma_start3A_62 = arith.constant 0 : i32
      %dma_start3A_63 = tpu.memref_slice %arg7[%add3A_9, %dma_start3A_62] : memref<10240x128xf32, #tpu.memory_space<vmem_shared>> -> memref<128x128xf32, #tpu.memory_space<vmem_shared>>
      tpu.enqueue_dma source(%arg8 : memref<128x128xf32, #tpu.memory_space<vmem>>) target(%dma_start3A_63 : memref<128x128xf32, #tpu.memory_space<vmem_shared>>) target_semaphore(%run_scoped3A : memref<!tpu.dma_semaphore, #tpu.memory_space<semaphore_mem>>)
      %dma_wait3A = arith.constant 0 : i32
      %dma_wait3A_64 = tpu.memref_slice %arg7[%add3A_9, %dma_wait3A] : memref<10240x128xf32, #tpu.memory_space<vmem_shared>> -> memref<128x128xf32, #tpu.memory_space<vmem_shared>>
      %dma_wait3A_65 = arith.constant 0 : i32
      %dma_wait3A_66 = tpu.memref_slice %arg7[%add3A_9, %dma_wait3A_65] : memref<10240x128xf32, #tpu.memory_space<vmem_shared>> -> memref<128x128xf32, #tpu.memory_space<vmem_shared>>
      tpu.wait_dma2 semaphore(%run_scoped3A : memref<!tpu.dma_semaphore, #tpu.memory_space<semaphore_mem>>) src(%arg8 : memref<128x128xf32, #tpu.memory_space<vmem>>) dst(%dma_wait3A_66 : memref<128x128xf32, #tpu.memory_space<vmem_shared>>)
      tpu.yield
    }) : () -> ()
    %mul3A_10 = arith.constant 640 : i32
    %mul3A_11 = arith.muli %arg1, %mul3A_10 : i32
    %add3A_12 = arith.constant 384 : i32
    %add3A_13 = arith.addi %mul3A_11, %add3A_12 : i32
    "tpu.region"() ({
      %run_scoped3A = tpu.sem_alloc : memref<!tpu.dma_semaphore, #tpu.memory_space<semaphore_mem>>
      %dma_start3A = arith.constant 0 : i32
      %dma_start3A_61 = tpu.memref_slice %arg7[%add3A_13, %dma_start3A] : memref<10240x128xf32, #tpu.memory_space<vmem_shared>> -> memref<128x128xf32, #tpu.memory_space<vmem_shared>>
      %dma_start3A_62 = arith.constant 0 : i32
      %dma_start3A_63 = tpu.memref_slice %arg7[%add3A_13, %dma_start3A_62] : memref<10240x128xf32, #tpu.memory_space<vmem_shared>> -> memref<128x128xf32, #tpu.memory_space<vmem_shared>>
      tpu.enqueue_dma source(%arg8 : memref<128x128xf32, #tpu.memory_space<vmem>>) target(%dma_start3A_63 : memref<128x128xf32, #tpu.memory_space<vmem_shared>>) target_semaphore(%run_scoped3A : memref<!tpu.dma_semaphore, #tpu.memory_space<semaphore_mem>>)
      %dma_wait3A = arith.constant 0 : i32
      %dma_wait3A_64 = tpu.memref_slice %arg7[%add3A_13, %dma_wait3A] : memref<10240x128xf32, #tpu.memory_space<vmem_shared>> -> memref<128x128xf32, #tpu.memory_space<vmem_shared>>
      %dma_wait3A_65 = arith.constant 0 : i32
      %dma_wait3A_66 = tpu.memref_slice %arg7[%add3A_13, %dma_wait3A_65] : memref<10240x128xf32, #tpu.memory_space<vmem_shared>> -> memref<128x128xf32, #tpu.memory_space<vmem_shared>>
      tpu.wait_dma2 semaphore(%run_scoped3A : memref<!tpu.dma_semaphore, #tpu.memory_space<semaphore_mem>>) src(%arg8 : memref<128x128xf32, #tpu.memory_space<vmem>>) dst(%dma_wait3A_66 : memref<128x128xf32, #tpu.memory_space<vmem_shared>>)
      tpu.yield
    }) : () -> ()
    %mul3A_14 = arith.constant 640 : i32
    %mul3A_15 = arith.muli %arg1, %mul3A_14 : i32
    %add3A_16 = arith.constant 512 : i32
    %add3A_17 = arith.addi %mul3A_15, %add3A_16 : i32
    "tpu.region"() ({
      %run_scoped3A = tpu.sem_alloc : memref<!tpu.dma_semaphore, #tpu.memory_space<semaphore_mem>>
      %dma_start3A = arith.constant 0 : i32
      %dma_start3A_61 = tpu.memref_slice %arg7[%add3A_17, %dma_start3A] : memref<10240x128xf32, #tpu.memory_space<vmem_shared>> -> memref<128x128xf32, #tpu.memory_space<vmem_shared>>
      %dma_start3A_62 = arith.constant 0 : i32
      %dma_start3A_63 = tpu.memref_slice %arg7[%add3A_17, %dma_start3A_62] : memref<10240x128xf32, #tpu.memory_space<vmem_shared>> -> memref<128x128xf32, #tpu.memory_space<vmem_shared>>
      tpu.enqueue_dma source(%arg8 : memref<128x128xf32, #tpu.memory_space<vmem>>) target(%dma_start3A_63 : memref<128x128xf32, #tpu.memory_space<vmem_shared>>) target_semaphore(%run_scoped3A : memref<!tpu.dma_semaphore, #tpu.memory_space<semaphore_mem>>)
      %dma_wait3A = arith.constant 0 : i32
      %dma_wait3A_64 = tpu.memref_slice %arg7[%add3A_17, %dma_wait3A] : memref<10240x128xf32, #tpu.memory_space<vmem_shared>> -> memref<128x128xf32, #tpu.memory_space<vmem_shared>>
      %dma_wait3A_65 = arith.constant 0 : i32
      %dma_wait3A_66 = tpu.memref_slice %arg7[%add3A_17, %dma_wait3A_65] : memref<10240x128xf32, #tpu.memory_space<vmem_shared>> -> memref<128x128xf32, #tpu.memory_space<vmem_shared>>
      tpu.wait_dma2 semaphore(%run_scoped3A : memref<!tpu.dma_semaphore, #tpu.memory_space<semaphore_mem>>) src(%arg8 : memref<128x128xf32, #tpu.memory_space<vmem>>) dst(%dma_wait3A_66 : memref<128x128xf32, #tpu.memory_space<vmem_shared>>)
      tpu.yield
    }) : () -> ()
    %barrier3A = arith.constant 0 : index
    tpu.barrier barrier_id(%barrier3A)
    %eq3A = arith.constant 0 : i32
    %eq3A_18 = arith.cmpi eq, %arg0, %eq3A : i32
    %mul3A_19 = arith.constant 79 : i32
    %mul3A_20 = arith.muli %arg1, %mul3A_19 : i32
    %mul3A_21 = arith.constant 79 : i32
    %mul3A_22 = arith.muli %arg1, %mul3A_21 : i32
    %add3A_23 = arith.constant 1264 : i32
    %add3A_24 = arith.addi %add3A_23, %mul3A_22 : i32
    %select_n3A = arith.select %eq3A_18, %mul3A_20, %add3A_24 : i32
    %eq3A_25 = arith.constant 0 : i32
    %eq3A_26 = arith.cmpi eq, %arg0, %eq3A_25 : i32
    %jit3A = arith.constant 79 : i32
    %jit3A_27 = arith.constant 79 : i32
    %select_n3A_28 = arith.select %eq3A_26, %jit3A, %jit3A_27 : i32
    %while3A = arith.constant 0 : i32
    %while3A_29 = arith.constant 0 : i32
    %while3A_30 = arith.subi %select_n3A_28, %while3A : i32
    %while3A_31 = arith.addi %while3A, %while3A_30 : i32
    %while3A_32 = arith.constant 1 : i32
    %while3A_33 = arith.divsi %while3A_30, %while3A_32 : i32
    %while3A_34 = arith.muli %while3A_33, %while3A_32 : i32
    %while3A_35 = arith.addi %while3A, %while3A_34 : i32
    %while3A_36 = arith.constant 1 : i32
    %while3A_37 = scf.for %while3A_61 = %while3A to %while3A_35 step %while3A_36 iter_args(%while3A_62 = %while3A_29) -> (i32)  : i32 {
      %add3A_63 = arith.addi %select_n3A, %while3A_61 : i32
      %mul3A_64 = arith.constant 128 : i32
      %mul3A_65 = arith.muli %add3A_63, %mul3A_64 : i32
      "tpu.region"() ({
        %run_scoped3A = tpu.sem_alloc : memref<!tpu.dma_semaphore, #tpu.memory_space<semaphore_mem>>
        %dma_start3A_71 = tpu.memref_slice %arg3[%mul3A_65] : memref<323584xi32, #tpu.memory_space<hbm>> -> memref<128xi32, #tpu.memory_space<hbm>>
        %dma_start3A_72 = tpu.memref_slice %arg3[%mul3A_65] : memref<323584xi32, #tpu.memory_space<hbm>> -> memref<128xi32, #tpu.memory_space<hbm>>
        tpu.enqueue_dma source(%dma_start3A_72 : memref<128xi32, #tpu.memory_space<hbm>>) target(%arg9 : memref<128xi32, #tpu.memory_space<vmem>>) target_semaphore(%run_scoped3A : memref<!tpu.dma_semaphore, #tpu.memory_space<semaphore_mem>>)
        %dma_wait3A_73 = tpu.memref_slice %arg3[%mul3A_65] : memref<323584xi32, #tpu.memory_space<hbm>> -> memref<128xi32, #tpu.memory_space<hbm>>
        %dma_wait3A_74 = tpu.memref_slice %arg3[%mul3A_65] : memref<323584xi32, #tpu.memory_space<hbm>> -> memref<128xi32, #tpu.memory_space<hbm>>
        tpu.wait_dma2 semaphore(%run_scoped3A : memref<!tpu.dma_semaphore, #tpu.memory_space<semaphore_mem>>) src(%dma_wait3A_74 : memref<128xi32, #tpu.memory_space<hbm>>) dst(%arg9 : memref<128xi32, #tpu.memory_space<vmem>>)
        tpu.yield
      }) : () -> ()
      "tpu.region"() ({
        %run_scoped3A = tpu.sem_alloc : memref<!tpu.dma_semaphore, #tpu.memory_space<semaphore_mem>>
        %dma_start3A_71 = tpu.memref_slice %arg4[%mul3A_65] : memref<323584xi32, #tpu.memory_space<hbm>> -> memref<128xi32, #tpu.memory_space<hbm>>
        %dma_start3A_72 = tpu.memref_slice %arg4[%mul3A_65] : memref<323584xi32, #tpu.memory_space<hbm>> -> memref<128xi32, #tpu.memory_space<hbm>>
        tpu.enqueue_dma source(%dma_start3A_72 : memref<128xi32, #tpu.memory_space<hbm>>) target(%arg10 : memref<128xi32, #tpu.memory_space<vmem>>) target_semaphore(%run_scoped3A : memref<!tpu.dma_semaphore, #tpu.memory_space<semaphore_mem>>)
        %dma_wait3A_73 = tpu.memref_slice %arg4[%mul3A_65] : memref<323584xi32, #tpu.memory_space<hbm>> -> memref<128xi32, #tpu.memory_space<hbm>>
        %dma_wait3A_74 = tpu.memref_slice %arg4[%mul3A_65] : memref<323584xi32, #tpu.memory_space<hbm>> -> memref<128xi32, #tpu.memory_space<hbm>>
        tpu.wait_dma2 semaphore(%run_scoped3A : memref<!tpu.dma_semaphore, #tpu.memory_space<semaphore_mem>>) src(%dma_wait3A_74 : memref<128xi32, #tpu.memory_space<hbm>>) dst(%arg10 : memref<128xi32, #tpu.memory_space<vmem>>)
        tpu.yield
      }) : () -> ()
      %dma_start3A = arith.constant 0 : i32
      %dma_start3A_66 = arith.constant 0 : i32
      %dma_start3A_67 = tpu.memref_slice %arg2[%dma_start3A, %dma_start3A_66] : memref<10240x128xf32, #tpu.memory_space<hbm>> -> memref<10240x128xf32, #tpu.memory_space<hbm>>
      tpu.enqueue_indirect_dma source(%dma_start3A_67 : memref<10240x128xf32, #tpu.memory_space<hbm>>) target(%arg8 : memref<128x128xf32, #tpu.memory_space<vmem>>) offsets(%arg9 : memref<128xi32, #tpu.memory_space<vmem>>) semaphore(%arg11 : memref<!tpu.dma_semaphore, #tpu.memory_space<semaphore_mem>>)
      %dma_wait3A = arith.constant 0 : i32
      %dma_wait3A_68 = arith.constant 0 : i32
      %dma_wait3A_69 = tpu.memref_slice %arg2[%dma_wait3A, %dma_wait3A_68] : memref<10240x128xf32, #tpu.memory_space<hbm>> -> memref<10240x128xf32, #tpu.memory_space<hbm>>
      tpu.wait_indirect_dma semaphore(%arg11 : memref<!tpu.dma_semaphore, #tpu.memory_space<semaphore_mem>>) src(%dma_wait3A_69 : memref<10240x128xf32, #tpu.memory_space<hbm>>) dst(%arg8 : memref<128x128xf32, #tpu.memory_space<vmem>>)
      "tpu.region"() ({
        %run_scoped3A = tpu.sem_alloc : memref<!tpu.dma_semaphore, #tpu.memory_space<semaphore_mem>>
        %dma_start3A_71 = arith.constant 0 : i32
        %dma_start3A_72 = arith.constant 0 : i32
        %dma_start3A_73 = tpu.memref_slice %arg7[%dma_start3A_71, %dma_start3A_72] : memref<10240x128xf32, #tpu.memory_space<vmem_shared>> -> memref<10240x128xf32, #tpu.memory_space<vmem_shared>>
        tpu.enqueue_indirect_dma source(%arg8 : memref<128x128xf32, #tpu.memory_space<vmem>>) target(%dma_start3A_73 : memref<10240x128xf32, #tpu.memory_space<vmem_shared>>) offsets(%arg10 : memref<128xi32, #tpu.memory_space<vmem>>) semaphore(%run_scoped3A : memref<!tpu.dma_semaphore, #tpu.memory_space<semaphore_mem>>) {add = true}
        %dma_wait3A_74 = arith.constant 0 : i32
        %dma_wait3A_75 = arith.constant 0 : i32
        %dma_wait3A_76 = tpu.memref_slice %arg7[%dma_wait3A_74, %dma_wait3A_75] : memref<10240x128xf32, #tpu.memory_space<vmem_shared>> -> memref<10240x128xf32, #tpu.memory_space<vmem_shared>>
        tpu.wait_indirect_dma semaphore(%run_scoped3A : memref<!tpu.dma_semaphore, #tpu.memory_space<semaphore_mem>>) src(%arg8 : memref<128x128xf32, #tpu.memory_space<vmem>>) dst(%dma_wait3A_76 : memref<10240x128xf32, #tpu.memory_space<vmem_shared>>)
        tpu.yield
      }) : () -> ()
      %while3A_70 = arith.constant 0 : i32
      scf.yield %while3A_70 : i32
    }
    %while3A_38 = arith.constant 1 : i32
    %while3A_39 = scf.for %while3A_61 = %while3A_35 to %while3A_31 step %while3A_38 iter_args(%while3A_62 = %while3A_37) -> (i32)  : i32 {
      %add3A_63 = arith.addi %select_n3A, %while3A_61 : i32
      %mul3A_64 = arith.constant 128 : i32
      %mul3A_65 = arith.muli %add3A_63, %mul3A_64 : i32
      "tpu.region"() ({
        %run_scoped3A = tpu.sem_alloc : memref<!tpu.dma_semaphore, #tpu.memory_space<semaphore_mem>>
        %dma_start3A_71 = tpu.memref_slice %arg3[%mul3A_65] : memref<323584xi32, #tpu.memory_space<hbm>> -> memref<128xi32, #tpu.memory_space<hbm>>
        %dma_start3A_72 = tpu.memref_slice %arg3[%mul3A_65] : memref<323584xi32, #tpu.memory_space<hbm>> -> memref<128xi32, #tpu.memory_space<hbm>>
        tpu.enqueue_dma source(%dma_start3A_72 : memref<128xi32, #tpu.memory_space<hbm>>) target(%arg9 : memref<128xi32, #tpu.memory_space<vmem>>) target_semaphore(%run_scoped3A : memref<!tpu.dma_semaphore, #tpu.memory_space<semaphore_mem>>)
        %dma_wait3A_73 = tpu.memref_slice %arg3[%mul3A_65] : memref<323584xi32, #tpu.memory_space<hbm>> -> memref<128xi32, #tpu.memory_space<hbm>>
        %dma_wait3A_74 = tpu.memref_slice %arg3[%mul3A_65] : memref<323584xi32, #tpu.memory_space<hbm>> -> memref<128xi32, #tpu.memory_space<hbm>>
        tpu.wait_dma2 semaphore(%run_scoped3A : memref<!tpu.dma_semaphore, #tpu.memory_space<semaphore_mem>>) src(%dma_wait3A_74 : memref<128xi32, #tpu.memory_space<hbm>>) dst(%arg9 : memref<128xi32, #tpu.memory_space<vmem>>)
        tpu.yield
      }) : () -> ()
      "tpu.region"() ({
        %run_scoped3A = tpu.sem_alloc : memref<!tpu.dma_semaphore, #tpu.memory_space<semaphore_mem>>
        %dma_start3A_71 = tpu.memref_slice %arg4[%mul3A_65] : memref<323584xi32, #tpu.memory_space<hbm>> -> memref<128xi32, #tpu.memory_space<hbm>>
        %dma_start3A_72 = tpu.memref_slice %arg4[%mul3A_65] : memref<323584xi32, #tpu.memory_space<hbm>> -> memref<128xi32, #tpu.memory_space<hbm>>
        tpu.enqueue_dma source(%dma_start3A_72 : memref<128xi32, #tpu.memory_space<hbm>>) target(%arg10 : memref<128xi32, #tpu.memory_space<vmem>>) target_semaphore(%run_scoped3A : memref<!tpu.dma_semaphore, #tpu.memory_space<semaphore_mem>>)
        %dma_wait3A_73 = tpu.memref_slice %arg4[%mul3A_65] : memref<323584xi32, #tpu.memory_space<hbm>> -> memref<128xi32, #tpu.memory_space<hbm>>
        %dma_wait3A_74 = tpu.memref_slice %arg4[%mul3A_65] : memref<323584xi32, #tpu.memory_space<hbm>> -> memref<128xi32, #tpu.memory_space<hbm>>
        tpu.wait_dma2 semaphore(%run_scoped3A : memref<!tpu.dma_semaphore, #tpu.memory_space<semaphore_mem>>) src(%dma_wait3A_74 : memref<128xi32, #tpu.memory_space<hbm>>) dst(%arg10 : memref<128xi32, #tpu.memory_space<vmem>>)
        tpu.yield
      }) : () -> ()
      %dma_start3A = arith.constant 0 : i32
      %dma_start3A_66 = arith.constant 0 : i32
      %dma_start3A_67 = tpu.memref_slice %arg2[%dma_start3A, %dma_start3A_66] : memref<10240x128xf32, #tpu.memory_space<hbm>> -> memref<10240x128xf32, #tpu.memory_space<hbm>>
      tpu.enqueue_indirect_dma source(%dma_start3A_67 : memref<10240x128xf32, #tpu.memory_space<hbm>>) target(%arg8 : memref<128x128xf32, #tpu.memory_space<vmem>>) offsets(%arg9 : memref<128xi32, #tpu.memory_space<vmem>>) semaphore(%arg11 : memref<!tpu.dma_semaphore, #tpu.memory_space<semaphore_mem>>)
      %dma_wait3A = arith.constant 0 : i32
      %dma_wait3A_68 = arith.constant 0 : i32
      %dma_wait3A_69 = tpu.memref_slice %arg2[%dma_wait3A, %dma_wait3A_68] : memref<10240x128xf32, #tpu.memory_space<hbm>> -> memref<10240x128xf32, #tpu.memory_space<hbm>>
      tpu.wait_indirect_dma semaphore(%arg11 : memref<!tpu.dma_semaphore, #tpu.memory_space<semaphore_mem>>) src(%dma_wait3A_69 : memref<10240x128xf32, #tpu.memory_space<hbm>>) dst(%arg8 : memref<128x128xf32, #tpu.memory_space<vmem>>)
      "tpu.region"() ({
        %run_scoped3A = tpu.sem_alloc : memref<!tpu.dma_semaphore, #tpu.memory_space<semaphore_mem>>
        %dma_start3A_71 = arith.constant 0 : i32
        %dma_start3A_72 = arith.constant 0 : i32
        %dma_start3A_73 = tpu.memref_slice %arg7[%dma_start3A_71, %dma_start3A_72] : memref<10240x128xf32, #tpu.memory_space<vmem_shared>> -> memref<10240x128xf32, #tpu.memory_space<vmem_shared>>
        tpu.enqueue_indirect_dma source(%arg8 : memref<128x128xf32, #tpu.memory_space<vmem>>) target(%dma_start3A_73 : memref<10240x128xf32, #tpu.memory_space<vmem_shared>>) offsets(%arg10 : memref<128xi32, #tpu.memory_space<vmem>>) semaphore(%run_scoped3A : memref<!tpu.dma_semaphore, #tpu.memory_space<semaphore_mem>>) {add = true}
        %dma_wait3A_74 = arith.constant 0 : i32
        %dma_wait3A_75 = arith.constant 0 : i32
        %dma_wait3A_76 = tpu.memref_slice %arg7[%dma_wait3A_74, %dma_wait3A_75] : memref<10240x128xf32, #tpu.memory_space<vmem_shared>> -> memref<10240x128xf32, #tpu.memory_space<vmem_shared>>
        tpu.wait_indirect_dma semaphore(%run_scoped3A : memref<!tpu.dma_semaphore, #tpu.memory_space<semaphore_mem>>) src(%arg8 : memref<128x128xf32, #tpu.memory_space<vmem>>) dst(%dma_wait3A_76 : memref<10240x128xf32, #tpu.memory_space<vmem_shared>>)
        tpu.yield
      }) : () -> ()
      %while3A_70 = arith.constant 0 : i32
      scf.yield %while3A_70 : i32
    }
    %barrier3A_40 = arith.constant 0 : index
    tpu.barrier barrier_id(%barrier3A_40)
    %mul3A_41 = arith.constant 640 : i32
    %mul3A_42 = arith.muli %arg1, %mul3A_41 : i32
    %add3A_43 = arith.constant 0 : i32
    %add3A_44 = arith.addi %mul3A_42, %add3A_43 : i32
    "tpu.region"() ({
      %run_scoped3A = tpu.sem_alloc : memref<!tpu.dma_semaphore, #tpu.memory_space<semaphore_mem>>
      %dma_start3A = arith.constant 0 : i32
      %dma_start3A_61 = tpu.memref_slice %arg7[%add3A_44, %dma_start3A] : memref<10240x128xf32, #tpu.memory_space<vmem_shared>> -> memref<128x128xf32, #tpu.memory_space<vmem_shared>>
      %dma_start3A_62 = arith.constant 0 : i32
      %dma_start3A_63 = tpu.memref_slice %arg7[%add3A_44, %dma_start3A_62] : memref<10240x128xf32, #tpu.memory_space<vmem_shared>> -> memref<128x128xf32, #tpu.memory_space<vmem_shared>>
      tpu.enqueue_dma source(%dma_start3A_63 : memref<128x128xf32, #tpu.memory_space<vmem_shared>>) target(%arg8 : memref<128x128xf32, #tpu.memory_space<vmem>>) target_semaphore(%run_scoped3A : memref<!tpu.dma_semaphore, #tpu.memory_space<semaphore_mem>>)
      %dma_wait3A = arith.constant 0 : i32
      %dma_wait3A_64 = tpu.memref_slice %arg7[%add3A_44, %dma_wait3A] : memref<10240x128xf32, #tpu.memory_space<vmem_shared>> -> memref<128x128xf32, #tpu.memory_space<vmem_shared>>
      %dma_wait3A_65 = arith.constant 0 : i32
      %dma_wait3A_66 = tpu.memref_slice %arg7[%add3A_44, %dma_wait3A_65] : memref<10240x128xf32, #tpu.memory_space<vmem_shared>> -> memref<128x128xf32, #tpu.memory_space<vmem_shared>>
      tpu.wait_dma2 semaphore(%run_scoped3A : memref<!tpu.dma_semaphore, #tpu.memory_space<semaphore_mem>>) src(%dma_wait3A_66 : memref<128x128xf32, #tpu.memory_space<vmem_shared>>) dst(%arg8 : memref<128x128xf32, #tpu.memory_space<vmem>>)
      tpu.yield
    }) : () -> ()
    "tpu.region"() ({
      %run_scoped3A = tpu.sem_alloc : memref<!tpu.dma_semaphore, #tpu.memory_space<semaphore_mem>>
      %dma_start3A = arith.constant 0 : i32
      %dma_start3A_61 = tpu.memref_slice %arg6[%arg0, %add3A_44, %dma_start3A] : memref<2x10240x128xf32, #tpu.memory_space<hbm>> -> memref<1x128x128xf32, #tpu.memory_space<hbm>>
      %dma_start3A_62 = tpu.memref_squeeze %dma_start3A_61 : memref<1x128x128xf32, #tpu.memory_space<hbm>> -> memref<128x128xf32, #tpu.memory_space<hbm>>
      %dma_start3A_63 = arith.constant 0 : i32
      %dma_start3A_64 = tpu.memref_slice %arg6[%arg0, %add3A_44, %dma_start3A_63] : memref<2x10240x128xf32, #tpu.memory_space<hbm>> -> memref<1x128x128xf32, #tpu.memory_space<hbm>>
      %dma_start3A_65 = tpu.memref_squeeze %dma_start3A_64 : memref<1x128x128xf32, #tpu.memory_space<hbm>> -> memref<128x128xf32, #tpu.memory_space<hbm>>
      tpu.enqueue_dma source(%arg8 : memref<128x128xf32, #tpu.memory_space<vmem>>) target(%dma_start3A_65 : memref<128x128xf32, #tpu.memory_space<hbm>>) target_semaphore(%run_scoped3A : memref<!tpu.dma_semaphore, #tpu.memory_space<semaphore_mem>>)
      %dma_wait3A = arith.constant 0 : i32
      %dma_wait3A_66 = tpu.memref_slice %arg6[%arg0, %add3A_44, %dma_wait3A] : memref<2x10240x128xf32, #tpu.memory_space<hbm>> -> memref<1x128x128xf32, #tpu.memory_space<hbm>>
      %dma_wait3A_67 = tpu.memref_squeeze %dma_wait3A_66 : memref<1x128x128xf32, #tpu.memory_space<hbm>> -> memref<128x128xf32, #tpu.memory_space<hbm>>
      %dma_wait3A_68 = arith.constant 0 : i32
      %dma_wait3A_69 = tpu.memref_slice %arg6[%arg0, %add3A_44, %dma_wait3A_68] : memref<2x10240x128xf32, #tpu.memory_space<hbm>> -> memref<1x128x128xf32, #tpu.memory_space<hbm>>
      %dma_wait3A_70 = tpu.memref_squeeze %dma_wait3A_69 : memref<1x128x128xf32, #tpu.memory_space<hbm>> -> memref<128x128xf32, #tpu.memory_space<hbm>>
      tpu.wait_dma2 semaphore(%run_scoped3A : memref<!tpu.dma_semaphore, #tpu.memory_space<semaphore_mem>>) src(%arg8 : memref<128x128xf32, #tpu.memory_space<vmem>>) dst(%dma_wait3A_70 : memref<128x128xf32, #tpu.memory_space<hbm>>)
      tpu.yield
    }) : () -> ()
    %mul3A_45 = arith.constant 640 : i32
    %mul3A_46 = arith.muli %arg1, %mul3A_45 : i32
    %add3A_47 = arith.constant 128 : i32
    %add3A_48 = arith.addi %mul3A_46, %add3A_47 : i32
    "tpu.region"() ({
      %run_scoped3A = tpu.sem_alloc : memref<!tpu.dma_semaphore, #tpu.memory_space<semaphore_mem>>
      %dma_start3A = arith.constant 0 : i32
      %dma_start3A_61 = tpu.memref_slice %arg7[%add3A_48, %dma_start3A] : memref<10240x128xf32, #tpu.memory_space<vmem_shared>> -> memref<128x128xf32, #tpu.memory_space<vmem_shared>>
      %dma_start3A_62 = arith.constant 0 : i32
      %dma_start3A_63 = tpu.memref_slice %arg7[%add3A_48, %dma_start3A_62] : memref<10240x128xf32, #tpu.memory_space<vmem_shared>> -> memref<128x128xf32, #tpu.memory_space<vmem_shared>>
      tpu.enqueue_dma source(%dma_start3A_63 : memref<128x128xf32, #tpu.memory_space<vmem_shared>>) target(%arg8 : memref<128x128xf32, #tpu.memory_space<vmem>>) target_semaphore(%run_scoped3A : memref<!tpu.dma_semaphore, #tpu.memory_space<semaphore_mem>>)
      %dma_wait3A = arith.constant 0 : i32
      %dma_wait3A_64 = tpu.memref_slice %arg7[%add3A_48, %dma_wait3A] : memref<10240x128xf32, #tpu.memory_space<vmem_shared>> -> memref<128x128xf32, #tpu.memory_space<vmem_shared>>
      %dma_wait3A_65 = arith.constant 0 : i32
      %dma_wait3A_66 = tpu.memref_slice %arg7[%add3A_48, %dma_wait3A_65] : memref<10240x128xf32, #tpu.memory_space<vmem_shared>> -> memref<128x128xf32, #tpu.memory_space<vmem_shared>>
      tpu.wait_dma2 semaphore(%run_scoped3A : memref<!tpu.dma_semaphore, #tpu.memory_space<semaphore_mem>>) src(%dma_wait3A_66 : memref<128x128xf32, #tpu.memory_space<vmem_shared>>) dst(%arg8 : memref<128x128xf32, #tpu.memory_space<vmem>>)
      tpu.yield
    }) : () -> ()
    "tpu.region"() ({
      %run_scoped3A = tpu.sem_alloc : memref<!tpu.dma_semaphore, #tpu.memory_space<semaphore_mem>>
      %dma_start3A = arith.constant 0 : i32
      %dma_start3A_61 = tpu.memref_slice %arg6[%arg0, %add3A_48, %dma_start3A] : memref<2x10240x128xf32, #tpu.memory_space<hbm>> -> memref<1x128x128xf32, #tpu.memory_space<hbm>>
      %dma_start3A_62 = tpu.memref_squeeze %dma_start3A_61 : memref<1x128x128xf32, #tpu.memory_space<hbm>> -> memref<128x128xf32, #tpu.memory_space<hbm>>
      %dma_start3A_63 = arith.constant 0 : i32
      %dma_start3A_64 = tpu.memref_slice %arg6[%arg0, %add3A_48, %dma_start3A_63] : memref<2x10240x128xf32, #tpu.memory_space<hbm>> -> memref<1x128x128xf32, #tpu.memory_space<hbm>>
      %dma_start3A_65 = tpu.memref_squeeze %dma_start3A_64 : memref<1x128x128xf32, #tpu.memory_space<hbm>> -> memref<128x128xf32, #tpu.memory_space<hbm>>
      tpu.enqueue_dma source(%arg8 : memref<128x128xf32, #tpu.memory_space<vmem>>) target(%dma_start3A_65 : memref<128x128xf32, #tpu.memory_space<hbm>>) target_semaphore(%run_scoped3A : memref<!tpu.dma_semaphore, #tpu.memory_space<semaphore_mem>>)
      %dma_wait3A = arith.constant 0 : i32
      %dma_wait3A_66 = tpu.memref_slice %arg6[%arg0, %add3A_48, %dma_wait3A] : memref<2x10240x128xf32, #tpu.memory_space<hbm>> -> memref<1x128x128xf32, #tpu.memory_space<hbm>>
      %dma_wait3A_67 = tpu.memref_squeeze %dma_wait3A_66 : memref<1x128x128xf32, #tpu.memory_space<hbm>> -> memref<128x128xf32, #tpu.memory_space<hbm>>
      %dma_wait3A_68 = arith.constant 0 : i32
      %dma_wait3A_69 = tpu.memref_slice %arg6[%arg0, %add3A_48, %dma_wait3A_68] : memref<2x10240x128xf32, #tpu.memory_space<hbm>> -> memref<1x128x128xf32, #tpu.memory_space<hbm>>
      %dma_wait3A_70 = tpu.memref_squeeze %dma_wait3A_69 : memref<1x128x128xf32, #tpu.memory_space<hbm>> -> memref<128x128xf32, #tpu.memory_space<hbm>>
      tpu.wait_dma2 semaphore(%run_scoped3A : memref<!tpu.dma_semaphore, #tpu.memory_space<semaphore_mem>>) src(%arg8 : memref<128x128xf32, #tpu.memory_space<vmem>>) dst(%dma_wait3A_70 : memref<128x128xf32, #tpu.memory_space<hbm>>)
      tpu.yield
    }) : () -> ()
    %mul3A_49 = arith.constant 640 : i32
    %mul3A_50 = arith.muli %arg1, %mul3A_49 : i32
    %add3A_51 = arith.constant 256 : i32
    %add3A_52 = arith.addi %mul3A_50, %add3A_51 : i32
    "tpu.region"() ({
      %run_scoped3A = tpu.sem_alloc : memref<!tpu.dma_semaphore, #tpu.memory_space<semaphore_mem>>
      %dma_start3A = arith.constant 0 : i32
      %dma_start3A_61 = tpu.memref_slice %arg7[%add3A_52, %dma_start3A] : memref<10240x128xf32, #tpu.memory_space<vmem_shared>> -> memref<128x128xf32, #tpu.memory_space<vmem_shared>>
      %dma_start3A_62 = arith.constant 0 : i32
      %dma_start3A_63 = tpu.memref_slice %arg7[%add3A_52, %dma_start3A_62] : memref<10240x128xf32, #tpu.memory_space<vmem_shared>> -> memref<128x128xf32, #tpu.memory_space<vmem_shared>>
      tpu.enqueue_dma source(%dma_start3A_63 : memref<128x128xf32, #tpu.memory_space<vmem_shared>>) target(%arg8 : memref<128x128xf32, #tpu.memory_space<vmem>>) target_semaphore(%run_scoped3A : memref<!tpu.dma_semaphore, #tpu.memory_space<semaphore_mem>>)
      %dma_wait3A = arith.constant 0 : i32
      %dma_wait3A_64 = tpu.memref_slice %arg7[%add3A_52, %dma_wait3A] : memref<10240x128xf32, #tpu.memory_space<vmem_shared>> -> memref<128x128xf32, #tpu.memory_space<vmem_shared>>
      %dma_wait3A_65 = arith.constant 0 : i32
      %dma_wait3A_66 = tpu.memref_slice %arg7[%add3A_52, %dma_wait3A_65] : memref<10240x128xf32, #tpu.memory_space<vmem_shared>> -> memref<128x128xf32, #tpu.memory_space<vmem_shared>>
      tpu.wait_dma2 semaphore(%run_scoped3A : memref<!tpu.dma_semaphore, #tpu.memory_space<semaphore_mem>>) src(%dma_wait3A_66 : memref<128x128xf32, #tpu.memory_space<vmem_shared>>) dst(%arg8 : memref<128x128xf32, #tpu.memory_space<vmem>>)
      tpu.yield
    }) : () -> ()
    "tpu.region"() ({
      %run_scoped3A = tpu.sem_alloc : memref<!tpu.dma_semaphore, #tpu.memory_space<semaphore_mem>>
      %dma_start3A = arith.constant 0 : i32
      %dma_start3A_61 = tpu.memref_slice %arg6[%arg0, %add3A_52, %dma_start3A] : memref<2x10240x128xf32, #tpu.memory_space<hbm>> -> memref<1x128x128xf32, #tpu.memory_space<hbm>>
      %dma_start3A_62 = tpu.memref_squeeze %dma_start3A_61 : memref<1x128x128xf32, #tpu.memory_space<hbm>> -> memref<128x128xf32, #tpu.memory_space<hbm>>
      %dma_start3A_63 = arith.constant 0 : i32
      %dma_start3A_64 = tpu.memref_slice %arg6[%arg0, %add3A_52, %dma_start3A_63] : memref<2x10240x128xf32, #tpu.memory_space<hbm>> -> memref<1x128x128xf32, #tpu.memory_space<hbm>>
      %dma_start3A_65 = tpu.memref_squeeze %dma_start3A_64 : memref<1x128x128xf32, #tpu.memory_space<hbm>> -> memref<128x128xf32, #tpu.memory_space<hbm>>
      tpu.enqueue_dma source(%arg8 : memref<128x128xf32, #tpu.memory_space<vmem>>) target(%dma_start3A_65 : memref<128x128xf32, #tpu.memory_space<hbm>>) target_semaphore(%run_scoped3A : memref<!tpu.dma_semaphore, #tpu.memory_space<semaphore_mem>>)
      %dma_wait3A = arith.constant 0 : i32
      %dma_wait3A_66 = tpu.memref_slice %arg6[%arg0, %add3A_52, %dma_wait3A] : memref<2x10240x128xf32, #tpu.memory_space<hbm>> -> memref<1x128x128xf32, #tpu.memory_space<hbm>>
      %dma_wait3A_67 = tpu.memref_squeeze %dma_wait3A_66 : memref<1x128x128xf32, #tpu.memory_space<hbm>> -> memref<128x128xf32, #tpu.memory_space<hbm>>
      %dma_wait3A_68 = arith.constant 0 : i32
      %dma_wait3A_69 = tpu.memref_slice %arg6[%arg0, %add3A_52, %dma_wait3A_68] : memref<2x10240x128xf32, #tpu.memory_space<hbm>> -> memref<1x128x128xf32, #tpu.memory_space<hbm>>
      %dma_wait3A_70 = tpu.memref_squeeze %dma_wait3A_69 : memref<1x128x128xf32, #tpu.memory_space<hbm>> -> memref<128x128xf32, #tpu.memory_space<hbm>>
      tpu.wait_dma2 semaphore(%run_scoped3A : memref<!tpu.dma_semaphore, #tpu.memory_space<semaphore_mem>>) src(%arg8 : memref<128x128xf32, #tpu.memory_space<vmem>>) dst(%dma_wait3A_70 : memref<128x128xf32, #tpu.memory_space<hbm>>)
      tpu.yield
    }) : () -> ()
    %mul3A_53 = arith.constant 640 : i32
    %mul3A_54 = arith.muli %arg1, %mul3A_53 : i32
    %add3A_55 = arith.constant 384 : i32
    %add3A_56 = arith.addi %mul3A_54, %add3A_55 : i32
    "tpu.region"() ({
      %run_scoped3A = tpu.sem_alloc : memref<!tpu.dma_semaphore, #tpu.memory_space<semaphore_mem>>
      %dma_start3A = arith.constant 0 : i32
      %dma_start3A_61 = tpu.memref_slice %arg7[%add3A_56, %dma_start3A] : memref<10240x128xf32, #tpu.memory_space<vmem_shared>> -> memref<128x128xf32, #tpu.memory_space<vmem_shared>>
      %dma_start3A_62 = arith.constant 0 : i32
      %dma_start3A_63 = tpu.memref_slice %arg7[%add3A_56, %dma_start3A_62] : memref<10240x128xf32, #tpu.memory_space<vmem_shared>> -> memref<128x128xf32, #tpu.memory_space<vmem_shared>>
      tpu.enqueue_dma source(%dma_start3A_63 : memref<128x128xf32, #tpu.memory_space<vmem_shared>>) target(%arg8 : memref<128x128xf32, #tpu.memory_space<vmem>>) target_semaphore(%run_scoped3A : memref<!tpu.dma_semaphore, #tpu.memory_space<semaphore_mem>>)
      %dma_wait3A = arith.constant 0 : i32
      %dma_wait3A_64 = tpu.memref_slice %arg7[%add3A_56, %dma_wait3A] : memref<10240x128xf32, #tpu.memory_space<vmem_shared>> -> memref<128x128xf32, #tpu.memory_space<vmem_shared>>
      %dma_wait3A_65 = arith.constant 0 : i32
      %dma_wait3A_66 = tpu.memref_slice %arg7[%add3A_56, %dma_wait3A_65] : memref<10240x128xf32, #tpu.memory_space<vmem_shared>> -> memref<128x128xf32, #tpu.memory_space<vmem_shared>>
      tpu.wait_dma2 semaphore(%run_scoped3A : memref<!tpu.dma_semaphore, #tpu.memory_space<semaphore_mem>>) src(%dma_wait3A_66 : memref<128x128xf32, #tpu.memory_space<vmem_shared>>) dst(%arg8 : memref<128x128xf32, #tpu.memory_space<vmem>>)
      tpu.yield
    }) : () -> ()
    "tpu.region"() ({
      %run_scoped3A = tpu.sem_alloc : memref<!tpu.dma_semaphore, #tpu.memory_space<semaphore_mem>>
      %dma_start3A = arith.constant 0 : i32
      %dma_start3A_61 = tpu.memref_slice %arg6[%arg0, %add3A_56, %dma_start3A] : memref<2x10240x128xf32, #tpu.memory_space<hbm>> -> memref<1x128x128xf32, #tpu.memory_space<hbm>>
      %dma_start3A_62 = tpu.memref_squeeze %dma_start3A_61 : memref<1x128x128xf32, #tpu.memory_space<hbm>> -> memref<128x128xf32, #tpu.memory_space<hbm>>
      %dma_start3A_63 = arith.constant 0 : i32
      %dma_start3A_64 = tpu.memref_slice %arg6[%arg0, %add3A_56, %dma_start3A_63] : memref<2x10240x128xf32, #tpu.memory_space<hbm>> -> memref<1x128x128xf32, #tpu.memory_space<hbm>>
      %dma_start3A_65 = tpu.memref_squeeze %dma_start3A_64 : memref<1x128x128xf32, #tpu.memory_space<hbm>> -> memref<128x128xf32, #tpu.memory_space<hbm>>
      tpu.enqueue_dma source(%arg8 : memref<128x128xf32, #tpu.memory_space<vmem>>) target(%dma_start3A_65 : memref<128x128xf32, #tpu.memory_space<hbm>>) target_semaphore(%run_scoped3A : memref<!tpu.dma_semaphore, #tpu.memory_space<semaphore_mem>>)
      %dma_wait3A = arith.constant 0 : i32
      %dma_wait3A_66 = tpu.memref_slice %arg6[%arg0, %add3A_56, %dma_wait3A] : memref<2x10240x128xf32, #tpu.memory_space<hbm>> -> memref<1x128x128xf32, #tpu.memory_space<hbm>>
      %dma_wait3A_67 = tpu.memref_squeeze %dma_wait3A_66 : memref<1x128x128xf32, #tpu.memory_space<hbm>> -> memref<128x128xf32, #tpu.memory_space<hbm>>
      %dma_wait3A_68 = arith.constant 0 : i32
      %dma_wait3A_69 = tpu.memref_slice %arg6[%arg0, %add3A_56, %dma_wait3A_68] : memref<2x10240x128xf32, #tpu.memory_space<hbm>> -> memref<1x128x128xf32, #tpu.memory_space<hbm>>
      %dma_wait3A_70 = tpu.memref_squeeze %dma_wait3A_69 : memref<1x128x128xf32, #tpu.memory_space<hbm>> -> memref<128x128xf32, #tpu.memory_space<hbm>>
      tpu.wait_dma2 semaphore(%run_scoped3A : memref<!tpu.dma_semaphore, #tpu.memory_space<semaphore_mem>>) src(%arg8 : memref<128x128xf32, #tpu.memory_space<vmem>>) dst(%dma_wait3A_70 : memref<128x128xf32, #tpu.memory_space<hbm>>)
      tpu.yield
    }) : () -> ()
    %mul3A_57 = arith.constant 640 : i32
    %mul3A_58 = arith.muli %arg1, %mul3A_57 : i32
    %add3A_59 = arith.constant 512 : i32
    %add3A_60 = arith.addi %mul3A_58, %add3A_59 : i32
    "tpu.region"() ({
      %run_scoped3A = tpu.sem_alloc : memref<!tpu.dma_semaphore, #tpu.memory_space<semaphore_mem>>
      %dma_start3A = arith.constant 0 : i32
      %dma_start3A_61 = tpu.memref_slice %arg7[%add3A_60, %dma_start3A] : memref<10240x128xf32, #tpu.memory_space<vmem_shared>> -> memref<128x128xf32, #tpu.memory_space<vmem_shared>>
      %dma_start3A_62 = arith.constant 0 : i32
      %dma_start3A_63 = tpu.memref_slice %arg7[%add3A_60, %dma_start3A_62] : memref<10240x128xf32, #tpu.memory_space<vmem_shared>> -> memref<128x128xf32, #tpu.memory_space<vmem_shared>>
      tpu.enqueue_dma source(%dma_start3A_63 : memref<128x128xf32, #tpu.memory_space<vmem_shared>>) target(%arg8 : memref<128x128xf32, #tpu.memory_space<vmem>>) target_semaphore(%run_scoped3A : memref<!tpu.dma_semaphore, #tpu.memory_space<semaphore_mem>>)
      %dma_wait3A = arith.constant 0 : i32
      %dma_wait3A_64 = tpu.memref_slice %arg7[%add3A_60, %dma_wait3A] : memref<10240x128xf32, #tpu.memory_space<vmem_shared>> -> memref<128x128xf32, #tpu.memory_space<vmem_shared>>
      %dma_wait3A_65 = arith.constant 0 : i32
      %dma_wait3A_66 = tpu.memref_slice %arg7[%add3A_60, %dma_wait3A_65] : memref<10240x128xf32, #tpu.memory_space<vmem_shared>> -> memref<128x128xf32, #tpu.memory_space<vmem_shared>>
      tpu.wait_dma2 semaphore(%run_scoped3A : memref<!tpu.dma_semaphore, #tpu.memory_space<semaphore_mem>>) src(%dma_wait3A_66 : memref<128x128xf32, #tpu.memory_space<vmem_shared>>) dst(%arg8 : memref<128x128xf32, #tpu.memory_space<vmem>>)
      tpu.yield
    }) : () -> ()
    "tpu.region"() ({
      %run_scoped3A = tpu.sem_alloc : memref<!tpu.dma_semaphore, #tpu.memory_space<semaphore_mem>>
      %dma_start3A = arith.constant 0 : i32
      %dma_start3A_61 = tpu.memref_slice %arg6[%arg0, %add3A_60, %dma_start3A] : memref<2x10240x128xf32, #tpu.memory_space<hbm>> -> memref<1x128x128xf32, #tpu.memory_space<hbm>>
      %dma_start3A_62 = tpu.memref_squeeze %dma_start3A_61 : memref<1x128x128xf32, #tpu.memory_space<hbm>> -> memref<128x128xf32, #tpu.memory_space<hbm>>
      %dma_start3A_63 = arith.constant 0 : i32
      %dma_start3A_64 = tpu.memref_slice %arg6[%arg0, %add3A_60, %dma_start3A_63] : memref<2x10240x128xf32, #tpu.memory_space<hbm>> -> memref<1x128x128xf32, #tpu.memory_space<hbm>>
      %dma_start3A_65 = tpu.memref_squeeze %dma_start3A_64 : memref<1x128x128xf32, #tpu.memory_space<hbm>> -> memref<128x128xf32, #tpu.memory_space<hbm>>
      tpu.enqueue_dma source(%arg8 : memref<128x128xf32, #tpu.memory_space<vmem>>) target(%dma_start3A_65 : memref<128x128xf32, #tpu.memory_space<hbm>>) target_semaphore(%run_scoped3A : memref<!tpu.dma_semaphore, #tpu.memory_space<semaphore_mem>>)
      %dma_wait3A = arith.constant 0 : i32
      %dma_wait3A_66 = tpu.memref_slice %arg6[%arg0, %add3A_60, %dma_wait3A] : memref<2x10240x128xf32, #tpu.memory_space<hbm>> -> memref<1x128x128xf32, #tpu.memory_space<hbm>>
      %dma_wait3A_67 = tpu.memref_squeeze %dma_wait3A_66 : memref<1x128x128xf32, #tpu.memory_space<hbm>> -> memref<128x128xf32, #tpu.memory_space<hbm>>
      %dma_wait3A_68 = arith.constant 0 : i32
      %dma_wait3A_69 = tpu.memref_slice %arg6[%arg0, %add3A_60, %dma_wait3A_68] : memref<2x10240x128xf32, #tpu.memory_space<hbm>> -> memref<1x128x128xf32, #tpu.memory_space<hbm>>
      %dma_wait3A_70 = tpu.memref_squeeze %dma_wait3A_69 : memref<1x128x128xf32, #tpu.memory_space<hbm>> -> memref<128x128xf32, #tpu.memory_space<hbm>>
      tpu.wait_dma2 semaphore(%run_scoped3A : memref<!tpu.dma_semaphore, #tpu.memory_space<semaphore_mem>>) src(%arg8 : memref<128x128xf32, #tpu.memory_space<vmem>>) dst(%dma_wait3A_70 : memref<128x128xf32, #tpu.memory_space<hbm>>)
      tpu.yield
    }) : () -> ()
    return
  }
}

#map = affine_map<(d0, d1) -> (0, 0)>
#map1 = affine_map<(d0, d1) -> (0)>
#map2 = affine_map<(d0, d1) -> (0, 0, 0)>
module attributes {stable_mosaic.version = 14 : i64} {
  func.func @k(%arg0: i32, %arg1: i32, %arg2: memref<10240x128xf32, #tpu.memory_space<hbm>>, %arg3: memref<323584xi32, #tpu.memory_space<hbm>>, %arg4: memref<323584xi32, #tpu.memory_space<hbm>>, %arg5: memref<128x128xf32, #tpu.memory_space<hbm>>, %arg6: memref<2x10240x128xf32, #tpu.memory_space<hbm>>, %arg7: memref<10240x128xf32, #tpu.memory_space<vmem_shared>>, %arg8: memref<128x128xf32, #tpu.memory_space<vmem>>, %arg9: memref<128xi32, #tpu.memory_space<vmem>>, %arg10: memref<128xi32, #tpu.memory_space<vmem>>, %arg11: memref<!tpu.dma_semaphore, #tpu.memory_space<semaphore_mem>>) attributes {dimension_semantics = [#tpu.dimension_semantics<core_parallel>, #tpu.dimension_semantics<subcore_parallel>], iteration_bounds = array<i64: 2, 16>, scalar_prefetch = 0 : i64, scratch_operands = 5 : i64, tpu.core_type = #tpu.core_type<sc_vector_subcore>, window_params = [{transform_indices = #map}, {transform_indices = #map1}, {transform_indices = #map1}, {transform_indices = #map}, {transform_indices = #map2}]} {
    "tpu.region"() ({
      %run_scoped3A = tpu.sem_alloc : memref<!tpu.dma_semaphore, #tpu.memory_space<semaphore_mem>>
      tpu.enqueue_dma source(%arg5 : memref<128x128xf32, #tpu.memory_space<hbm>>) target(%arg8 : memref<128x128xf32, #tpu.memory_space<vmem>>) target_semaphore(%run_scoped3A : memref<!tpu.dma_semaphore, #tpu.memory_space<semaphore_mem>>)
      tpu.wait_dma2 semaphore(%run_scoped3A : memref<!tpu.dma_semaphore, #tpu.memory_space<semaphore_mem>>) src(%arg5 : memref<128x128xf32, #tpu.memory_space<hbm>>) dst(%arg8 : memref<128x128xf32, #tpu.memory_space<vmem>>)
      tpu.yield
    }) : () -> ()
    %mul3A = arith.constant 640 : i32
    %mul3A_0 = arith.muli %arg1, %mul3A : i32
    %add3A = arith.constant 0 : i32
    %add3A_1 = arith.addi %mul3A_0, %add3A : i32
    "tpu.region"() ({
      %run_scoped3A = tpu.sem_alloc : memref<!tpu.dma_semaphore, #tpu.memory_space<semaphore_mem>>
      %dma_start3A = arith.constant 0 : i32
      %dma_start3A_61 = tpu.memref_slice %arg7[%add3A_1, %dma_start3A] : memref<10240x128xf32, #tpu.memory_space<vmem_shared>> -> memref<128x128xf32, #tpu.memory_space<vmem_shared>>
      %dma_start3A_62 = arith.constant 0 : i32
      %dma_start3A_63 = tpu.memref_slice %arg7[%add3A_1, %dma_start3A_62] : memref<10240x128xf32, #tpu.memory_space<vmem_shared>> -> memref<128x128xf32, #tpu.memory_space<vmem_shared>>
      tpu.enqueue_dma source(%arg8 : memref<128x128xf32, #tpu.memory_space<vmem>>) target(%dma_start3A_63 : memref<128x128xf32, #tpu.memory_space<vmem_shared>>) target_semaphore(%run_scoped3A : memref<!tpu.dma_semaphore, #tpu.memory_space<semaphore_mem>>)
      %dma_wait3A = arith.constant 0 : i32
      %dma_wait3A_64 = tpu.memref_slice %arg7[%add3A_1, %dma_wait3A] : memref<10240x128xf32, #tpu.memory_space<vmem_shared>> -> memref<128x128xf32, #tpu.memory_space<vmem_shared>>
      %dma_wait3A_65 = arith.constant 0 : i32
      %dma_wait3A_66 = tpu.memref_slice %arg7[%add3A_1, %dma_wait3A_65] : memref<10240x128xf32, #tpu.memory_space<vmem_shared>> -> memref<128x128xf32, #tpu.memory_space<vmem_shared>>
      tpu.wait_dma2 semaphore(%run_scoped3A : memref<!tpu.dma_semaphore, #tpu.memory_space<semaphore_mem>>) src(%arg8 : memref<128x128xf32, #tpu.memory_space<vmem>>) dst(%dma_wait3A_66 : memref<128x128xf32, #tpu.memory_space<vmem_shared>>)
      tpu.yield
    }) : () -> ()
    %mul3A_2 = arith.constant 640 : i32
    %mul3A_3 = arith.muli %arg1, %mul3A_2 : i32
    %add3A_4 = arith.constant 128 : i32
    %add3A_5 = arith.addi %mul3A_3, %add3A_4 : i32
    "tpu.region"() ({
      %run_scoped3A = tpu.sem_alloc : memref<!tpu.dma_semaphore, #tpu.memory_space<semaphore_mem>>
      %dma_start3A = arith.constant 0 : i32
      %dma_start3A_61 = tpu.memref_slice %arg7[%add3A_5, %dma_start3A] : memref<10240x128xf32, #tpu.memory_space<vmem_shared>> -> memref<128x128xf32, #tpu.memory_space<vmem_shared>>
      %dma_start3A_62 = arith.constant 0 : i32
      %dma_start3A_63 = tpu.memref_slice %arg7[%add3A_5, %dma_start3A_62] : memref<10240x128xf32, #tpu.memory_space<vmem_shared>> -> memref<128x128xf32, #tpu.memory_space<vmem_shared>>
      tpu.enqueue_dma source(%arg8 : memref<128x128xf32, #tpu.memory_space<vmem>>) target(%dma_start3A_63 : memref<128x128xf32, #tpu.memory_space<vmem_shared>>) target_semaphore(%run_scoped3A : memref<!tpu.dma_semaphore, #tpu.memory_space<semaphore_mem>>)
      %dma_wait3A = arith.constant 0 : i32
      %dma_wait3A_64 = tpu.memref_slice %arg7[%add3A_5, %dma_wait3A] : memref<10240x128xf32, #tpu.memory_space<vmem_shared>> -> memref<128x128xf32, #tpu.memory_space<vmem_shared>>
      %dma_wait3A_65 = arith.constant 0 : i32
      %dma_wait3A_66 = tpu.memref_slice %arg7[%add3A_5, %dma_wait3A_65] : memref<10240x128xf32, #tpu.memory_space<vmem_shared>> -> memref<128x128xf32, #tpu.memory_space<vmem_shared>>
      tpu.wait_dma2 semaphore(%run_scoped3A : memref<!tpu.dma_semaphore, #tpu.memory_space<semaphore_mem>>) src(%arg8 : memref<128x128xf32, #tpu.memory_space<vmem>>) dst(%dma_wait3A_66 : memref<128x128xf32, #tpu.memory_space<vmem_shared>>)
      tpu.yield
    }) : () -> ()
    %mul3A_6 = arith.constant 640 : i32
    %mul3A_7 = arith.muli %arg1, %mul3A_6 : i32
    %add3A_8 = arith.constant 256 : i32
    %add3A_9 = arith.addi %mul3A_7, %add3A_8 : i32
    "tpu.region"() ({
      %run_scoped3A = tpu.sem_alloc : memref<!tpu.dma_semaphore, #tpu.memory_space<semaphore_mem>>
      %dma_start3A = arith.constant 0 : i32
      %dma_start3A_61 = tpu.memref_slice %arg7[%add3A_9, %dma_start3A] : memref<10240x128xf32, #tpu.memory_space<vmem_shared>> -> memref<128x128xf32, #tpu.memory_space<vmem_shared>>
      %dma_start3A_62 = arith.constant 0 : i32
      %dma_start3A_63 = tpu.memref_slice %arg7[%add3A_9, %dma_start3A_62] : memref<10240x128xf32, #tpu.memory_space<vmem_shared>> -> memref<128x128xf32, #tpu.memory_space<vmem_shared>>
      tpu.enqueue_dma source(%arg8 : memref<128x128xf32, #tpu.memory_space<vmem>>) target(%dma_start3A_63 : memref<128x128xf32, #tpu.memory_space<vmem_shared>>) target_semaphore(%run_scoped3A : memref<!tpu.dma_semaphore, #tpu.memory_space<semaphore_mem>>)
      %dma_wait3A = arith.constant 0 : i32
      %dma_wait3A_64 = tpu.memref_slice %arg7[%add3A_9, %dma_wait3A] : memref<10240x128xf32, #tpu.memory_space<vmem_shared>> -> memref<128x128xf32, #tpu.memory_space<vmem_shared>>
      %dma_wait3A_65 = arith.constant 0 : i32
      %dma_wait3A_66 = tpu.memref_slice %arg7[%add3A_9, %dma_wait3A_65] : memref<10240x128xf32, #tpu.memory_space<vmem_shared>> -> memref<128x128xf32, #tpu.memory_space<vmem_shared>>
      tpu.wait_dma2 semaphore(%run_scoped3A : memref<!tpu.dma_semaphore, #tpu.memory_space<semaphore_mem>>) src(%arg8 : memref<128x128xf32, #tpu.memory_space<vmem>>) dst(%dma_wait3A_66 : memref<128x128xf32, #tpu.memory_space<vmem_shared>>)
      tpu.yield
    }) : () -> ()
    %mul3A_10 = arith.constant 640 : i32
    %mul3A_11 = arith.muli %arg1, %mul3A_10 : i32
    %add3A_12 = arith.constant 384 : i32
    %add3A_13 = arith.addi %mul3A_11, %add3A_12 : i32
    "tpu.region"() ({
      %run_scoped3A = tpu.sem_alloc : memref<!tpu.dma_semaphore, #tpu.memory_space<semaphore_mem>>
      %dma_start3A = arith.constant 0 : i32
      %dma_start3A_61 = tpu.memref_slice %arg7[%add3A_13, %dma_start3A] : memref<10240x128xf32, #tpu.memory_space<vmem_shared>> -> memref<128x128xf32, #tpu.memory_space<vmem_shared>>
      %dma_start3A_62 = arith.constant 0 : i32
      %dma_start3A_63 = tpu.memref_slice %arg7[%add3A_13, %dma_start3A_62] : memref<10240x128xf32, #tpu.memory_space<vmem_shared>> -> memref<128x128xf32, #tpu.memory_space<vmem_shared>>
      tpu.enqueue_dma source(%arg8 : memref<128x128xf32, #tpu.memory_space<vmem>>) target(%dma_start3A_63 : memref<128x128xf32, #tpu.memory_space<vmem_shared>>) target_semaphore(%run_scoped3A : memref<!tpu.dma_semaphore, #tpu.memory_space<semaphore_mem>>)
      %dma_wait3A = arith.constant 0 : i32
      %dma_wait3A_64 = tpu.memref_slice %arg7[%add3A_13, %dma_wait3A] : memref<10240x128xf32, #tpu.memory_space<vmem_shared>> -> memref<128x128xf32, #tpu.memory_space<vmem_shared>>
      %dma_wait3A_65 = arith.constant 0 : i32
      %dma_wait3A_66 = tpu.memref_slice %arg7[%add3A_13, %dma_wait3A_65] : memref<10240x128xf32, #tpu.memory_space<vmem_shared>> -> memref<128x128xf32, #tpu.memory_space<vmem_shared>>
      tpu.wait_dma2 semaphore(%run_scoped3A : memref<!tpu.dma_semaphore, #tpu.memory_space<semaphore_mem>>) src(%arg8 : memref<128x128xf32, #tpu.memory_space<vmem>>) dst(%dma_wait3A_66 : memref<128x128xf32, #tpu.memory_space<vmem_shared>>)
      tpu.yield
    }) : () -> ()
    %mul3A_14 = arith.constant 640 : i32
    %mul3A_15 = arith.muli %arg1, %mul3A_14 : i32
    %add3A_16 = arith.constant 512 : i32
    %add3A_17 = arith.addi %mul3A_15, %add3A_16 : i32
    "tpu.region"() ({
      %run_scoped3A = tpu.sem_alloc : memref<!tpu.dma_semaphore, #tpu.memory_space<semaphore_mem>>
      %dma_start3A = arith.constant 0 : i32
      %dma_start3A_61 = tpu.memref_slice %arg7[%add3A_17, %dma_start3A] : memref<10240x128xf32, #tpu.memory_space<vmem_shared>> -> memref<128x128xf32, #tpu.memory_space<vmem_shared>>
      %dma_start3A_62 = arith.constant 0 : i32
      %dma_start3A_63 = tpu.memref_slice %arg7[%add3A_17, %dma_start3A_62] : memref<10240x128xf32, #tpu.memory_space<vmem_shared>> -> memref<128x128xf32, #tpu.memory_space<vmem_shared>>
      tpu.enqueue_dma source(%arg8 : memref<128x128xf32, #tpu.memory_space<vmem>>) target(%dma_start3A_63 : memref<128x128xf32, #tpu.memory_space<vmem_shared>>) target_semaphore(%run_scoped3A : memref<!tpu.dma_semaphore, #tpu.memory_space<semaphore_mem>>)
      %dma_wait3A = arith.constant 0 : i32
      %dma_wait3A_64 = tpu.memref_slice %arg7[%add3A_17, %dma_wait3A] : memref<10240x128xf32, #tpu.memory_space<vmem_shared>> -> memref<128x128xf32, #tpu.memory_space<vmem_shared>>
      %dma_wait3A_65 = arith.constant 0 : i32
      %dma_wait3A_66 = tpu.memref_slice %arg7[%add3A_17, %dma_wait3A_65] : memref<10240x128xf32, #tpu.memory_space<vmem_shared>> -> memref<128x128xf32, #tpu.memory_space<vmem_shared>>
      tpu.wait_dma2 semaphore(%run_scoped3A : memref<!tpu.dma_semaphore, #tpu.memory_space<semaphore_mem>>) src(%arg8 : memref<128x128xf32, #tpu.memory_space<vmem>>) dst(%dma_wait3A_66 : memref<128x128xf32, #tpu.memory_space<vmem_shared>>)
      tpu.yield
    }) : () -> ()
    %barrier3A = arith.constant 0 : index
    tpu.barrier barrier_id(%barrier3A)
    %eq3A = arith.constant 0 : i32
    %eq3A_18 = arith.cmpi eq, %arg0, %eq3A : i32
    %mul3A_19 = arith.constant 79 : i32
    %mul3A_20 = arith.muli %arg1, %mul3A_19 : i32
    %mul3A_21 = arith.constant 79 : i32
    %mul3A_22 = arith.muli %arg1, %mul3A_21 : i32
    %add3A_23 = arith.constant 1264 : i32
    %add3A_24 = arith.addi %add3A_23, %mul3A_22 : i32
    %select_n3A = arith.select %eq3A_18, %mul3A_20, %add3A_24 : i32
    %eq3A_25 = arith.constant 0 : i32
    %eq3A_26 = arith.cmpi eq, %arg0, %eq3A_25 : i32
    %jit3A = arith.constant 79 : i32
    %jit3A_27 = arith.constant 79 : i32
    %select_n3A_28 = arith.select %eq3A_26, %jit3A, %jit3A_27 : i32
    %while3A = arith.constant 0 : i32
    %while3A_29 = arith.constant 0 : i32
    %while3A_30 = arith.subi %select_n3A_28, %while3A : i32
    %while3A_31 = arith.addi %while3A, %while3A_30 : i32
    %while3A_32 = arith.constant 1 : i32
    %while3A_33 = arith.divsi %while3A_30, %while3A_32 : i32
    %while3A_34 = arith.muli %while3A_33, %while3A_32 : i32
    %while3A_35 = arith.addi %while3A, %while3A_34 : i32
    %while3A_36 = arith.constant 1 : i32
    %while3A_37 = scf.for %while3A_61 = %while3A to %while3A_35 step %while3A_36 iter_args(%while3A_62 = %while3A_29) -> (i32)  : i32 {
      %add3A_63 = arith.addi %select_n3A, %while3A_61 : i32
      %mul3A_64 = arith.constant 128 : i32
      %mul3A_65 = arith.muli %add3A_63, %mul3A_64 : i32
      "tpu.region"() ({
        %run_scoped3A = tpu.sem_alloc : memref<!tpu.dma_semaphore, #tpu.memory_space<semaphore_mem>>
        %dma_start3A_71 = tpu.memref_slice %arg3[%mul3A_65] : memref<323584xi32, #tpu.memory_space<hbm>> -> memref<128xi32, #tpu.memory_space<hbm>>
        %dma_start3A_72 = tpu.memref_slice %arg3[%mul3A_65] : memref<323584xi32, #tpu.memory_space<hbm>> -> memref<128xi32, #tpu.memory_space<hbm>>
        tpu.enqueue_dma source(%dma_start3A_72 : memref<128xi32, #tpu.memory_space<hbm>>) target(%arg9 : memref<128xi32, #tpu.memory_space<vmem>>) target_semaphore(%run_scoped3A : memref<!tpu.dma_semaphore, #tpu.memory_space<semaphore_mem>>)
        %dma_wait3A_73 = tpu.memref_slice %arg3[%mul3A_65] : memref<323584xi32, #tpu.memory_space<hbm>> -> memref<128xi32, #tpu.memory_space<hbm>>
        %dma_wait3A_74 = tpu.memref_slice %arg3[%mul3A_65] : memref<323584xi32, #tpu.memory_space<hbm>> -> memref<128xi32, #tpu.memory_space<hbm>>
        tpu.wait_dma2 semaphore(%run_scoped3A : memref<!tpu.dma_semaphore, #tpu.memory_space<semaphore_mem>>) src(%dma_wait3A_74 : memref<128xi32, #tpu.memory_space<hbm>>) dst(%arg9 : memref<128xi32, #tpu.memory_space<vmem>>)
        tpu.yield
      }) : () -> ()
      "tpu.region"() ({
        %run_scoped3A = tpu.sem_alloc : memref<!tpu.dma_semaphore, #tpu.memory_space<semaphore_mem>>
        %dma_start3A_71 = tpu.memref_slice %arg4[%mul3A_65] : memref<323584xi32, #tpu.memory_space<hbm>> -> memref<128xi32, #tpu.memory_space<hbm>>
        %dma_start3A_72 = tpu.memref_slice %arg4[%mul3A_65] : memref<323584xi32, #tpu.memory_space<hbm>> -> memref<128xi32, #tpu.memory_space<hbm>>
        tpu.enqueue_dma source(%dma_start3A_72 : memref<128xi32, #tpu.memory_space<hbm>>) target(%arg10 : memref<128xi32, #tpu.memory_space<vmem>>) target_semaphore(%run_scoped3A : memref<!tpu.dma_semaphore, #tpu.memory_space<semaphore_mem>>)
        %dma_wait3A_73 = tpu.memref_slice %arg4[%mul3A_65] : memref<323584xi32, #tpu.memory_space<hbm>> -> memref<128xi32, #tpu.memory_space<hbm>>
        %dma_wait3A_74 = tpu.memref_slice %arg4[%mul3A_65] : memref<323584xi32, #tpu.memory_space<hbm>> -> memref<128xi32, #tpu.memory_space<hbm>>
        tpu.wait_dma2 semaphore(%run_scoped3A : memref<!tpu.dma_semaphore, #tpu.memory_space<semaphore_mem>>) src(%dma_wait3A_74 : memref<128xi32, #tpu.memory_space<hbm>>) dst(%arg10 : memref<128xi32, #tpu.memory_space<vmem>>)
        tpu.yield
      }) : () -> ()
      %dma_start3A = arith.constant 0 : i32
      %dma_start3A_66 = arith.constant 0 : i32
      %dma_start3A_67 = tpu.memref_slice %arg2[%dma_start3A, %dma_start3A_66] : memref<10240x128xf32, #tpu.memory_space<hbm>> -> memref<10240x128xf32, #tpu.memory_space<hbm>>
      tpu.enqueue_indirect_dma source(%dma_start3A_67 : memref<10240x128xf32, #tpu.memory_space<hbm>>) target(%arg8 : memref<128x128xf32, #tpu.memory_space<vmem>>) offsets(%arg9 : memref<128xi32, #tpu.memory_space<vmem>>) semaphore(%arg11 : memref<!tpu.dma_semaphore, #tpu.memory_space<semaphore_mem>>)
      %dma_wait3A = arith.constant 0 : i32
      %dma_wait3A_68 = arith.constant 0 : i32
      %dma_wait3A_69 = tpu.memref_slice %arg2[%dma_wait3A, %dma_wait3A_68] : memref<10240x128xf32, #tpu.memory_space<hbm>> -> memref<10240x128xf32, #tpu.memory_space<hbm>>
      tpu.wait_indirect_dma semaphore(%arg11 : memref<!tpu.dma_semaphore, #tpu.memory_space<semaphore_mem>>) src(%dma_wait3A_69 : memref<10240x128xf32, #tpu.memory_space<hbm>>) dst(%arg8 : memref<128x128xf32, #tpu.memory_space<vmem>>)
      "tpu.region"() ({
        %run_scoped3A = tpu.sem_alloc : memref<!tpu.dma_semaphore, #tpu.memory_space<semaphore_mem>>
        %dma_start3A_71 = arith.constant 0 : i32
        %dma_start3A_72 = arith.constant 0 : i32
        %dma_start3A_73 = tpu.memref_slice %arg7[%dma_start3A_71, %dma_start3A_72] : memref<10240x128xf32, #tpu.memory_space<vmem_shared>> -> memref<10240x128xf32, #tpu.memory_space<vmem_shared>>
        tpu.enqueue_indirect_dma source(%arg8 : memref<128x128xf32, #tpu.memory_space<vmem>>) target(%dma_start3A_73 : memref<10240x128xf32, #tpu.memory_space<vmem_shared>>) offsets(%arg10 : memref<128xi32, #tpu.memory_space<vmem>>) semaphore(%run_scoped3A : memref<!tpu.dma_semaphore, #tpu.memory_space<semaphore_mem>>) {add = true}
        %dma_wait3A_74 = arith.constant 0 : i32
        %dma_wait3A_75 = arith.constant 0 : i32
        %dma_wait3A_76 = tpu.memref_slice %arg7[%dma_wait3A_74, %dma_wait3A_75] : memref<10240x128xf32, #tpu.memory_space<vmem_shared>> -> memref<10240x128xf32, #tpu.memory_space<vmem_shared>>
        tpu.wait_indirect_dma semaphore(%run_scoped3A : memref<!tpu.dma_semaphore, #tpu.memory_space<semaphore_mem>>) src(%arg8 : memref<128x128xf32, #tpu.memory_space<vmem>>) dst(%dma_wait3A_76 : memref<10240x128xf32, #tpu.memory_space<vmem_shared>>)
        tpu.yield
      }) : () -> ()
      %while3A_70 = arith.constant 0 : i32
      scf.yield %while3A_70 : i32
    }
    %while3A_38 = arith.constant 1 : i32
    %while3A_39 = scf.for %while3A_61 = %while3A_35 to %while3A_31 step %while3A_38 iter_args(%while3A_62 = %while3A_37) -> (i32)  : i32 {
      %add3A_63 = arith.addi %select_n3A, %while3A_61 : i32
      %mul3A_64 = arith.constant 128 : i32
      %mul3A_65 = arith.muli %add3A_63, %mul3A_64 : i32
      "tpu.region"() ({
        %run_scoped3A = tpu.sem_alloc : memref<!tpu.dma_semaphore, #tpu.memory_space<semaphore_mem>>
        %dma_start3A_71 = tpu.memref_slice %arg3[%mul3A_65] : memref<323584xi32, #tpu.memory_space<hbm>> -> memref<128xi32, #tpu.memory_space<hbm>>
        %dma_start3A_72 = tpu.memref_slice %arg3[%mul3A_65] : memref<323584xi32, #tpu.memory_space<hbm>> -> memref<128xi32, #tpu.memory_space<hbm>>
        tpu.enqueue_dma source(%dma_start3A_72 : memref<128xi32, #tpu.memory_space<hbm>>) target(%arg9 : memref<128xi32, #tpu.memory_space<vmem>>) target_semaphore(%run_scoped3A : memref<!tpu.dma_semaphore, #tpu.memory_space<semaphore_mem>>)
        %dma_wait3A_73 = tpu.memref_slice %arg3[%mul3A_65] : memref<323584xi32, #tpu.memory_space<hbm>> -> memref<128xi32, #tpu.memory_space<hbm>>
        %dma_wait3A_74 = tpu.memref_slice %arg3[%mul3A_65] : memref<323584xi32, #tpu.memory_space<hbm>> -> memref<128xi32, #tpu.memory_space<hbm>>
        tpu.wait_dma2 semaphore(%run_scoped3A : memref<!tpu.dma_semaphore, #tpu.memory_space<semaphore_mem>>) src(%dma_wait3A_74 : memref<128xi32, #tpu.memory_space<hbm>>) dst(%arg9 : memref<128xi32, #tpu.memory_space<vmem>>)
        tpu.yield
      }) : () -> ()
      "tpu.region"() ({
        %run_scoped3A = tpu.sem_alloc : memref<!tpu.dma_semaphore, #tpu.memory_space<semaphore_mem>>
        %dma_start3A_71 = tpu.memref_slice %arg4[%mul3A_65] : memref<323584xi32, #tpu.memory_space<hbm>> -> memref<128xi32, #tpu.memory_space<hbm>>
        %dma_start3A_72 = tpu.memref_slice %arg4[%mul3A_65] : memref<323584xi32, #tpu.memory_space<hbm>> -> memref<128xi32, #tpu.memory_space<hbm>>
        tpu.enqueue_dma source(%dma_start3A_72 : memref<128xi32, #tpu.memory_space<hbm>>) target(%arg10 : memref<128xi32, #tpu.memory_space<vmem>>) target_semaphore(%run_scoped3A : memref<!tpu.dma_semaphore, #tpu.memory_space<semaphore_mem>>)
        %dma_wait3A_73 = tpu.memref_slice %arg4[%mul3A_65] : memref<323584xi32, #tpu.memory_space<hbm>> -> memref<128xi32, #tpu.memory_space<hbm>>
        %dma_wait3A_74 = tpu.memref_slice %arg4[%mul3A_65] : memref<323584xi32, #tpu.memory_space<hbm>> -> memref<128xi32, #tpu.memory_space<hbm>>
        tpu.wait_dma2 semaphore(%run_scoped3A : memref<!tpu.dma_semaphore, #tpu.memory_space<semaphore_mem>>) src(%dma_wait3A_74 : memref<128xi32, #tpu.memory_space<hbm>>) dst(%arg10 : memref<128xi32, #tpu.memory_space<vmem>>)
        tpu.yield
      }) : () -> ()
      %dma_start3A = arith.constant 0 : i32
      %dma_start3A_66 = arith.constant 0 : i32
      %dma_start3A_67 = tpu.memref_slice %arg2[%dma_start3A, %dma_start3A_66] : memref<10240x128xf32, #tpu.memory_space<hbm>> -> memref<10240x128xf32, #tpu.memory_space<hbm>>
      tpu.enqueue_indirect_dma source(%dma_start3A_67 : memref<10240x128xf32, #tpu.memory_space<hbm>>) target(%arg8 : memref<128x128xf32, #tpu.memory_space<vmem>>) offsets(%arg9 : memref<128xi32, #tpu.memory_space<vmem>>) semaphore(%arg11 : memref<!tpu.dma_semaphore, #tpu.memory_space<semaphore_mem>>)
      %dma_wait3A = arith.constant 0 : i32
      %dma_wait3A_68 = arith.constant 0 : i32
      %dma_wait3A_69 = tpu.memref_slice %arg2[%dma_wait3A, %dma_wait3A_68] : memref<10240x128xf32, #tpu.memory_space<hbm>> -> memref<10240x128xf32, #tpu.memory_space<hbm>>
      tpu.wait_indirect_dma semaphore(%arg11 : memref<!tpu.dma_semaphore, #tpu.memory_space<semaphore_mem>>) src(%dma_wait3A_69 : memref<10240x128xf32, #tpu.memory_space<hbm>>) dst(%arg8 : memref<128x128xf32, #tpu.memory_space<vmem>>)
      "tpu.region"() ({
        %run_scoped3A = tpu.sem_alloc : memref<!tpu.dma_semaphore, #tpu.memory_space<semaphore_mem>>
        %dma_start3A_71 = arith.constant 0 : i32
        %dma_start3A_72 = arith.constant 0 : i32
        %dma_start3A_73 = tpu.memref_slice %arg7[%dma_start3A_71, %dma_start3A_72] : memref<10240x128xf32, #tpu.memory_space<vmem_shared>> -> memref<10240x128xf32, #tpu.memory_space<vmem_shared>>
        tpu.enqueue_indirect_dma source(%arg8 : memref<128x128xf32, #tpu.memory_space<vmem>>) target(%dma_start3A_73 : memref<10240x128xf32, #tpu.memory_space<vmem_shared>>) offsets(%arg10 : memref<128xi32, #tpu.memory_space<vmem>>) semaphore(%run_scoped3A : memref<!tpu.dma_semaphore, #tpu.memory_space<semaphore_mem>>) {add = true}
        %dma_wait3A_74 = arith.constant 0 : i32
        %dma_wait3A_75 = arith.constant 0 : i32
        %dma_wait3A_76 = tpu.memref_slice %arg7[%dma_wait3A_74, %dma_wait3A_75] : memref<10240x128xf32, #tpu.memory_space<vmem_shared>> -> memref<10240x128xf32, #tpu.memory_space<vmem_shared>>
        tpu.wait_indirect_dma semaphore(%run_scoped3A : memref<!tpu.dma_semaphore, #tpu.memory_space<semaphore_mem>>) src(%arg8 : memref<128x128xf32, #tpu.memory_space<vmem>>) dst(%dma_wait3A_76 : memref<10240x128xf32, #tpu.memory_space<vmem_shared>>)
        tpu.yield
      }) : () -> ()
      %while3A_70 = arith.constant 0 : i32
      scf.yield %while3A_70 : i32
    }
    %barrier3A_40 = arith.constant 0 : index
    tpu.barrier barrier_id(%barrier3A_40)
    %mul3A_41 = arith.constant 640 : i32
    %mul3A_42 = arith.muli %arg1, %mul3A_41 : i32
    %add3A_43 = arith.constant 0 : i32
    %add3A_44 = arith.addi %mul3A_42, %add3A_43 : i32
    "tpu.region"() ({
      %run_scoped3A = tpu.sem_alloc : memref<!tpu.dma_semaphore, #tpu.memory_space<semaphore_mem>>
      %dma_start3A = arith.constant 0 : i32
      %dma_start3A_61 = tpu.memref_slice %arg7[%add3A_44, %dma_start3A] : memref<10240x128xf32, #tpu.memory_space<vmem_shared>> -> memref<128x128xf32, #tpu.memory_space<vmem_shared>>
      %dma_start3A_62 = arith.constant 0 : i32
      %dma_start3A_63 = tpu.memref_slice %arg7[%add3A_44, %dma_start3A_62] : memref<10240x128xf32, #tpu.memory_space<vmem_shared>> -> memref<128x128xf32, #tpu.memory_space<vmem_shared>>
      tpu.enqueue_dma source(%dma_start3A_63 : memref<128x128xf32, #tpu.memory_space<vmem_shared>>) target(%arg8 : memref<128x128xf32, #tpu.memory_space<vmem>>) target_semaphore(%run_scoped3A : memref<!tpu.dma_semaphore, #tpu.memory_space<semaphore_mem>>)
      %dma_wait3A = arith.constant 0 : i32
      %dma_wait3A_64 = tpu.memref_slice %arg7[%add3A_44, %dma_wait3A] : memref<10240x128xf32, #tpu.memory_space<vmem_shared>> -> memref<128x128xf32, #tpu.memory_space<vmem_shared>>
      %dma_wait3A_65 = arith.constant 0 : i32
      %dma_wait3A_66 = tpu.memref_slice %arg7[%add3A_44, %dma_wait3A_65] : memref<10240x128xf32, #tpu.memory_space<vmem_shared>> -> memref<128x128xf32, #tpu.memory_space<vmem_shared>>
      tpu.wait_dma2 semaphore(%run_scoped3A : memref<!tpu.dma_semaphore, #tpu.memory_space<semaphore_mem>>) src(%dma_wait3A_66 : memref<128x128xf32, #tpu.memory_space<vmem_shared>>) dst(%arg8 : memref<128x128xf32, #tpu.memory_space<vmem>>)
      tpu.yield
    }) : () -> ()
    "tpu.region"() ({
      %run_scoped3A = tpu.sem_alloc : memref<!tpu.dma_semaphore, #tpu.memory_space<semaphore_mem>>
      %dma_start3A = arith.constant 0 : i32
      %dma_start3A_61 = tpu.memref_slice %arg6[%arg0, %add3A_44, %dma_start3A] : memref<2x10240x128xf32, #tpu.memory_space<hbm>> -> memref<1x128x128xf32, #tpu.memory_space<hbm>>
      %dma_start3A_62 = tpu.memref_squeeze %dma_start3A_61 : memref<1x128x128xf32, #tpu.memory_space<hbm>> -> memref<128x128xf32, #tpu.memory_space<hbm>>
      %dma_start3A_63 = arith.constant 0 : i32
      %dma_start3A_64 = tpu.memref_slice %arg6[%arg0, %add3A_44, %dma_start3A_63] : memref<2x10240x128xf32, #tpu.memory_space<hbm>> -> memref<1x128x128xf32, #tpu.memory_space<hbm>>
      %dma_start3A_65 = tpu.memref_squeeze %dma_start3A_64 : memref<1x128x128xf32, #tpu.memory_space<hbm>> -> memref<128x128xf32, #tpu.memory_space<hbm>>
      tpu.enqueue_dma source(%arg8 : memref<128x128xf32, #tpu.memory_space<vmem>>) target(%dma_start3A_65 : memref<128x128xf32, #tpu.memory_space<hbm>>) target_semaphore(%run_scoped3A : memref<!tpu.dma_semaphore, #tpu.memory_space<semaphore_mem>>)
      %dma_wait3A = arith.constant 0 : i32
      %dma_wait3A_66 = tpu.memref_slice %arg6[%arg0, %add3A_44, %dma_wait3A] : memref<2x10240x128xf32, #tpu.memory_space<hbm>> -> memref<1x128x128xf32, #tpu.memory_space<hbm>>
      %dma_wait3A_67 = tpu.memref_squeeze %dma_wait3A_66 : memref<1x128x128xf32, #tpu.memory_space<hbm>> -> memref<128x128xf32, #tpu.memory_space<hbm>>
      %dma_wait3A_68 = arith.constant 0 : i32
      %dma_wait3A_69 = tpu.memref_slice %arg6[%arg0, %add3A_44, %dma_wait3A_68] : memref<2x10240x128xf32, #tpu.memory_space<hbm>> -> memref<1x128x128xf32, #tpu.memory_space<hbm>>
      %dma_wait3A_70 = tpu.memref_squeeze %dma_wait3A_69 : memref<1x128x128xf32, #tpu.memory_space<hbm>> -> memref<128x128xf32, #tpu.memory_space<hbm>>
      tpu.wait_dma2 semaphore(%run_scoped3A : memref<!tpu.dma_semaphore, #tpu.memory_space<semaphore_mem>>) src(%arg8 : memref<128x128xf32, #tpu.memory_space<vmem>>) dst(%dma_wait3A_70 : memref<128x128xf32, #tpu.memory_space<hbm>>)
      tpu.yield
    }) : () -> ()
    %mul3A_45 = arith.constant 640 : i32
    %mul3A_46 = arith.muli %arg1, %mul3A_45 : i32
    %add3A_47 = arith.constant 128 : i32
    %add3A_48 = arith.addi %mul3A_46, %add3A_47 : i32
    "tpu.region"() ({
      %run_scoped3A = tpu.sem_alloc : memref<!tpu.dma_semaphore, #tpu.memory_space<semaphore_mem>>
      %dma_start3A = arith.constant 0 : i32
      %dma_start3A_61 = tpu.memref_slice %arg7[%add3A_48, %dma_start3A] : memref<10240x128xf32, #tpu.memory_space<vmem_shared>> -> memref<128x128xf32, #tpu.memory_space<vmem_shared>>
      %dma_start3A_62 = arith.constant 0 : i32
      %dma_start3A_63 = tpu.memref_slice %arg7[%add3A_48, %dma_start3A_62] : memref<10240x128xf32, #tpu.memory_space<vmem_shared>> -> memref<128x128xf32, #tpu.memory_space<vmem_shared>>
      tpu.enqueue_dma source(%dma_start3A_63 : memref<128x128xf32, #tpu.memory_space<vmem_shared>>) target(%arg8 : memref<128x128xf32, #tpu.memory_space<vmem>>) target_semaphore(%run_scoped3A : memref<!tpu.dma_semaphore, #tpu.memory_space<semaphore_mem>>)
      %dma_wait3A = arith.constant 0 : i32
      %dma_wait3A_64 = tpu.memref_slice %arg7[%add3A_48, %dma_wait3A] : memref<10240x128xf32, #tpu.memory_space<vmem_shared>> -> memref<128x128xf32, #tpu.memory_space<vmem_shared>>
      %dma_wait3A_65 = arith.constant 0 : i32
      %dma_wait3A_66 = tpu.memref_slice %arg7[%add3A_48, %dma_wait3A_65] : memref<10240x128xf32, #tpu.memory_space<vmem_shared>> -> memref<128x128xf32, #tpu.memory_space<vmem_shared>>
      tpu.wait_dma2 semaphore(%run_scoped3A : memref<!tpu.dma_semaphore, #tpu.memory_space<semaphore_mem>>) src(%dma_wait3A_66 : memref<128x128xf32, #tpu.memory_space<vmem_shared>>) dst(%arg8 : memref<128x128xf32, #tpu.memory_space<vmem>>)
      tpu.yield
    }) : () -> ()
    "tpu.region"() ({
      %run_scoped3A = tpu.sem_alloc : memref<!tpu.dma_semaphore, #tpu.memory_space<semaphore_mem>>
      %dma_start3A = arith.constant 0 : i32
      %dma_start3A_61 = tpu.memref_slice %arg6[%arg0, %add3A_48, %dma_start3A] : memref<2x10240x128xf32, #tpu.memory_space<hbm>> -> memref<1x128x128xf32, #tpu.memory_space<hbm>>
      %dma_start3A_62 = tpu.memref_squeeze %dma_start3A_61 : memref<1x128x128xf32, #tpu.memory_space<hbm>> -> memref<128x128xf32, #tpu.memory_space<hbm>>
      %dma_start3A_63 = arith.constant 0 : i32
      %dma_start3A_64 = tpu.memref_slice %arg6[%arg0, %add3A_48, %dma_start3A_63] : memref<2x10240x128xf32, #tpu.memory_space<hbm>> -> memref<1x128x128xf32, #tpu.memory_space<hbm>>
      %dma_start3A_65 = tpu.memref_squeeze %dma_start3A_64 : memref<1x128x128xf32, #tpu.memory_space<hbm>> -> memref<128x128xf32, #tpu.memory_space<hbm>>
      tpu.enqueue_dma source(%arg8 : memref<128x128xf32, #tpu.memory_space<vmem>>) target(%dma_start3A_65 : memref<128x128xf32, #tpu.memory_space<hbm>>) target_semaphore(%run_scoped3A : memref<!tpu.dma_semaphore, #tpu.memory_space<semaphore_mem>>)
      %dma_wait3A = arith.constant 0 : i32
      %dma_wait3A_66 = tpu.memref_slice %arg6[%arg0, %add3A_48, %dma_wait3A] : memref<2x10240x128xf32, #tpu.memory_space<hbm>> -> memref<1x128x128xf32, #tpu.memory_space<hbm>>
      %dma_wait3A_67 = tpu.memref_squeeze %dma_wait3A_66 : memref<1x128x128xf32, #tpu.memory_space<hbm>> -> memref<128x128xf32, #tpu.memory_space<hbm>>
      %dma_wait3A_68 = arith.constant 0 : i32
      %dma_wait3A_69 = tpu.memref_slice %arg6[%arg0, %add3A_48, %dma_wait3A_68] : memref<2x10240x128xf32, #tpu.memory_space<hbm>> -> memref<1x128x128xf32, #tpu.memory_space<hbm>>
      %dma_wait3A_70 = tpu.memref_squeeze %dma_wait3A_69 : memref<1x128x128xf32, #tpu.memory_space<hbm>> -> memref<128x128xf32, #tpu.memory_space<hbm>>
      tpu.wait_dma2 semaphore(%run_scoped3A : memref<!tpu.dma_semaphore, #tpu.memory_space<semaphore_mem>>) src(%arg8 : memref<128x128xf32, #tpu.memory_space<vmem>>) dst(%dma_wait3A_70 : memref<128x128xf32, #tpu.memory_space<hbm>>)
      tpu.yield
    }) : () -> ()
    %mul3A_49 = arith.constant 640 : i32
    %mul3A_50 = arith.muli %arg1, %mul3A_49 : i32
    %add3A_51 = arith.constant 256 : i32
    %add3A_52 = arith.addi %mul3A_50, %add3A_51 : i32
    "tpu.region"() ({
      %run_scoped3A = tpu.sem_alloc : memref<!tpu.dma_semaphore, #tpu.memory_space<semaphore_mem>>
      %dma_start3A = arith.constant 0 : i32
      %dma_start3A_61 = tpu.memref_slice %arg7[%add3A_52, %dma_start3A] : memref<10240x128xf32, #tpu.memory_space<vmem_shared>> -> memref<128x128xf32, #tpu.memory_space<vmem_shared>>
      %dma_start3A_62 = arith.constant 0 : i32
      %dma_start3A_63 = tpu.memref_slice %arg7[%add3A_52, %dma_start3A_62] : memref<10240x128xf32, #tpu.memory_space<vmem_shared>> -> memref<128x128xf32, #tpu.memory_space<vmem_shared>>
      tpu.enqueue_dma source(%dma_start3A_63 : memref<128x128xf32, #tpu.memory_space<vmem_shared>>) target(%arg8 : memref<128x128xf32, #tpu.memory_space<vmem>>) target_semaphore(%run_scoped3A : memref<!tpu.dma_semaphore, #tpu.memory_space<semaphore_mem>>)
      %dma_wait3A = arith.constant 0 : i32
      %dma_wait3A_64 = tpu.memref_slice %arg7[%add3A_52, %dma_wait3A] : memref<10240x128xf32, #tpu.memory_space<vmem_shared>> -> memref<128x128xf32, #tpu.memory_space<vmem_shared>>
      %dma_wait3A_65 = arith.constant 0 : i32
      %dma_wait3A_66 = tpu.memref_slice %arg7[%add3A_52, %dma_wait3A_65] : memref<10240x128xf32, #tpu.memory_space<vmem_shared>> -> memref<128x128xf32, #tpu.memory_space<vmem_shared>>
      tpu.wait_dma2 semaphore(%run_scoped3A : memref<!tpu.dma_semaphore, #tpu.memory_space<semaphore_mem>>) src(%dma_wait3A_66 : memref<128x128xf32, #tpu.memory_space<vmem_shared>>) dst(%arg8 : memref<128x128xf32, #tpu.memory_space<vmem>>)
      tpu.yield
    }) : () -> ()
    "tpu.region"() ({
      %run_scoped3A = tpu.sem_alloc : memref<!tpu.dma_semaphore, #tpu.memory_space<semaphore_mem>>
      %dma_start3A = arith.constant 0 : i32
      %dma_start3A_61 = tpu.memref_slice %arg6[%arg0, %add3A_52, %dma_start3A] : memref<2x10240x128xf32, #tpu.memory_space<hbm>> -> memref<1x128x128xf32, #tpu.memory_space<hbm>>
      %dma_start3A_62 = tpu.memref_squeeze %dma_start3A_61 : memref<1x128x128xf32, #tpu.memory_space<hbm>> -> memref<128x128xf32, #tpu.memory_space<hbm>>
      %dma_start3A_63 = arith.constant 0 : i32
      %dma_start3A_64 = tpu.memref_slice %arg6[%arg0, %add3A_52, %dma_start3A_63] : memref<2x10240x128xf32, #tpu.memory_space<hbm>> -> memref<1x128x128xf32, #tpu.memory_space<hbm>>
      %dma_start3A_65 = tpu.memref_squeeze %dma_start3A_64 : memref<1x128x128xf32, #tpu.memory_space<hbm>> -> memref<128x128xf32, #tpu.memory_space<hbm>>
      tpu.enqueue_dma source(%arg8 : memref<128x128xf32, #tpu.memory_space<vmem>>) target(%dma_start3A_65 : memref<128x128xf32, #tpu.memory_space<hbm>>) target_semaphore(%run_scoped3A : memref<!tpu.dma_semaphore, #tpu.memory_space<semaphore_mem>>)
      %dma_wait3A = arith.constant 0 : i32
      %dma_wait3A_66 = tpu.memref_slice %arg6[%arg0, %add3A_52, %dma_wait3A] : memref<2x10240x128xf32, #tpu.memory_space<hbm>> -> memref<1x128x128xf32, #tpu.memory_space<hbm>>
      %dma_wait3A_67 = tpu.memref_squeeze %dma_wait3A_66 : memref<1x128x128xf32, #tpu.memory_space<hbm>> -> memref<128x128xf32, #tpu.memory_space<hbm>>
      %dma_wait3A_68 = arith.constant 0 : i32
      %dma_wait3A_69 = tpu.memref_slice %arg6[%arg0, %add3A_52, %dma_wait3A_68] : memref<2x10240x128xf32, #tpu.memory_space<hbm>> -> memref<1x128x128xf32, #tpu.memory_space<hbm>>
      %dma_wait3A_70 = tpu.memref_squeeze %dma_wait3A_69 : memref<1x128x128xf32, #tpu.memory_space<hbm>> -> memref<128x128xf32, #tpu.memory_space<hbm>>
      tpu.wait_dma2 semaphore(%run_scoped3A : memref<!tpu.dma_semaphore, #tpu.memory_space<semaphore_mem>>) src(%arg8 : memref<128x128xf32, #tpu.memory_space<vmem>>) dst(%dma_wait3A_70 : memref<128x128xf32, #tpu.memory_space<hbm>>)
      tpu.yield
    }) : () -> ()
    %mul3A_53 = arith.constant 640 : i32
    %mul3A_54 = arith.muli %arg1, %mul3A_53 : i32
    %add3A_55 = arith.constant 384 : i32
    %add3A_56 = arith.addi %mul3A_54, %add3A_55 : i32
    "tpu.region"() ({
      %run_scoped3A = tpu.sem_alloc : memref<!tpu.dma_semaphore, #tpu.memory_space<semaphore_mem>>
      %dma_start3A = arith.constant 0 : i32
      %dma_start3A_61 = tpu.memref_slice %arg7[%add3A_56, %dma_start3A] : memref<10240x128xf32, #tpu.memory_space<vmem_shared>> -> memref<128x128xf32, #tpu.memory_space<vmem_shared>>
      %dma_start3A_62 = arith.constant 0 : i32
      %dma_start3A_63 = tpu.memref_slice %arg7[%add3A_56, %dma_start3A_62] : memref<10240x128xf32, #tpu.memory_space<vmem_shared>> -> memref<128x128xf32, #tpu.memory_space<vmem_shared>>
      tpu.enqueue_dma source(%dma_start3A_63 : memref<128x128xf32, #tpu.memory_space<vmem_shared>>) target(%arg8 : memref<128x128xf32, #tpu.memory_space<vmem>>) target_semaphore(%run_scoped3A : memref<!tpu.dma_semaphore, #tpu.memory_space<semaphore_mem>>)
      %dma_wait3A = arith.constant 0 : i32
      %dma_wait3A_64 = tpu.memref_slice %arg7[%add3A_56, %dma_wait3A] : memref<10240x128xf32, #tpu.memory_space<vmem_shared>> -> memref<128x128xf32, #tpu.memory_space<vmem_shared>>
      %dma_wait3A_65 = arith.constant 0 : i32
      %dma_wait3A_66 = tpu.memref_slice %arg7[%add3A_56, %dma_wait3A_65] : memref<10240x128xf32, #tpu.memory_space<vmem_shared>> -> memref<128x128xf32, #tpu.memory_space<vmem_shared>>
      tpu.wait_dma2 semaphore(%run_scoped3A : memref<!tpu.dma_semaphore, #tpu.memory_space<semaphore_mem>>) src(%dma_wait3A_66 : memref<128x128xf32, #tpu.memory_space<vmem_shared>>) dst(%arg8 : memref<128x128xf32, #tpu.memory_space<vmem>>)
      tpu.yield
    }) : () -> ()
    "tpu.region"() ({
      %run_scoped3A = tpu.sem_alloc : memref<!tpu.dma_semaphore, #tpu.memory_space<semaphore_mem>>
      %dma_start3A = arith.constant 0 : i32
      %dma_start3A_61 = tpu.memref_slice %arg6[%arg0, %add3A_56, %dma_start3A] : memref<2x10240x128xf32, #tpu.memory_space<hbm>> -> memref<1x128x128xf32, #tpu.memory_space<hbm>>
      %dma_start3A_62 = tpu.memref_squeeze %dma_start3A_61 : memref<1x128x128xf32, #tpu.memory_space<hbm>> -> memref<128x128xf32, #tpu.memory_space<hbm>>
      %dma_start3A_63 = arith.constant 0 : i32
      %dma_start3A_64 = tpu.memref_slice %arg6[%arg0, %add3A_56, %dma_start3A_63] : memref<2x10240x128xf32, #tpu.memory_space<hbm>> -> memref<1x128x128xf32, #tpu.memory_space<hbm>>
      %dma_start3A_65 = tpu.memref_squeeze %dma_start3A_64 : memref<1x128x128xf32, #tpu.memory_space<hbm>> -> memref<128x128xf32, #tpu.memory_space<hbm>>
      tpu.enqueue_dma source(%arg8 : memref<128x128xf32, #tpu.memory_space<vmem>>) target(%dma_start3A_65 : memref<128x128xf32, #tpu.memory_space<hbm>>) target_semaphore(%run_scoped3A : memref<!tpu.dma_semaphore, #tpu.memory_space<semaphore_mem>>)
      %dma_wait3A = arith.constant 0 : i32
      %dma_wait3A_66 = tpu.memref_slice %arg6[%arg0, %add3A_56, %dma_wait3A] : memref<2x10240x128xf32, #tpu.memory_space<hbm>> -> memref<1x128x128xf32, #tpu.memory_space<hbm>>
      %dma_wait3A_67 = tpu.memref_squeeze %dma_wait3A_66 : memref<1x128x128xf32, #tpu.memory_space<hbm>> -> memref<128x128xf32, #tpu.memory_space<hbm>>
      %dma_wait3A_68 = arith.constant 0 : i32
      %dma_wait3A_69 = tpu.memref_slice %arg6[%arg0, %add3A_56, %dma_wait3A_68] : memref<2x10240x128xf32, #tpu.memory_space<hbm>> -> memref<1x128x128xf32, #tpu.memory_space<hbm>>
      %dma_wait3A_70 = tpu.memref_squeeze %dma_wait3A_69 : memref<1x128x128xf32, #tpu.memory_space<hbm>> -> memref<128x128xf32, #tpu.memory_space<hbm>>
      tpu.wait_dma2 semaphore(%run_scoped3A : memref<!tpu.dma_semaphore, #tpu.memory_space<semaphore_mem>>) src(%arg8 : memref<128x128xf32, #tpu.memory_space<vmem>>) dst(%dma_wait3A_70 : memref<128x128xf32, #tpu.memory_space<hbm>>)
      tpu.yield
    }) : () -> ()
    %mul3A_57 = arith.constant 640 : i32
    %mul3A_58 = arith.muli %arg1, %mul3A_57 : i32
    %add3A_59 = arith.constant 512 : i32
    %add3A_60 = arith.addi %mul3A_58, %add3A_59 : i32
    "tpu.region"() ({
      %run_scoped3A = tpu.sem_alloc : memref<!tpu.dma_semaphore, #tpu.memory_space<semaphore_mem>>
      %dma_start3A = arith.constant 0 : i32
      %dma_start3A_61 = tpu.memref_slice %arg7[%add3A_60, %dma_start3A] : memref<10240x128xf32, #tpu.memory_space<vmem_shared>> -> memref<128x128xf32, #tpu.memory_space<vmem_shared>>
      %dma_start3A_62 = arith.constant 0 : i32
      %dma_start3A_63 = tpu.memref_slice %arg7[%add3A_60, %dma_start3A_62] : memref<10240x128xf32, #tpu.memory_space<vmem_shared>> -> memref<128x128xf32, #tpu.memory_space<vmem_shared>>
      tpu.enqueue_dma source(%dma_start3A_63 : memref<128x128xf32, #tpu.memory_space<vmem_shared>>) target(%arg8 : memref<128x128xf32, #tpu.memory_space<vmem>>) target_semaphore(%run_scoped3A : memref<!tpu.dma_semaphore, #tpu.memory_space<semaphore_mem>>)
      %dma_wait3A = arith.constant 0 : i32
      %dma_wait3A_64 = tpu.memref_slice %arg7[%add3A_60, %dma_wait3A] : memref<10240x128xf32, #tpu.memory_space<vmem_shared>> -> memref<128x128xf32, #tpu.memory_space<vmem_shared>>
      %dma_wait3A_65 = arith.constant 0 : i32
      %dma_wait3A_66 = tpu.memref_slice %arg7[%add3A_60, %dma_wait3A_65] : memref<10240x128xf32, #tpu.memory_space<vmem_shared>> -> memref<128x128xf32, #tpu.memory_space<vmem_shared>>
      tpu.wait_dma2 semaphore(%run_scoped3A : memref<!tpu.dma_semaphore, #tpu.memory_space<semaphore_mem>>) src(%dma_wait3A_66 : memref<128x128xf32, #tpu.memory_space<vmem_shared>>) dst(%arg8 : memref<128x128xf32, #tpu.memory_space<vmem>>)
      tpu.yield
    }) : () -> ()
    "tpu.region"() ({
      %run_scoped3A = tpu.sem_alloc : memref<!tpu.dma_semaphore, #tpu.memory_space<semaphore_mem>>
      %dma_start3A = arith.constant 0 : i32
      %dma_start3A_61 = tpu.memref_slice %arg6[%arg0, %add3A_60, %dma_start3A] : memref<2x10240x128xf32, #tpu.memory_space<hbm>> -> memref<1x128x128xf32, #tpu.memory_space<hbm>>
      %dma_start3A_62 = tpu.memref_squeeze %dma_start3A_61 : memref<1x128x128xf32, #tpu.memory_space<hbm>> -> memref<128x128xf32, #tpu.memory_space<hbm>>
      %dma_start3A_63 = arith.constant 0 : i32
      %dma_start3A_64 = tpu.memref_slice %arg6[%arg0, %add3A_60, %dma_start3A_63] : memref<2x10240x128xf32, #tpu.memory_space<hbm>> -> memref<1x128x128xf32, #tpu.memory_space<hbm>>
      %dma_start3A_65 = tpu.memref_squeeze %dma_start3A_64 : memref<1x128x128xf32, #tpu.memory_space<hbm>> -> memref<128x128xf32, #tpu.memory_space<hbm>>
      tpu.enqueue_dma source(%arg8 : memref<128x128xf32, #tpu.memory_space<vmem>>) target(%dma_start3A_65 : memref<128x128xf32, #tpu.memory_space<hbm>>) target_semaphore(%run_scoped3A : memref<!tpu.dma_semaphore, #tpu.memory_space<semaphore_mem>>)
      %dma_wait3A = arith.constant 0 : i32
      %dma_wait3A_66 = tpu.memref_slice %arg6[%arg0, %add3A_60, %dma_wait3A] : memref<2x10240x128xf32, #tpu.memory_space<hbm>> -> memref<1x128x128xf32, #tpu.memory_space<hbm>>
      %dma_wait3A_67 = tpu.memref_squeeze %dma_wait3A_66 : memref<1x128x128xf32, #tpu.memory_space<hbm>> -> memref<128x128xf32, #tpu.memory_space<hbm>>
      %dma_wait3A_68 = arith.constant 0 : i32
      %dma_wait3A_69 = tpu.memref_slice %arg6[%arg0, %add3A_60, %dma_wait3A_68] : memref<2x10240x128xf32, #tpu.memory_space<hbm>> -> memref<1x128x128xf32, #tpu.memory_space<hbm>>
      %dma_wait3A_70 = tpu.memref_squeeze %dma_wait3A_69 : memref<1x128x128xf32, #tpu.memory_space<hbm>> -> memref<128x128xf32, #tpu.memory_space<hbm>>
      tpu.wait_dma2 semaphore(%run_scoped3A : memref<!tpu.dma_semaphore, #tpu.memory_space<semaphore_mem>>) src(%arg8 : memref<128x128xf32, #tpu.memory_space<vmem>>) dst(%dma_wait3A_70 : memref<128x128xf32, #tpu.memory_space<hbm>>)
      tpu.yield
    }) : () -> ()
    return
  }
}

module attributes {stable_mosaic.version = 14 : i64} {
  func.func @body(%arg0: i32, %arg1: memref<512x128xf32, #tpu.memory_space<vmem>>, %arg2: memref<128x128xf32, #tpu.memory_space<vmem>>, %arg3: memref<2x512x128xf32, #tpu.memory_space<vmem>>, %arg4: memref<512x128xf32, #tpu.memory_space<vmem>>) attributes {dimension_semantics = [#tpu.dimension_semantics<arbitrary>], iteration_bounds = array<i64: 20>, scalar_prefetch = 0 : i64, scratch_operands = 0 : i64, tpu.core_type = #tpu.core_type<tc>, window_params = [{transform_indices = @transform_0, window_bounds = array<i64: 512, 128>}, {pipeline_mode = #tpu.pipeline_mode<synchronous>, transform_indices = @transform_1, window_bounds = array<i64: 128, 128>}, {transform_indices = @transform_2, window_bounds = array<i64: 2, 512, 128>}, {transform_indices = @transform_3, window_bounds = array<i64: 512, 128>}]} {
    %get3A = arith.constant 0 : index
    %get3A_0 = arith.constant 0 : index
    %get3A_1 = vector.load %arg1[%get3A, %get3A_0] : memref<512x128xf32, #tpu.memory_space<vmem>>, vector<512x128xf32>
    %get3A_2 = arith.constant 0 : index
    %get3A_3 = arith.constant 0 : index
    %get3A_4 = vector.load %arg2[%get3A_2, %get3A_3] : memref<128x128xf32, #tpu.memory_space<vmem>>, vector<128x128xf32>
    %dot_general3A = arith.constant dense<0.000000e+00> : vector<512x128xf32>
    %dot_general3A_5 = tpu.matmul %get3A_1, %get3A_4, %dot_general3A {dimension_numbers = #tpu.dot_dimension_numbers<[1], [0], [0], [1], [0, 0, 1, 1], [], []>, transpose_lhs_hint = false} : vector<512x128xf32>, vector<128x128xf32>, vector<512x128xf32> -> vector<512x128xf32>
    %get3A_6 = arith.constant 0 : index
    %get3A_7 = arith.constant 0 : index
    %get3A_8 = arith.constant 0 : index
    %get3A_9 = vector.load %arg3[%get3A_6, %get3A_7, %get3A_8] : memref<2x512x128xf32, #tpu.memory_space<vmem>>, vector<2x512x128xf32>
    %slice3A = vector.extract_strided_slice %get3A_9 {offsets = [0, 0, 0], sizes = [1, 512, 1], strides = [1, 1, 1]} : vector<2x512x128xf32> to vector<1x512x1xf32>
    %squeeze3A = vector.shape_cast %slice3A : vector<1x512x1xf32> to vector<512x1xf32>
    %slice3A_10 = vector.extract_strided_slice %get3A_9 {offsets = [1, 0, 0], sizes = [1, 512, 1], strides = [1, 1, 1]} : vector<2x512x128xf32> to vector<1x512x1xf32>
    %squeeze3A_11 = vector.shape_cast %slice3A_10 : vector<1x512x1xf32> to vector<512x1xf32>
    %add3A = arith.addf %squeeze3A, %squeeze3A_11 : vector<512x1xf32>
    %add3A_12 = arith.constant 1.000000e+00 : f32
    %add3A_13 = vector.broadcast %add3A_12 : f32 to vector<512x1xf32>
    %add3A_14 = arith.addf %add3A, %add3A_13 : vector<512x1xf32>
    %rsqrt3A = math.rsqrt %add3A_14 : vector<512x1xf32>
    %mul3A = vector.broadcast %rsqrt3A : vector<512x1xf32> to vector<512x128xf32>
    %mul3A_15 = arith.mulf %mul3A, %dot_general3A_5 : vector<512x128xf32>
    %swap3A = arith.constant 0 : index
    %swap3A_16 = arith.constant 0 : index
    %swap3A_17 = vector.load %arg4[%swap3A, %swap3A_16] : memref<512x128xf32, #tpu.memory_space<vmem>>, vector<512x128xf32>
    tpu.vector_store %arg4[%swap3A, %swap3A_16], %mul3A_15 {strides = array<i32>} : memref<512x128xf32, #tpu.memory_space<vmem>>, vector<512x128xf32>,
    return
  }
  func.func @transform_0(%arg0: i32) -> (i32, i32) {
    %c0_i32 = arith.constant 0 : i32
    %c0_i32_0 = arith.constant 0 : i32
    return %arg0, %c0_i32 : i32, i32
  }
  func.func @transform_1(%arg0: i32) -> (i32, i32) {
    %c0_i32 = arith.constant 0 : i32
    %c0_i32_0 = arith.constant 0 : i32
    %c0_i32_1 = arith.constant 0 : i32
    return %c0_i32, %c0_i32_0 : i32, i32
  }
  func.func @transform_2(%arg0: i32) -> (i32, i32, i32) {
    %c0_i32 = arith.constant 0 : i32
    %c0_i32_0 = arith.constant 0 : i32
    %c0_i32_1 = arith.constant 0 : i32
    return %c0_i32, %arg0, %c0_i32_0 : i32, i32, i32
  }
  func.func @transform_3(%arg0: i32) -> (i32, i32) {
    %c0_i32 = arith.constant 0 : i32
    %c0_i32_0 = arith.constant 0 : i32
    return %arg0, %c0_i32 : i32, i32
  }
}

module attributes {stable_mosaic.version = 14 : i64} {
  func.func @body(%arg0: i32, %arg1: memref<2x512x128xf32, #tpu.memory_space<vmem>>, %arg2: memref<512x128xf32, #tpu.memory_space<vmem>>, %arg3: memref<8x128xf32, #tpu.memory_space<vmem>>, %arg4: memref<128x128xf32, #tpu.memory_space<vmem>>, %arg5: memref<2x512x128xf32, #tpu.memory_space<vmem>>, %arg6: memref<512x128xf32, #tpu.memory_space<vmem>>) attributes {dimension_semantics = [#tpu.dimension_semantics<arbitrary>], iteration_bounds = array<i64: 20>, scalar_prefetch = 0 : i64, scratch_operands = 0 : i64, tpu.core_type = #tpu.core_type<tc>, window_params = [{transform_indices = @transform_0, window_bounds = array<i64: 2, 512, 128>}, {transform_indices = @transform_1, window_bounds = array<i64: 512, 128>}, {pipeline_mode = #tpu.pipeline_mode<synchronous>, transform_indices = @transform_2, window_bounds = array<i64: 8, 128>}, {pipeline_mode = #tpu.pipeline_mode<synchronous>, transform_indices = @transform_3, window_bounds = array<i64: 128, 128>}, {transform_indices = @transform_4, window_bounds = array<i64: 2, 512, 128>}, {transform_indices = @transform_5, window_bounds = array<i64: 512, 128>}]} {
    %get3A = arith.constant 0 : index
    %get3A_0 = arith.constant 0 : index
    %get3A_1 = arith.constant 0 : index
    %get3A_2 = vector.load %arg5[%get3A, %get3A_0, %get3A_1] : memref<2x512x128xf32, #tpu.memory_space<vmem>>, vector<2x512x128xf32>
    %slice3A = vector.extract_strided_slice %get3A_2 {offsets = [0, 0, 0], sizes = [1, 512, 1], strides = [1, 1, 1]} : vector<2x512x128xf32> to vector<1x512x1xf32>
    %squeeze3A = vector.shape_cast %slice3A : vector<1x512x1xf32> to vector<512x1xf32>
    %slice3A_3 = vector.extract_strided_slice %get3A_2 {offsets = [1, 0, 0], sizes = [1, 512, 1], strides = [1, 1, 1]} : vector<2x512x128xf32> to vector<1x512x1xf32>
    %squeeze3A_4 = vector.shape_cast %slice3A_3 : vector<1x512x1xf32> to vector<512x1xf32>
    %add3A = arith.addf %squeeze3A, %squeeze3A_4 : vector<512x1xf32>
    %add3A_5 = arith.constant 1.000000e+00 : f32
    %add3A_6 = vector.broadcast %add3A_5 : f32 to vector<512x1xf32>
    %add3A_7 = arith.addf %add3A, %add3A_6 : vector<512x1xf32>
    %rsqrt3A = math.rsqrt %add3A_7 : vector<512x1xf32>
    %get3A_8 = arith.constant 0 : index
    %get3A_9 = arith.constant 0 : index
    %get3A_10 = arith.constant 0 : index
    %get3A_11 = vector.load %arg1[%get3A_8, %get3A_9, %get3A_10] : memref<2x512x128xf32, #tpu.memory_space<vmem>>, vector<1x512x128xf32>
    %get3A_12 = vector.shape_cast %get3A_11 : vector<1x512x128xf32> to vector<512x128xf32>
    %get3A_13 = arith.constant 1 : index
    %get3A_14 = arith.constant 0 : index
    %get3A_15 = arith.constant 0 : index
    %get3A_16 = vector.load %arg1[%get3A_13, %get3A_14, %get3A_15] : memref<2x512x128xf32, #tpu.memory_space<vmem>>, vector<1x512x128xf32>
    %get3A_17 = vector.shape_cast %get3A_16 : vector<1x512x128xf32> to vector<512x128xf32>
    %add3A_18 = arith.addf %get3A_12, %get3A_17 : vector<512x128xf32>
    %get3A_19 = arith.constant 0 : index
    %get3A_20 = arith.constant 0 : index
    %get3A_21 = vector.load %arg2[%get3A_19, %get3A_20] : memref<512x128xf32, #tpu.memory_space<vmem>>, vector<512x128xf32>
    %add3A_22 = arith.addf %add3A_18, %get3A_21 : vector<512x128xf32>
    %mul3A = vector.broadcast %rsqrt3A : vector<512x1xf32> to vector<512x128xf32>
    %mul3A_23 = arith.mulf %mul3A, %add3A_22 : vector<512x128xf32>
    %get3A_24 = arith.constant 0 : index
    %get3A_25 = arith.constant 0 : index
    %get3A_26 = vector.load %arg3[%get3A_24, %get3A_25] : memref<8x128xf32, #tpu.memory_space<vmem>>, vector<1x128xf32>
    %add3A_27 = vector.broadcast %get3A_26 : vector<1x128xf32> to vector<512x128xf32>
    %add3A_28 = arith.addf %mul3A_23, %add3A_27 : vector<512x128xf32>
    %max3A = arith.constant 0.000000e+00 : f32
    %max3A_29 = vector.broadcast %max3A : f32 to vector<512x128xf32>
    %max3A_30 = arith.maximumf %add3A_28, %max3A_29 : vector<512x128xf32>
    %get3A_31 = arith.constant 0 : index
    %get3A_32 = arith.constant 0 : index
    %get3A_33 = vector.load %arg4[%get3A_31, %get3A_32] : memref<128x128xf32, #tpu.memory_space<vmem>>, vector<128x128xf32>
    %dot_general3A = arith.constant dense<0.000000e+00> : vector<512x128xf32>
    %dot_general3A_34 = tpu.matmul %max3A_30, %get3A_33, %dot_general3A {dimension_numbers = #tpu.dot_dimension_numbers<[1], [0], [0], [1], [0, 0, 1, 1], [], []>, transpose_lhs_hint = false} : vector<512x128xf32>, vector<128x128xf32>, vector<512x128xf32> -> vector<512x128xf32>
    %mul3A_35 = vector.broadcast %rsqrt3A : vector<512x1xf32> to vector<512x128xf32>
    %mul3A_36 = arith.mulf %mul3A_35, %dot_general3A_34 : vector<512x128xf32>
    %swap3A = arith.constant 0 : index
    %swap3A_37 = arith.constant 0 : index
    %swap3A_38 = vector.load %arg6[%swap3A, %swap3A_37] : memref<512x128xf32, #tpu.memory_space<vmem>>, vector<512x128xf32>
    tpu.vector_store %arg6[%swap3A, %swap3A_37], %mul3A_36 {strides = array<i32>} : memref<512x128xf32, #tpu.memory_space<vmem>>, vector<512x128xf32>,
    return
  }
  func.func @transform_0(%arg0: i32) -> (i32, i32, i32) {
    %c0_i32 = arith.constant 0 : i32
    %c0_i32_0 = arith.constant 0 : i32
    %c0_i32_1 = arith.constant 0 : i32
    return %c0_i32, %arg0, %c0_i32_0 : i32, i32, i32
  }
  func.func @transform_1(%arg0: i32) -> (i32, i32) {
    %c0_i32 = arith.constant 0 : i32
    %c0_i32_0 = arith.constant 0 : i32
    return %arg0, %c0_i32 : i32, i32
  }
  func.func @transform_2(%arg0: i32) -> (i32, i32) {
    %c0_i32 = arith.constant 0 : i32
    %c0_i32_0 = arith.constant 0 : i32
    %c0_i32_1 = arith.constant 0 : i32
    return %c0_i32, %c0_i32_0 : i32, i32
  }
  func.func @transform_3(%arg0: i32) -> (i32, i32) {
    %c0_i32 = arith.constant 0 : i32
    %c0_i32_0 = arith.constant 0 : i32
    %c0_i32_1 = arith.constant 0 : i32
    return %c0_i32, %c0_i32_0 : i32, i32
  }
  func.func @transform_4(%arg0: i32) -> (i32, i32, i32) {
    %c0_i32 = arith.constant 0 : i32
    %c0_i32_0 = arith.constant 0 : i32
    %c0_i32_1 = arith.constant 0 : i32
    return %c0_i32, %arg0, %c0_i32_0 : i32, i32, i32
  }
  func.func @transform_5(%arg0: i32) -> (i32, i32) {
    %c0_i32 = arith.constant 0 : i32
    %c0_i32_0 = arith.constant 0 : i32
    return %arg0, %c0_i32 : i32, i32
  }
}

module attributes {stable_mosaic.version = 14 : i64} {
  func.func @body(%arg0: i32, %arg1: memref<2x512x128xf32, #tpu.memory_space<vmem>>, %arg2: memref<512x128xf32, #tpu.memory_space<vmem>>, %arg3: memref<8x128xf32, #tpu.memory_space<vmem>>, %arg4: memref<2x512x128xf32, #tpu.memory_space<vmem>>, %arg5: memref<512x128xf32, #tpu.memory_space<vmem>>) attributes {dimension_semantics = [#tpu.dimension_semantics<arbitrary>], iteration_bounds = array<i64: 20>, scalar_prefetch = 0 : i64, scratch_operands = 0 : i64, tpu.core_type = #tpu.core_type<tc>, window_params = [{transform_indices = @transform_0, window_bounds = array<i64: 2, 512, 128>}, {transform_indices = @transform_1, window_bounds = array<i64: 512, 128>}, {pipeline_mode = #tpu.pipeline_mode<synchronous>, transform_indices = @transform_2, window_bounds = array<i64: 8, 128>}, {transform_indices = @transform_3, window_bounds = array<i64: 2, 512, 128>}, {transform_indices = @transform_4, window_bounds = array<i64: 512, 128>}]} {
    %get3A = arith.constant 0 : index
    %get3A_0 = arith.constant 0 : index
    %get3A_1 = arith.constant 0 : index
    %get3A_2 = vector.load %arg4[%get3A, %get3A_0, %get3A_1] : memref<2x512x128xf32, #tpu.memory_space<vmem>>, vector<2x512x128xf32>
    %slice3A = vector.extract_strided_slice %get3A_2 {offsets = [0, 0, 0], sizes = [1, 512, 1], strides = [1, 1, 1]} : vector<2x512x128xf32> to vector<1x512x1xf32>
    %squeeze3A = vector.shape_cast %slice3A : vector<1x512x1xf32> to vector<512x1xf32>
    %slice3A_3 = vector.extract_strided_slice %get3A_2 {offsets = [1, 0, 0], sizes = [1, 512, 1], strides = [1, 1, 1]} : vector<2x512x128xf32> to vector<1x512x1xf32>
    %squeeze3A_4 = vector.shape_cast %slice3A_3 : vector<1x512x1xf32> to vector<512x1xf32>
    %add3A = arith.addf %squeeze3A, %squeeze3A_4 : vector<512x1xf32>
    %add3A_5 = arith.constant 1.000000e+00 : f32
    %add3A_6 = vector.broadcast %add3A_5 : f32 to vector<512x1xf32>
    %add3A_7 = arith.addf %add3A, %add3A_6 : vector<512x1xf32>
    %rsqrt3A = math.rsqrt %add3A_7 : vector<512x1xf32>
    %get3A_8 = arith.constant 0 : index
    %get3A_9 = arith.constant 0 : index
    %get3A_10 = arith.constant 0 : index
    %get3A_11 = vector.load %arg1[%get3A_8, %get3A_9, %get3A_10] : memref<2x512x128xf32, #tpu.memory_space<vmem>>, vector<1x512x128xf32>
    %get3A_12 = vector.shape_cast %get3A_11 : vector<1x512x128xf32> to vector<512x128xf32>
    %get3A_13 = arith.constant 1 : index
    %get3A_14 = arith.constant 0 : index
    %get3A_15 = arith.constant 0 : index
    %get3A_16 = vector.load %arg1[%get3A_13, %get3A_14, %get3A_15] : memref<2x512x128xf32, #tpu.memory_space<vmem>>, vector<1x512x128xf32>
    %get3A_17 = vector.shape_cast %get3A_16 : vector<1x512x128xf32> to vector<512x128xf32>
    %add3A_18 = arith.addf %get3A_12, %get3A_17 : vector<512x128xf32>
    %get3A_19 = arith.constant 0 : index
    %get3A_20 = arith.constant 0 : index
    %get3A_21 = vector.load %arg2[%get3A_19, %get3A_20] : memref<512x128xf32, #tpu.memory_space<vmem>>, vector<512x128xf32>
    %add3A_22 = arith.addf %add3A_18, %get3A_21 : vector<512x128xf32>
    %mul3A = vector.broadcast %rsqrt3A : vector<512x1xf32> to vector<512x128xf32>
    %mul3A_23 = arith.mulf %mul3A, %add3A_22 : vector<512x128xf32>
    %get3A_24 = arith.constant 0 : index
    %get3A_25 = arith.constant 0 : index
    %get3A_26 = vector.load %arg3[%get3A_24, %get3A_25] : memref<8x128xf32, #tpu.memory_space<vmem>>, vector<1x128xf32>
    %add3A_27 = vector.broadcast %get3A_26 : vector<1x128xf32> to vector<512x128xf32>
    %add3A_28 = arith.addf %mul3A_23, %add3A_27 : vector<512x128xf32>
    %swap3A = arith.constant 0 : index
    %swap3A_29 = arith.constant 0 : index
    %swap3A_30 = vector.load %arg5[%swap3A, %swap3A_29] : memref<512x128xf32, #tpu.memory_space<vmem>>, vector<512x128xf32>
    tpu.vector_store %arg5[%swap3A, %swap3A_29], %add3A_28 {strides = array<i32>} : memref<512x128xf32, #tpu.memory_space<vmem>>, vector<512x128xf32>,
    return
  }
  func.func @transform_0(%arg0: i32) -> (i32, i32, i32) {
    %c0_i32 = arith.constant 0 : i32
    %c0_i32_0 = arith.constant 0 : i32
    %c0_i32_1 = arith.constant 0 : i32
    return %c0_i32, %arg0, %c0_i32_0 : i32, i32, i32
  }
  func.func @transform_1(%arg0: i32) -> (i32, i32) {
    %c0_i32 = arith.constant 0 : i32
    %c0_i32_0 = arith.constant 0 : i32
    return %arg0, %c0_i32 : i32, i32
  }
  func.func @transform_2(%arg0: i32) -> (i32, i32) {
    %c0_i32 = arith.constant 0 : i32
    %c0_i32_0 = arith.constant 0 : i32
    %c0_i32_1 = arith.constant 0 : i32
    return %c0_i32, %c0_i32_0 : i32, i32
  }
  func.func @transform_3(%arg0: i32) -> (i32, i32, i32) {
    %c0_i32 = arith.constant 0 : i32
    %c0_i32_0 = arith.constant 0 : i32
    %c0_i32_1 = arith.constant 0 : i32
    return %c0_i32, %arg0, %c0_i32_0 : i32, i32, i32
  }
  func.func @transform_4(%arg0: i32) -> (i32, i32) {
    %c0_i32 = arith.constant 0 : i32
    %c0_i32_0 = arith.constant 0 : i32
    return %arg0, %c0_i32 : i32, i32
  }
}

</mosaic_0001>

<sc_bundles>
// kernel: kernel.11.cloned.1.call-start
scs
__scs_entry_jumppad:
0x0: {  	(pc) =	sbr.rel $0x88, $3  }
0x1: {  	(tag) =	ssettag $0x0;
	lr =	simm.s32 $0x1  }
0x2: {  	[smem:$0x3F99] =	sst lr;
	_ =	strace $0xD0000000  }
0x3: {  	_ = 	snop  }
0x4: {  	_ = 	snop  }
0x5: {  	_ = 	snop  }
0x6: {  	_ = 	snop  }
0x7: {  	_ = 	snop  }
__scs_overlays_trampoline_lowered:
0x8: {  	[smem:$0x3FA8] =	sst s0  }
0x9: {  	[smem:$0x3FA9] =	sst s1  }
0xa: {  	[smem:$0x3FAA] =	sst s2  }
0xb: {  	[smem:$0x3FAB] =	sst s3  }
0xc: {  	[smem:$0x3FAC] =	sst s4  }
0xd: {  	[smem:$0x3FAD] =	sst s5  }
0xe: {  	[smem:$0x3FAE] =	sst s6  }
0xf: {  	[smem:$0x3FAF] =	sst s7  }
0x10: {  	[smem:$0x3FB0] =	sst s8  }
0x11: {  	[smem:$0x3FB1] =	sst s9;
	s0 =	simm.s32 @!p0 $0x0  }
0x12: {  	s1 =	sld [smem:$0x3F97];
	s0 =	simm.s32 @p0 $0x1  }
0x13: {  	[smem:$0x3FB2] =	sst s0;
	s0 =	simm.s32 @!p1 $0x0  }
0x14: {  	s2 =	sld [smem:$0x3F96];
	s0 =	simm.s32 @p1 $0x1  }
0x15: {  	[smem:$0x3FB3] =	sst s0;
	s0 =	simm.s32 @!p2 $0x0  }
0x16: {  	s3 =	sld [smem:$0x3FDB];
	s0 =	simm.s32 @p2 $0x1  }
0x17: {  	s4 =	simm.s32 $0x1BF5;
	[smem:$0x3FB5] =	sst s0  }
0x18: {  	s0 =	sld [smem:$0x3F98];
	_ =	swait.ge [sflag:s4], $0x0  }
0x19: {  	s7 =	sld [smem:$0x3F99]  }
0x1a: {  	s8 =	sadd.s32 $0xFFFFE003, lr  }
0x1b: {  	s9 =	sadd.s32 $0xFFFFFEF7, lr;
	s5 =	simm.s32 $0xFFFFFFFF;
	p2 =	slt.u32 s8, $0xFFFFF086  }
0x1c: {  	p1 =	slt.u32 s9, $0xF7A;
	s5 =	simm.s32 @!p2 $0x0  }
0x1d: {  	s5 =	simm.s32 @p1 $0x1;
	p0 =	seq.s32 s7, s2  }
0x1e: {  	s7 =	smul.u32 @!p0 $0xF7A, s2;
	p2 =	seq.s32 @!p0 s5, $0x0  }
0x1f: {  	s9 =	smul.u32 $0xF7A, s1;
	s8 =	simm.s32 @!p0 $0x1BF5;
	p2 =	por !p2, p0  }
0x20: {  	[sflag:s8] =	ssyncset.s32 @!p0 $0xFFFFF086;
	s6 =	sadd.s32 @!p0 s3, s7;
	s7 =	simm.s32 @!p0 $0x108  }
0x21: {  	s3 =	sadd.s32 s3, s9;
	s6 =	sadd.s32 @!p0 $0x88, s6;
	s7 =	simm.s32 @p2 $0x1082  }
0x22: {  	[simem:s7], [sflag:s8] =	dma.local @!p0 [hbm:s6], $0xF7A  }
0x23: {  	s9 =	sor.u32 $0xD0000000, s2;
	s6 =	simm.s32 $0x108;
	_ =	swait.ge @!p0 [sflag:s8], $0x0  }
0x24: {  	s3 =	sadd.s32 $0x88, s3;
	s6 =	simm.s32 @!p1 $0x1082;
	[sflag:s4] =	ssyncset.s32 $0xFFFFF086  }
0x25: {  	[simem:s6], [sflag:s4] =	dma.local [hbm:s3], $0xF7A  }
0x26: {  	[smem:$0x3F99] =	sst s1;
	(tag) =	ssettag s2;
	_ =	strace s9  }
0x27: {  	s1 =	sld [smem:$0x3FA9]  }
0x28: {  	s2 =	sld [smem:$0x3FAA]  }
0x29: {  	s4 =	sld [smem:$0x3FAC]  }
0x2a: {  	p0 =	seq.s32 s5, $0x0;
	s5 =	sld [smem:$0x3FAD]  }
0x2b: {  	s6 =	sld [smem:$0x3FAE]  }
0x2c: {  	s7 =	sld [smem:$0x3FAF]  }
0x2d: {  	s3 =	simm.s32 $0x108;
	s8 =	sld [smem:$0x3FB0]  }
0x2e: {  	s3 =	simm.s32 @!p0 $0x1082;
	s9 =	sld [smem:$0x3FB1]  }
0x2f: {  	lr =	sadd.s32 s0, s3;
	s0 =	sld [smem:$0x3FA8]  }
0x30: {  	s3 =	sld [smem:$0x3FAB]  }
0x31: {  	[smem:$0x3FB4] =	sst s10  }
0x32: {  	s10 =	sld [smem:$0x3FB2];
	_ =	sdelay $0x3  }
0x33: {  	p0 =	seq.s32 s10, $0x1;
	s10 =	sld [smem:$0x3FB4];
	_ =	sdelay $0x3  }
0x34: {  	[smem:$0x3FB4] =	sst s10  }
0x35: {  	s10 =	sld [smem:$0x3FB3];
	_ =	sdelay $0x3  }
0x36: {  	p1 =	seq.s32 s10, $0x1;
	s10 =	sld [smem:$0x3FB4];
	_ =	sdelay $0x3  }
0x37: {  	[smem:$0x3FB4] =	sst s10  }
0x38: {  	s10 =	sld [smem:$0x3FB5]  }
0x39: {  	_ = 	snop;
	(pc) =	sbr.ind lr, $3  }
0x3a: {  	_ = 	snop  }
0x3b: {  	_ = 	snop  }
0x3c: {  	p2 =	seq.s32 s10, $0x1;
	s10 =	sld [smem:$0x3FB4]  }
0x3d: {  	_ =	shalt  }
0x3e: {  	_ =	shalt  }
0x3f: {  	_ =	shalt  }
0x40: {  	_ =	shalt  }
0x41: {  	_ =	shalt  }
0x42: {  	_ =	shalt  }
0x43: {  	_ =	shalt  }
0x44: {  	_ =	shalt  }
0x45: {  	_ =	shalt  }
0x46: {  	_ =	shalt  }
0x47: {  	_ =	shalt  }
0x48: {  	_ =	shalt  }
0x49: {  	_ =	shalt  }
0x4a: {  	_ =	shalt  }
0x4b: {  	_ =	shalt  }
0x4c: {  	_ =	shalt  }
0x4d: {  	_ =	shalt  }
0x4e: {  	_ =	shalt  }
0x4f: {  	_ =	shalt  }
0x50: {  	_ =	shalt  }
0x51: {  	_ =	shalt  }
0x52: {  	_ =	shalt  }
0x53: {  	_ =	shalt  }
0x54: {  	_ =	shalt  }
0x55: {  	_ =	shalt  }
0x56: {  	_ =	shalt  }
0x57: {  	_ =	shalt  }
0x58: {  	_ =	shalt  }
0x59: {  	_ =	shalt  }
0x5a: {  	_ =	shalt  }
0x5b: {  	_ =	shalt  }
0x5c: {  	_ =	shalt  }
0x5d: {  	_ =	shalt  }
0x5e: {  	_ =	shalt  }
0x5f: {  	_ =	shalt  }
0x60: {  	_ =	shalt  }
0x61: {  	_ =	shalt  }
0x62: {  	_ =	shalt  }
0x63: {  	_ =	shalt  }
0x64: {  	_ =	shalt  }
0x65: {  	_ =	shalt  }
0x66: {  	_ =	shalt  }
0x67: {  	_ =	shalt  }
0x68: {  	_ =	shalt  }
0x69: {  	_ =	shalt  }
0x6a: {  	_ =	shalt  }
0x6b: {  	_ =	shalt  }
0x6c: {  	_ =	shalt  }
0x6d: {  	_ =	shalt  }
0x6e: {  	_ =	shalt  }
0x6f: {  	_ =	shalt  }
0x70: {  	_ =	shalt  }
0x71: {  	_ =	shalt  }
0x72: {  	_ =	shalt  }
0x73: {  	_ =	shalt  }
0x74: {  	_ =	shalt  }
0x75: {  	_ =	shalt  }
0x76: {  	_ =	shalt  }
0x77: {  	_ =	shalt  }
0x78: {  	_ =	shalt  }
0x79: {  	_ =	shalt  }
0x7a: {  	_ =	shalt  }
0x7b: {  	_ =	shalt  }
0x7c: {  	_ =	shalt  }
0x7d: {  	_ =	shalt  }
0x7e: {  	_ =	shalt  }
0x7f: {  	_ =	shalt  }
0x80: {  	_ =	shalt  }
0x81: {  	_ =	shalt  }
0x82: {  	_ =	shalt  }
0x83: {  	_ =	shalt  }
0x84: {  	_ =	shalt  }
0x85: {  	_ =	shalt  }
0x86: {  	_ =	shalt  }
0x87: {  	_ =	shalt  }
.Lfunc_end0:
.L_simem_size_0:
called_computation.1_lowered:
.L_overlay_start_0:
0x88: {  	s2 =	sld [smem:$0x3FD9]  }
0x89: {  	s3 =	sld [smem:$0x3FFE];
	_ =	sdelay $0x1  }
0x8a: {  	s1 =	srdreg.scid  }
0x8b: {  	s0 =	sand.u32 $0x1, s1  }
0x8c: {  	s14 =	sshll.u32 s0, $0xA;
	s2 =	sadd.s32 s3, s2  }
0x8d: {  	s2 =	sadd.s32 s2, s14  }
0x8e: {  	[smem:$0x3FC0] =	sst s2  }
0x8f: {  	_ = 	snop  }
0x90: {  	s2 =	sld [smem:$0x3FD0];
	_ =	sdelay $0x2  }
0x91: {  	s15 =	simm.s32 $0xA;
	s4 =	simm.s32 $0x10  }
0x92: {  	[smem:s4], [sflag:s15] =	dma.local [hbm:s2], $0x1  }
0x93: {  	_ =	swait.eq [sflag:s15], $0x1  }
0x94: {  	[sflag:s15] =	ssyncset.done $0x0  }
0x95: {  	s16 =	sld [smem:$0x10];
	[sflag:s15] =	ssyncadd.s32 $0xFFFFFFFF  }
0x96: {  	s17 =	sld [smem:$0x11];
	(tm) =	ssettm $0x1  }
0x97: {  	s18 =	sld [smem:$0x3FFB];
	_ =	sdelay $0x3  }
0x98: {  	_ =	strace s18  }
0x99: {  	s4 =	sld [smem:$0x3FFC];
	_ =	sdelay $0x3  }
0x9a: {  	_ =	strace s4  }
0x9b: {  	s4 =	sld [smem:$0x3FFD];
	_ =	sdelay $0x3  }
0x9c: {  	_ =	strace s4  }
0x9d: {  	_ =	strace $0x8FFFFFFF  }
0x9e: {  	s19 =	sld [smem:$0x3FDB];
	_ =	sdelay $0x1  }
0x9f: {  	s5 =	simm.s32 $_scs_section_size  }
0xa0: {  	s6 =	simm.s32 $_size__tile_overlayer_lowered;
	s7 =	simm.s32 $_tile_overlayer_lowered  }
0xa1: {  	s22 =	simm.s32 $0x1BFF;
	s21 =	sshll.u32 s7, $0x1;
	s4 =	sadd.s32 s5, s19  }
0xa2: {  	s8 =	simm.s32 $0x0;
	s20 =	sshll.u32 s6, $0x1;
	s6 =	sadd.s32 s21, s4  }
0xa3: {  	[timem:s8], [sflag:s22] =	dma.local [hbm:s6], s20  }
0xa4: {  	_ =	swait.ge [sflag:s22], s20  }
0xa5: {  	s5 =	ssub.s32 $0x0, s20;
	[sflag:s22] =	ssyncset.done $0x0  }
0xa6: {  	[sflag:s22] =	ssyncadd.s32 s5;
	_ =	sdelay $0x1  }
0xa7: {  	s23 =	simm.s32 $0x1B8B  }
0xa8: {  	_ =	swait.ge [sflag:s23], $0x1  }
0xa9: {  	[sflag:s23] =	ssyncset.done $0x0  }
0xaa: {  	s25 =	simm.s32 $0x1B8E;
	s24 =	sld [smem:$0x3FFE];
	[sflag:s23] =	ssyncadd.s32 $0xFFFFFFFF  }
0xab: {  	s26 =	simm.s32 $execute0_lowered;
	[smem:$0x3FD2] =	sst s25  }
0xac: {  	s6 =	sshll.u32 s26, $0x1;
	_ =	strace $0x80000049;
	[dreg:$0x1] =	wrdreg $0xFFFFFFFF  }
0xad: {  	s28 =	simm.s32 $_size_execute0_lowered;
	s4 =	sadd.s32 s4, s6;
	[dreg:$0x0] =	wrdreg $0x0  }
0xae: {  	s6 =	sshll.u32 s28, $0x1;
	[dreg:$0x2] =	wrdreg s4  }
0xaf: {  	[dreg:$0x3] =	wrdreg s6  }
0xb0: {  	[dreg:$0x4] =	wrdreg $0xC0  }
0xb1: {  	_ =	task [dreg:s8], $0x5FFFF  }
0xb2: {  	[dreg:$0x1] =	wrdreg $0xFFFFFFFF  }
0xb3: {  	[dreg:$0x0] =	wrdreg $0x60  }
0xb4: {  	[dreg:$0x2] =	wrdreg s24  }
0xb5: {  	[dreg:$0x3] =	wrdreg s16  }
0xb6: {  	[dreg:$0x4] =	wrdreg s17  }
0xb7: {  	[dreg:$0x5] =	wrdreg $0x0  }
0xb8: {  	[dreg:$0x6] =	wrdreg $0x9  }
0xb9: {  	_ =	task.clear_ibuf [dreg:s8], $0x7FFFF;
	_ =	strace $0x90000049  }
0xba: {  	s29 =	simm.s32 $0x9;
	_ =	strace $0x8000004B  }
0xbb: {  	_ =	swait.ge [sflag:s29], $0x1  }
0xbc: {  	[sflag:s29] =	ssyncadd.s32 $0xFFFFFFFF  }
0xbd: {  	_ =	strace $0x9000004B  }
0xbe: {  	_ =	sfence  }
0xbf: {  	s30 =	sld [smem:$0x0];
	_ =	sdelay $0x2  }
0xc0: {  	s31 =	sshll.u32 s1, $0xD;
	s1 =	sshrl.u32 s1, $0x2  }
0xc1: {  	s3 =	sand.u32 $0x4000, s31;
	s1 =	sadd.s32 s1, s30  }
0xc2: {  	s0 =	sor.u32 s3, s0;
	s1 =	sshll.u32 s1, $0x11  }
0xc3: {  	s0 =	sor.u32 s1, s0  }
0xc4: {  	s0 =	sadd.s32 $0x8F2B, s0  }
0xc5: {  	[sflag:s0] =	ssyncadd.remote.s32 $0x1  }
0xc6: {  	_ =	sfence.sel $0xFFFF  }
0xc7: {  	[dreg:$0x0] =	wrdreg $0xFFFFFFFF;
	(pc) =	sbr.abs _section_cstart, $3  }
0xc8: {  	[dreg:$0x1] =	wrdreg $0xFFFFFFFF  }
0xc9: {  	_ =	task.clear_ibuf [dreg:s8], $0x2FFFF;
	_ =	strace $0x9FFFFFFF  }
0xca: {  	(tm) =	ssettm $0x7FFFFFFF  }
0xcb: {  	_ =	shalt  }
tec
execute0_lowered:
.L_overlay_start_1:
0x0: {  	(tag) =	ssettag $0x1  }
0x1: {  	s6 =	rddreg [dreg:$0x0]  }
0x2: {  	s18 =	rddreg [dreg:$0x1]  }
0x3: {  	s17 =	rddreg [dreg:$0x2]  }
0x4: {  	s1 =	rddreg [dreg:$0x3]  }
0x5: {  	s0 =	rddreg [dreg:$0x4];
	s3 =	simm.s32 $0x0;
	s4 =	srdreg.scid  }
0x6: {  	s2 =	stileid.u32;
	[smem:$0x7FF] =	sst s3  }
0x7: {  	s11 =	sand.u32 $0x1, s4;
	s7 =	smul.u32 $0x50000, s2;
	s4 =	sadd.s32 $0x53800, s6  }
0x8: {  	s12 =	smul.u32 $0x14000, s2;
	s5 =	sadd.s32 $0x2800, s6;
	s15 =	sadd.s32 $0x7B800, s6  }
0x9: {  	s22 =	smul.u32 $0x4F, s2;
	_ =	strace $0x8000004A;
	s8 =	ssub.s32 $0x2, s11  }
0xa: {  	s20 =	smul.u32 $0x140000, s11;
	p0 =	seq.s32 s11, $0x0;
	s23 =	sshrl.u32 s8, $0x1  }
0xb: {  	s24 =	sshrl.u32 s7, $0x2;
	s13 =	sadd.s32 $0x4000, s12;
	s14 =	sadd.s32 $0x8000, s12  }
0xc: {  	s19 =	sadd.s32 $0xC000, s12;
	s21 =	sadd.s32 $0x10000, s12;
	s16 =	ssub.s32 s8, s23  }
0xd: {  	s6 =	sadd.s32 s24, s1;
	s7 =	sadd.s32 s13, s1;
	s8 =	sadd.s32 s14, s1  }
0xe: {  	s9 =	sadd.s32 s19, s1;
	s10 =	sadd.s32 s21, s1;
	s25 =	sadd.s32 s12, s20  }
0xf: {  	s23 =	sadd.s32 $0x4F0, s22;
	s26 =	sadd.s32 s20, s13;
	s28 =	sadd.s32 s20, s14  }
0x10: {  	s29 =	sadd.s32 s20, s19;
	s30 =	sadd.s32 s20, s21;
	s20 =	simm.s32 $0x2  }
0x11: {  	s21 =	simm.s32 $0x18000;
	s24 =	simm.s32 $0x1;
	s11 =	sshrl.u32 s25, $0x3  }
0x12: {  	s23 =	smov.u32 @p0 s22;
	s12 =	sshrl.u32 s26, $0x3;
	s13 =	sshrl.u32 s28, $0x3  }
0x13: {  	s14 =	sshrl.u32 s29, $0x3;
	s19 =	sshrl.u32 s30, $0x3;
	s16 =	smax.u32 s16, $0x1  }
0x14: {  	s22 =	simm.s32 $0x18080;
	s25 =	simm.s32 $0x0;
	s11 =	sadd.s32 s15, s11  }
0x15: {  	s12 =	sadd.s32 s15, s12;
	s13 =	sadd.s32 s15, s13;
	s14 =	sadd.s32 s15, s14  }
0x16: {  	s15 =	sadd.s32 s15, s19;
	s31 =	sshll.u32 s23, $0x4;
	s19 =	simm.s32 $0x14000  }
0x17: {  	s23 =	simm.s32 $0x80;
	s17 =	sadd.s32 s31, s17;
	s18 =	sadd.s32 s31, s18  }
.LBB2_1:
0x18: {  	[tilespmem:s19], [sflag:$0x2] =	stream.linear.gather [hbm4b:s5+s3], $0x4000, $0x38;
	[tilespmem:$0x18100] =	vst v63  }
0x19: {  	_ =	swait.ge [sflag:s20], $0x4000  }
0x1a: {  	[sflag:s20] =	ssyncset.done $0x0  }
0x1b: {  	[sflag:s20] =	ssyncadd.s32 $0xFFFFC000  }
0x1c: {  	[spmem:s6] =	stream.linear.scatter [tilespmem:s19], [sflag:$0x2], $0x4000, $0x38;
	[tilespmem:$0x18100] =	vst v63  }
0x1d: {  	_ =	swait.ge [sflag:s20], $0x4000  }
0x1e: {  	[sflag:s20] =	ssyncset.done $0x0  }
0x1f: {  	[sflag:s20] =	ssyncadd.s32 $0xFFFFC000  }
0x20: {  	[spmem:s7] =	stream.linear.scatter [tilespmem:s19], [sflag:$0x2], $0x4000, $0x38;
	[tilespmem:$0x18100] =	vst v63  }
0x21: {  	_ =	swait.ge [sflag:s20], $0x4000  }
0x22: {  	[sflag:s20] =	ssyncset.done $0x0  }
0x23: {  	[sflag:s20] =	ssyncadd.s32 $0xFFFFC000  }
0x24: {  	[spmem:s8] =	stream.linear.scatter [tilespmem:s19], [sflag:$0x2], $0x4000, $0x38;
	[tilespmem:$0x18100] =	vst v63  }
0x25: {  	_ =	swait.ge [sflag:s20], $0x4000  }
0x26: {  	[sflag:s20] =	ssyncset.done $0x0  }
0x27: {  	[sflag:s20] =	ssyncadd.s32 $0xFFFFC000  }
0x28: {  	[spmem:s9] =	stream.linear.scatter [tilespmem:s19], [sflag:$0x2], $0x4000, $0x38;
	[tilespmem:$0x18100] =	vst v63  }
0x29: {  	_ =	swait.ge [sflag:s20], $0x4000  }
0x2a: {  	[sflag:s20] =	ssyncset.done $0x0  }
0x2b: {  	[sflag:s20] =	ssyncadd.s32 $0xFFFFC000  }
0x2c: {  	[spmem:s10] =	stream.linear.scatter [tilespmem:s19], [sflag:$0x2], $0x4000, $0x38;
	[tilespmem:$0x18100] =	vst v63  }
0x2d: {  	_ =	swait.ge [sflag:s20], $0x4000  }
0x2e: {  	[sflag:s20] =	ssyncset.done $0x0  }
0x2f: {  	[sflag:s20] =	ssyncadd.s32 $0xFFFFC000  }
0x30: {  	s26 =	sadd.s32 $0x0, s18;
	[bflag:$0x0] =	sbarrier.arrive $0xFFFF  }
0x31: {  	[tilespmem:s21], [sflag:$0x2] =	stream.linear.gather [hbm4b:s26+s3], $0x80, $0x38;
	[tilespmem:$0x18100] =	vst v63  }
0x32: {  	_ =	swait.ge [sflag:s20], $0x80  }
0x33: {  	[sflag:s20] =	ssyncset.done $0x0  }
0x34: {  	s31 =	sadd.s32 $0x0, s17;
	[sflag:s20] =	ssyncadd.s32 $0xFFFFFF80  }
0x35: {  	[tilespmem:s22], [sflag:$0x2] =	stream.linear.gather [hbm4b:s31+s3], $0x80, $0x38;
	[tilespmem:$0x18100] =	vst v63  }
0x36: {  	_ =	swait.ge [sflag:s20], $0x80  }
0x37: {  	[sflag:s20] =	ssyncset.done $0x0  }
0x38: {  	[sflag:s20] =	ssyncadd.s32 $0xFFFFFF80  }
0x39: {  	[tilespmem:s19], [sflag:$0x1] =	stream.indirect.gather [hbm4b:s4+s23], $0x80, s21, s23, $0xb8;
	[tilespmem:$0x18100] =	vst v63  }
0x3a: {  	_ =	swait.ge [sflag:s24], $0x4000  }
0x3b: {  	[sflag:s24] =	ssyncset.done $0x0  }
0x3c: {  	[sflag:s24] =	ssyncadd.s32 $0xFFFFC000  }
0x3d: {  	[spmem:s1] =	stream.indirect.scatter.add.f32 [tilespmem:s19], [sflag:$0x2], $0x80, s22, s23, $0xb8;
	[tilespmem:$0x18100] =	vst v63  }
0x3e: {  	_ =	swait.ge [sflag:s20], $0x4000  }
0x3f: {  	s28 =	simm.s32 $0x20;
	s26 =	simm.s32 $0x10;
	[sflag:s20] =	ssyncset.done $0x0  }
.LBB2_2:
0x40: {  	s29 =	sadd.s32 s26, s18  }
0x41: {  	[sflag:s20] =	ssyncadd.s32 $0xFFFFC000;
	s30 =	smov.u32 s28;
	s31 =	sadd.s32 $0x10, s28  }
0x42: {  	[tilespmem:s21], [sflag:$0x2] =	stream.linear.gather [hbm4b:s29+s3], $0x80, $0x38;
	[tilespmem:$0x18100] =	vst v63  }
0x43: {  	p0 =	sne.s32 s28, $0x4E0;
	_ =	swait.ge [sflag:s20], $0x80  }
0x44: {  	[sflag:s20] =	ssyncset.done $0x0  }
0x45: {  	s28 =	sadd.s32 s26, s17;
	s26 =	smov.u32 s30;
	[sflag:s20] =	ssyncadd.s32 $0xFFFFFF80  }
0x46: {  	[tilespmem:s22], [sflag:$0x2] =	stream.linear.gather [hbm4b:s28+s3], $0x80, $0x38;
	[tilespmem:$0x18100] =	vst v63  }
0x47: {  	_ =	swait.ge [sflag:s20], $0x80  }
0x48: {  	[sflag:s20] =	ssyncset.done $0x0  }
0x49: {  	[sflag:s20] =	ssyncadd.s32 $0xFFFFFF80  }
0x4a: {  	[tilespmem:s19], [sflag:$0x1] =	stream.indirect.gather [hbm4b:s4+s23], $0x80, s21, s23, $0xb8;
	[tilespmem:$0x18100] =	vst v63  }
0x4b: {  	_ =	swait.ge [sflag:s24], $0x4000  }
.Ltmp0:
0x4c: {  	[sflag:s24] =	ssyncset.done $0x0;
	(pc) =	sbr.rel @p0 .LBB2_2-.Ltmp0, $4  }
0x4d: {  	[sflag:s24] =	ssyncadd.s32 $0xFFFFC000  }
0x4e: {  	[spmem:s1] =	stream.indirect.scatter.add.f32 [tilespmem:s19], [sflag:$0x2], $0x80, s22, s23, $0xb8;
	[tilespmem:$0x18100] =	vst v63  }
0x4f: {  	_ =	swait.ge [sflag:s20], $0x4000  }
0x50: {  	s28 =	smov.u32 s31;
	[sflag:s20] =	ssyncset.done $0x0  }
0x51: {  	s28 =	sadd.s32 s26, s18;
	[sflag:s20] =	ssyncadd.s32 $0xFFFFC000  }
0x52: {  	[tilespmem:s21], [sflag:$0x2] =	stream.linear.gather [hbm4b:s28+s3], $0x80, $0x38;
	[tilespmem:$0x18100] =	vst v63  }
0x53: {  	_ =	swait.ge [sflag:s20], $0x80  }
0x54: {  	[sflag:s20] =	ssyncset.done $0x0  }
0x55: {  	s31 =	sadd.s32 s26, s17;
	[sflag:s20] =	ssyncadd.s32 $0xFFFFFF80  }
0x56: {  	[tilespmem:s22], [sflag:$0x2] =	stream.linear.gather [hbm4b:s31+s3], $0x80, $0x38;
	[tilespmem:$0x18100] =	vst v63  }
0x57: {  	_ =	swait.ge [sflag:s20], $0x80  }
0x58: {  	[sflag:s20] =	ssyncset.done $0x0  }
0x59: {  	[sflag:s20] =	ssyncadd.s32 $0xFFFFFF80  }
0x5a: {  	[tilespmem:s19], [sflag:$0x1] =	stream.indirect.gather [hbm4b:s4+s23], $0x80, s21, s23, $0xb8;
	[tilespmem:$0x18100] =	vst v63  }
0x5b: {  	_ =	swait.ge [sflag:s24], $0x4000  }
0x5c: {  	[sflag:s24] =	ssyncset.done $0x0  }
0x5d: {  	[sflag:s24] =	ssyncadd.s32 $0xFFFFC000  }
0x5e: {  	[spmem:s1] =	stream.indirect.scatter.add.f32 [tilespmem:s19], [sflag:$0x2], $0x80, s22, s23, $0xb8;
	[tilespmem:$0x18100] =	vst v63  }
0x5f: {  	_ =	swait.ge [sflag:s20], $0x4000  }
0x60: {  	[sflag:s20] =	ssyncset.done $0x0  }
0x61: {  	[sflag:s20] =	ssyncadd.s32 $0xFFFFC000  }
0x62: {  	[bflag:$0x0] =	sbarrier.arrive $0xFFFF  }
0x63: {  	[tilespmem:s19], [sflag:$0x2] =	stream.linear.gather [spmem:s6], $0x4000, $0x38;
	[tilespmem:$0x18100] =	vst v63  }
0x64: {  	_ =	swait.ge [sflag:s20], $0x4000  }
0x65: {  	[sflag:s20] =	ssyncset.done $0x0  }
0x66: {  	[sflag:s20] =	ssyncadd.s32 $0xFFFFC000  }
0x67: {  	[hbm4b:s11+s3] =	stream.linear.scatter [tilespmem:s19], [sflag:$0x2], $0x4000, $0x38;
	[tilespmem:$0x18100] =	vst v63  }
0x68: {  	_ =	swait.ge [sflag:s20], $0x4000  }
0x69: {  	[sflag:s20] =	ssyncset.done $0x0  }
0x6a: {  	[sflag:s20] =	ssyncadd.s32 $0xFFFFC000  }
0x6b: {  	[tilespmem:s19], [sflag:$0x2] =	stream.linear.gather [spmem:s7], $0x4000, $0x38;
	[tilespmem:$0x18100] =	vst v63  }
0x6c: {  	_ =	swait.ge [sflag:s20], $0x4000  }
0x6d: {  	[sflag:s20] =	ssyncset.done $0x0  }
0x6e: {  	[sflag:s20] =	ssyncadd.s32 $0xFFFFC000  }
0x6f: {  	[hbm4b:s12+s3] =	stream.linear.scatter [tilespmem:s19], [sflag:$0x2], $0x4000, $0x38;
	[tilespmem:$0x18100] =	vst v63  }
0x70: {  	_ =	swait.ge [sflag:s20], $0x4000  }
0x71: {  	[sflag:s20] =	ssyncset.done $0x0  }
0x72: {  	[sflag:s20] =	ssyncadd.s32 $0xFFFFC000  }
0x73: {  	[tilespmem:s19], [sflag:$0x2] =	stream.linear.gather [spmem:s8], $0x4000, $0x38;
	[tilespmem:$0x18100] =	vst v63  }
0x74: {  	_ =	swait.ge [sflag:s20], $0x4000  }
0x75: {  	[sflag:s20] =	ssyncset.done $0x0  }
0x76: {  	[sflag:s20] =	ssyncadd.s32 $0xFFFFC000  }
0x77: {  	[hbm4b:s13+s3] =	stream.linear.scatter [tilespmem:s19], [sflag:$0x2], $0x4000, $0x38;
	[tilespmem:$0x18100] =	vst v63  }
0x78: {  	_ =	swait.ge [sflag:s20], $0x4000  }
0x79: {  	[sflag:s20] =	ssyncset.done $0x0  }
0x7a: {  	[sflag:s20] =	ssyncadd.s32 $0xFFFFC000  }
0x7b: {  	[tilespmem:s19], [sflag:$0x2] =	stream.linear.gather [spmem:s9], $0x4000, $0x38;
	[tilespmem:$0x18100] =	vst v63  }
0x7c: {  	_ =	swait.ge [sflag:s20], $0x4000  }
0x7d: {  	[sflag:s20] =	ssyncset.done $0x0  }
0x7e: {  	[sflag:s20] =	ssyncadd.s32 $0xFFFFC000  }
0x7f: {  	[hbm4b:s14+s3] =	stream.linear.scatter [tilespmem:s19], [sflag:$0x2], $0x4000, $0x38;
	[tilespmem:$0x18100] =	vst v63  }
0x80: {  	_ =	swait.ge [sflag:s20], $0x4000  }
0x81: {  	[sflag:s20] =	ssyncset.done $0x0  }
0x82: {  	[sflag:s20] =	ssyncadd.s32 $0xFFFFC000  }
0x83: {  	[tilespmem:s19], [sflag:$0x2] =	stream.linear.gather [spmem:s10], $0x4000, $0x38;
	[tilespmem:$0x18100] =	vst v63  }
0x84: {  	s25 =	sadd.s32 $0x1, s25;
	_ =	swait.ge [sflag:s20], $0x4000  }
0x85: {  	p0 =	sne.s32 s25, s16;
	[sflag:s20] =	ssyncset.done $0x0  }
.Ltmp1:
0x86: {  	[sflag:s20] =	ssyncadd.s32 $0xFFFFC000;
	(pc) =	sbr.rel @p0 .LBB2_1-.Ltmp1, $4  }
0x87: {  	[hbm4b:s15+s3] =	stream.linear.scatter [tilespmem:s19], [sflag:$0x2], $0x4000, $0x38;
	[tilespmem:$0x18100] =	vst v63  }
0x88: {  	_ =	swait.ge [sflag:s20], $0x4000  }
0x89: {  	[sflag:s20] =	ssyncset.done $0x0  }
0x8a: {  	[sflag:s20] =	ssyncadd.s32 $0xFFFFC000  }
0x8b: {  	_ =	sfence.sel $0x180000  }
0x8c: {  	[bflag:$0x0] =	sbarrier.arrive $0xFFFF  }
0x8d: {  	p0 =	sne.s32 s2, $0x0;
	_ =	strace $0x9000004A  }
0x8e: {  	s0 =	sadd.s32 @!p0 $0x100000, s0;
	[bflag:$0x2] =	sbarrier.arrive $0xFFFF  }
0x8f: {  	[sflag:s0] =	ssyncadd.tile.s32 @!p0 $0x1;
	_ =	shalt  }
.Lfunc_end2:
_tile_overlayer_lowered:
.L_overlay_start_2:
0x90: {  	(tag) =	ssettag $0x2  }
0x91: {  	s0 =	rddreg [dreg:$0x0];
	s2 =	stileid.u32  }
0x92: {  	s1 =	rddreg [dreg:$0x1];
	p0 =	sne.s32 s2, $0x0  }
0x93: {  	s3 =	rddreg [dreg:$0x2];
	[bflag:$0x3] =	sbarrier.arrive $0xFFFF;
	s2 =	simm.s32 @!p0 $0x1C02  }
0x94: {  	[timem:s3], [sflag:s2] =	dma.local @!p0 [hbm:s0], s1  }
0x95: {  	s0 =	simm.s32 @!p0 $0x2  }
0x96: {  	_ =	swait.ge @!p0 [sflag:s0], s1  }
0x97: {  	s1 =	ssub.s32 @!p0 $0x0, s1;
	[sflag:s0] =	ssyncset.done @!p0 $0x0  }
0x98: {  	[sflag:s0] =	ssyncadd.s32 @!p0 s1  }
0x99: {  	[bflag:$0x3] =	sbarrier.arrive $0xFFFF  }
0x9a: {  	_ =	shalt  }

// kernel: kernel.14.cloned.1.call-start
scs
__scs_entry_jumppad:
0x0: {  	(pc) =	sbr.rel $0x88, $3  }
0x1: {  	(tag) =	ssettag $0x0;
	lr =	simm.s32 $0x1  }
0x2: {  	[smem:$0x3F99] =	sst lr;
	_ =	strace $0xD0000000  }
0x3: {  	_ = 	snop  }
0x4: {  	_ = 	snop  }
0x5: {  	_ = 	snop  }
0x6: {  	_ = 	snop  }
0x7: {  	_ = 	snop  }
__scs_overlays_trampoline_lowered:
0x8: {  	[smem:$0x3FA8] =	sst s0  }
0x9: {  	[smem:$0x3FA9] =	sst s1  }
0xa: {  	[smem:$0x3FAA] =	sst s2  }
0xb: {  	[smem:$0x3FAB] =	sst s3  }
0xc: {  	[smem:$0x3FAC] =	sst s4  }
0xd: {  	[smem:$0x3FAD] =	sst s5  }
0xe: {  	[smem:$0x3FAE] =	sst s6  }
0xf: {  	[smem:$0x3FAF] =	sst s7  }
0x10: {  	[smem:$0x3FB0] =	sst s8  }
0x11: {  	[smem:$0x3FB1] =	sst s9;
	s0 =	simm.s32 @!p0 $0x0  }
0x12: {  	s1 =	sld [smem:$0x3F97];
	s0 =	simm.s32 @p0 $0x1  }
0x13: {  	[smem:$0x3FB2] =	sst s0;
	s0 =	simm.s32 @!p1 $0x0  }
0x14: {  	s2 =	sld [smem:$0x3F96];
	s0 =	simm.s32 @p1 $0x1  }
0x15: {  	[smem:$0x3FB3] =	sst s0;
	s0 =	simm.s32 @!p2 $0x0  }
0x16: {  	s3 =	sld [smem:$0x3FDB];
	s0 =	simm.s32 @p2 $0x1  }
0x17: {  	s4 =	simm.s32 $0x1BF5;
	[smem:$0x3FB5] =	sst s0  }
0x18: {  	s0 =	sld [smem:$0x3F98];
	_ =	swait.ge [sflag:s4], $0x0  }
0x19: {  	s7 =	sld [smem:$0x3F99]  }
0x1a: {  	s8 =	sadd.s32 $0xFFFFE003, lr  }
0x1b: {  	s9 =	sadd.s32 $0xFFFFFEF7, lr;
	s5 =	simm.s32 $0xFFFFFFFF;
	p2 =	slt.u32 s8, $0xFFFFF086  }
0x1c: {  	p1 =	slt.u32 s9, $0xF7A;
	s5 =	simm.s32 @!p2 $0x0  }
0x1d: {  	s5 =	simm.s32 @p1 $0x1;
	p0 =	seq.s32 s7, s2  }
0x1e: {  	s7 =	smul.u32 @!p0 $0xF7A, s2;
	p2 =	seq.s32 @!p0 s5, $0x0  }
0x1f: {  	s9 =	smul.u32 $0xF7A, s1;
	s8 =	simm.s32 @!p0 $0x1BF5;
	p2 =	por !p2, p0  }
0x20: {  	[sflag:s8] =	ssyncset.s32 @!p0 $0xFFFFF086;
	s6 =	sadd.s32 @!p0 s3, s7;
	s7 =	simm.s32 @!p0 $0x108  }
0x21: {  	s3 =	sadd.s32 s3, s9;
	s6 =	sadd.s32 @!p0 $0x88, s6;
	s7 =	simm.s32 @p2 $0x1082  }
0x22: {  	[simem:s7], [sflag:s8] =	dma.local @!p0 [hbm:s6], $0xF7A  }
0x23: {  	s9 =	sor.u32 $0xD0000000, s2;
	s6 =	simm.s32 $0x108;
	_ =	swait.ge @!p0 [sflag:s8], $0x0  }
0x24: {  	s3 =	sadd.s32 $0x88, s3;
	s6 =	simm.s32 @!p1 $0x1082;
	[sflag:s4] =	ssyncset.s32 $0xFFFFF086  }
0x25: {  	[simem:s6], [sflag:s4] =	dma.local [hbm:s3], $0xF7A  }
0x26: {  	[smem:$0x3F99] =	sst s1;
	(tag) =	ssettag s2;
	_ =	strace s9  }
0x27: {  	s1 =	sld [smem:$0x3FA9]  }
0x28: {  	s2 =	sld [smem:$0x3FAA]  }
0x29: {  	s4 =	sld [smem:$0x3FAC]  }
0x2a: {  	p0 =	seq.s32 s5, $0x0;
	s5 =	sld [smem:$0x3FAD]  }
0x2b: {  	s6 =	sld [smem:$0x3FAE]  }
0x2c: {  	s7 =	sld [smem:$0x3FAF]  }
0x2d: {  	s3 =	simm.s32 $0x108;
	s8 =	sld [smem:$0x3FB0]  }
0x2e: {  	s3 =	simm.s32 @!p0 $0x1082;
	s9 =	sld [smem:$0x3FB1]  }
0x2f: {  	lr =	sadd.s32 s0, s3;
	s0 =	sld [smem:$0x3FA8]  }
0x30: {  	s3 =	sld [smem:$0x3FAB]  }
0x31: {  	[smem:$0x3FB4] =	sst s10  }
0x32: {  	s10 =	sld [smem:$0x3FB2];
	_ =	sdelay $0x3  }
0x33: {  	p0 =	seq.s32 s10, $0x1;
	s10 =	sld [smem:$0x3FB4];
	_ =	sdelay $0x3  }
0x34: {  	[smem:$0x3FB4] =	sst s10  }
0x35: {  	s10 =	sld [smem:$0x3FB3];
	_ =	sdelay $0x3  }
0x36: {  	p1 =	seq.s32 s10, $0x1;
	s10 =	sld [smem:$0x3FB4];
	_ =	sdelay $0x3  }
0x37: {  	[smem:$0x3FB4] =	sst s10  }
0x38: {  	s10 =	sld [smem:$0x3FB5]  }
0x39: {  	_ = 	snop;
	(pc) =	sbr.ind lr, $3  }
0x3a: {  	_ = 	snop  }
0x3b: {  	_ = 	snop  }
0x3c: {  	p2 =	seq.s32 s10, $0x1;
	s10 =	sld [smem:$0x3FB4]  }
0x3d: {  	_ =	shalt  }
0x3e: {  	_ =	shalt  }
0x3f: {  	_ =	shalt  }
0x40: {  	_ =	shalt  }
0x41: {  	_ =	shalt  }
0x42: {  	_ =	shalt  }
0x43: {  	_ =	shalt  }
0x44: {  	_ =	shalt  }
0x45: {  	_ =	shalt  }
0x46: {  	_ =	shalt  }
0x47: {  	_ =	shalt  }
0x48: {  	_ =	shalt  }
0x49: {  	_ =	shalt  }
0x4a: {  	_ =	shalt  }
0x4b: {  	_ =	shalt  }
0x4c: {  	_ =	shalt  }
0x4d: {  	_ =	shalt  }
0x4e: {  	_ =	shalt  }
0x4f: {  	_ =	shalt  }
0x50: {  	_ =	shalt  }
0x51: {  	_ =	shalt  }
0x52: {  	_ =	shalt  }
0x53: {  	_ =	shalt  }
0x54: {  	_ =	shalt  }
0x55: {  	_ =	shalt  }
0x56: {  	_ =	shalt  }
0x57: {  	_ =	shalt  }
0x58: {  	_ =	shalt  }
0x59: {  	_ =	shalt  }
0x5a: {  	_ =	shalt  }
0x5b: {  	_ =	shalt  }
0x5c: {  	_ =	shalt  }
0x5d: {  	_ =	shalt  }
0x5e: {  	_ =	shalt  }
0x5f: {  	_ =	shalt  }
0x60: {  	_ =	shalt  }
0x61: {  	_ =	shalt  }
0x62: {  	_ =	shalt  }
0x63: {  	_ =	shalt  }
0x64: {  	_ =	shalt  }
0x65: {  	_ =	shalt  }
0x66: {  	_ =	shalt  }
0x67: {  	_ =	shalt  }
0x68: {  	_ =	shalt  }
0x69: {  	_ =	shalt  }
0x6a: {  	_ =	shalt  }
0x6b: {  	_ =	shalt  }
0x6c: {  	_ =	shalt  }
0x6d: {  	_ =	shalt  }
0x6e: {  	_ =	shalt  }
0x6f: {  	_ =	shalt  }
0x70: {  	_ =	shalt  }
0x71: {  	_ =	shalt  }
0x72: {  	_ =	shalt  }
0x73: {  	_ =	shalt  }
0x74: {  	_ =	shalt  }
0x75: {  	_ =	shalt  }
0x76: {  	_ =	shalt  }
0x77: {  	_ =	shalt  }
0x78: {  	_ =	shalt  }
0x79: {  	_ =	shalt  }
0x7a: {  	_ =	shalt  }
0x7b: {  	_ =	shalt  }
0x7c: {  	_ =	shalt  }
0x7d: {  	_ =	shalt  }
0x7e: {  	_ =	shalt  }
0x7f: {  	_ =	shalt  }
0x80: {  	_ =	shalt  }
0x81: {  	_ =	shalt  }
0x82: {  	_ =	shalt  }
0x83: {  	_ =	shalt  }
0x84: {  	_ =	shalt  }
0x85: {  	_ =	shalt  }
0x86: {  	_ =	shalt  }
0x87: {  	_ =	shalt  }
.Lfunc_end0:
.L_simem_size_0:
called_computation.2_lowered:
.L_overlay_start_0:
0x88: {  	s2 =	sld [smem:$0x3FD9]  }
0x89: {  	s3 =	sld [smem:$0x3FFE];
	_ =	sdelay $0x1  }
0x8a: {  	s1 =	srdreg.scid  }
0x8b: {  	s0 =	sand.u32 $0x1, s1  }
0x8c: {  	s14 =	sshll.u32 s0, $0xA;
	s2 =	sadd.s32 s3, s2  }
0x8d: {  	s2 =	sadd.s32 s2, s14  }
0x8e: {  	[smem:$0x3FC0] =	sst s2  }
0x8f: {  	_ = 	snop  }
0x90: {  	s2 =	sld [smem:$0x3FD0];
	_ =	sdelay $0x2  }
0x91: {  	s15 =	simm.s32 $0xA;
	s4 =	simm.s32 $0x10  }
0x92: {  	[smem:s4], [sflag:s15] =	dma.local [hbm:s2], $0x1  }
0x93: {  	_ =	swait.eq [sflag:s15], $0x1  }
0x94: {  	[sflag:s15] =	ssyncset.done $0x0  }
0x95: {  	s16 =	sld [smem:$0x10];
	[sflag:s15] =	ssyncadd.s32 $0xFFFFFFFF  }
0x96: {  	s17 =	sld [smem:$0x11];
	(tm) =	ssettm $0x1  }
0x97: {  	s18 =	sld [smem:$0x3FFB];
	_ =	sdelay $0x3  }
0x98: {  	_ =	strace s18  }
0x99: {  	s4 =	sld [smem:$0x3FFC];
	_ =	sdelay $0x3  }
0x9a: {  	_ =	strace s4  }
0x9b: {  	s4 =	sld [smem:$0x3FFD];
	_ =	sdelay $0x3  }
0x9c: {  	_ =	strace s4  }
0x9d: {  	_ =	strace $0x8FFFFFFF  }
0x9e: {  	s19 =	sld [smem:$0x3FDB];
	_ =	sdelay $0x1  }
0x9f: {  	s5 =	simm.s32 $_scs_section_size  }
0xa0: {  	s6 =	simm.s32 $_size__tile_overlayer_lowered;
	s7 =	simm.s32 $_tile_overlayer_lowered  }
0xa1: {  	s22 =	simm.s32 $0x1BFF;
	s21 =	sshll.u32 s7, $0x1;
	s4 =	sadd.s32 s5, s19  }
0xa2: {  	s8 =	simm.s32 $0x0;
	s20 =	sshll.u32 s6, $0x1;
	s6 =	sadd.s32 s21, s4  }
0xa3: {  	[timem:s8], [sflag:s22] =	dma.local [hbm:s6], s20  }
0xa4: {  	_ =	swait.ge [sflag:s22], s20  }
0xa5: {  	s5 =	ssub.s32 $0x0, s20;
	[sflag:s22] =	ssyncset.done $0x0  }
0xa6: {  	[sflag:s22] =	ssyncadd.s32 s5;
	_ =	sdelay $0x1  }
0xa7: {  	s23 =	simm.s32 $0x1B8B  }
0xa8: {  	_ =	swait.ge [sflag:s23], $0x1  }
0xa9: {  	[sflag:s23] =	ssyncset.done $0x0  }
0xaa: {  	s25 =	simm.s32 $0x1B8E;
	s24 =	sld [smem:$0x3FFE];
	[sflag:s23] =	ssyncadd.s32 $0xFFFFFFFF  }
0xab: {  	s26 =	simm.s32 $execute0_lowered;
	[smem:$0x3FD2] =	sst s25  }
0xac: {  	s6 =	sshll.u32 s26, $0x1;
	_ =	strace $0x8000004C;
	[dreg:$0x1] =	wrdreg $0xFFFFFFFF  }
0xad: {  	s28 =	simm.s32 $_size_execute0_lowered;
	s4 =	sadd.s32 s4, s6;
	[dreg:$0x0] =	wrdreg $0x0  }
0xae: {  	s6 =	sshll.u32 s28, $0x1;
	[dreg:$0x2] =	wrdreg s4  }
0xaf: {  	[dreg:$0x3] =	wrdreg s6  }
0xb0: {  	[dreg:$0x4] =	wrdreg $0xC0  }
0xb1: {  	_ =	task [dreg:s8], $0x5FFFF  }
0xb2: {  	[dreg:$0x1] =	wrdreg $0xFFFFFFFF  }
0xb3: {  	[dreg:$0x0] =	wrdreg $0x60  }
0xb4: {  	[dreg:$0x2] =	wrdreg s24  }
0xb5: {  	[dreg:$0x3] =	wrdreg s16  }
0xb6: {  	[dreg:$0x4] =	wrdreg s17  }
0xb7: {  	[dreg:$0x5] =	wrdreg $0x0  }
0xb8: {  	[dreg:$0x6] =	wrdreg $0x9  }
0xb9: {  	_ =	task.clear_ibuf [dreg:s8], $0x7FFFF;
	_ =	strace $0x9000004C  }
0xba: {  	s29 =	simm.s32 $0x9;
	_ =	strace $0x8000004E  }
0xbb: {  	_ =	swait.ge [sflag:s29], $0x1  }
0xbc: {  	[sflag:s29] =	ssyncadd.s32 $0xFFFFFFFF  }
0xbd: {  	_ =	strace $0x9000004E  }
0xbe: {  	_ =	sfence  }
0xbf: {  	s30 =	sld [smem:$0x0];
	_ =	sdelay $0x2  }
0xc0: {  	s31 =	sshll.u32 s1, $0xD;
	s1 =	sshrl.u32 s1, $0x2  }
0xc1: {  	s3 =	sand.u32 $0x4000, s31;
	s1 =	sadd.s32 s1, s30  }
0xc2: {  	s0 =	sor.u32 s3, s0;
	s1 =	sshll.u32 s1, $0x11  }
0xc3: {  	s0 =	sor.u32 s1, s0  }
0xc4: {  	s0 =	sadd.s32 $0x8F2B, s0  }
0xc5: {  	[sflag:s0] =	ssyncadd.remote.s32 $0x1  }
0xc6: {  	_ =	sfence.sel $0xFFFF  }
0xc7: {  	[dreg:$0x0] =	wrdreg $0xFFFFFFFF;
	(pc) =	sbr.abs _section_cstart, $3  }
0xc8: {  	[dreg:$0x1] =	wrdreg $0xFFFFFFFF  }
0xc9: {  	_ =	task.clear_ibuf [dreg:s8], $0x2FFFF;
	_ =	strace $0x9FFFFFFF  }
0xca: {  	(tm) =	ssettm $0x7FFFFFFF  }
0xcb: {  	_ =	shalt  }
tec
execute0_lowered:
.L_overlay_start_1:
0x0: {  	(tag) =	ssettag $0x1  }
0x1: {  	s6 =	rddreg [dreg:$0x0]  }
0x2: {  	s18 =	rddreg [dreg:$0x1]  }
0x3: {  	s17 =	rddreg [dreg:$0x2]  }
0x4: {  	s1 =	rddreg [dreg:$0x3]  }
0x5: {  	s0 =	rddreg [dreg:$0x4];
	s3 =	simm.s32 $0x0;
	s4 =	srdreg.scid  }
0x6: {  	s2 =	stileid.u32;
	[smem:$0x7FF] =	sst s3  }
0x7: {  	s11 =	sand.u32 $0x1, s4;
	s7 =	smul.u32 $0x50000, s2;
	s4 =	sadd.s32 $0x53800, s6  }
0x8: {  	s12 =	smul.u32 $0x14000, s2;
	s5 =	sadd.s32 $0x2800, s6;
	s15 =	sadd.s32 $0x7B800, s6  }
0x9: {  	s22 =	smul.u32 $0x4F, s2;
	_ =	strace $0x8000004D;
	s8 =	ssub.s32 $0x2, s11  }
0xa: {  	s20 =	smul.u32 $0x140000, s11;
	p0 =	seq.s32 s11, $0x0;
	s23 =	sshrl.u32 s8, $0x1  }
0xb: {  	s24 =	sshrl.u32 s7, $0x2;
	s13 =	sadd.s32 $0x4000, s12;
	s14 =	sadd.s32 $0x8000, s12  }
0xc: {  	s19 =	sadd.s32 $0xC000, s12;
	s21 =	sadd.s32 $0x10000, s12;
	s16 =	ssub.s32 s8, s23  }
0xd: {  	s6 =	sadd.s32 s24, s1;
	s7 =	sadd.s32 s13, s1;
	s8 =	sadd.s32 s14, s1  }
0xe: {  	s9 =	sadd.s32 s19, s1;
	s10 =	sadd.s32 s21, s1;
	s25 =	sadd.s32 s12, s20  }
0xf: {  	s23 =	sadd.s32 $0x4F0, s22;
	s26 =	sadd.s32 s20, s13;
	s28 =	sadd.s32 s20, s14  }
0x10: {  	s29 =	sadd.s32 s20, s19;
	s30 =	sadd.s32 s20, s21;
	s20 =	simm.s32 $0x2  }
0x11: {  	s21 =	simm.s32 $0x18000;
	s24 =	simm.s32 $0x1;
	s11 =	sshrl.u32 s25, $0x3  }
0x12: {  	s23 =	smov.u32 @p0 s22;
	s12 =	sshrl.u32 s26, $0x3;
	s13 =	sshrl.u32 s28, $0x3  }
0x13: {  	s14 =	sshrl.u32 s29, $0x3;
	s19 =	sshrl.u32 s30, $0x3;
	s16 =	smax.u32 s16, $0x1  }
0x14: {  	s22 =	simm.s32 $0x18080;
	s25 =	simm.s32 $0x0;
	s11 =	sadd.s32 s15, s11  }
0x15: {  	s12 =	sadd.s32 s15, s12;
	s13 =	sadd.s32 s15, s13;
	s14 =	sadd.s32 s15, s14  }
0x16: {  	s15 =	sadd.s32 s15, s19;
	s31 =	sshll.u32 s23, $0x4;
	s19 =	simm.s32 $0x14000  }
0x17: {  	s23 =	simm.s32 $0x80;
	s17 =	sadd.s32 s31, s17;
	s18 =	sadd.s32 s31, s18  }
.LBB2_1:
0x18: {  	[tilespmem:s19], [sflag:$0x2] =	stream.linear.gather [hbm4b:s5+s3], $0x4000, $0x38;
	[tilespmem:$0x18100] =	vst v63  }
0x19: {  	_ =	swait.ge [sflag:s20], $0x4000  }
0x1a: {  	[sflag:s20] =	ssyncset.done $0x0  }
0x1b: {  	[sflag:s20] =	ssyncadd.s32 $0xFFFFC000  }
0x1c: {  	[spmem:s6] =	stream.linear.scatter [tilespmem:s19], [sflag:$0x2], $0x4000, $0x38;
	[tilespmem:$0x18100] =	vst v63  }
0x1d: {  	_ =	swait.ge [sflag:s20], $0x4000  }
0x1e: {  	[sflag:s20] =	ssyncset.done $0x0  }
0x1f: {  	[sflag:s20] =	ssyncadd.s32 $0xFFFFC000  }
0x20: {  	[spmem:s7] =	stream.linear.scatter [tilespmem:s19], [sflag:$0x2], $0x4000, $0x38;
	[tilespmem:$0x18100] =	vst v63  }
0x21: {  	_ =	swait.ge [sflag:s20], $0x4000  }
0x22: {  	[sflag:s20] =	ssyncset.done $0x0  }
0x23: {  	[sflag:s20] =	ssyncadd.s32 $0xFFFFC000  }
0x24: {  	[spmem:s8] =	stream.linear.scatter [tilespmem:s19], [sflag:$0x2], $0x4000, $0x38;
	[tilespmem:$0x18100] =	vst v63  }
0x25: {  	_ =	swait.ge [sflag:s20], $0x4000  }
0x26: {  	[sflag:s20] =	ssyncset.done $0x0  }
0x27: {  	[sflag:s20] =	ssyncadd.s32 $0xFFFFC000  }
0x28: {  	[spmem:s9] =	stream.linear.scatter [tilespmem:s19], [sflag:$0x2], $0x4000, $0x38;
	[tilespmem:$0x18100] =	vst v63  }
0x29: {  	_ =	swait.ge [sflag:s20], $0x4000  }
0x2a: {  	[sflag:s20] =	ssyncset.done $0x0  }
0x2b: {  	[sflag:s20] =	ssyncadd.s32 $0xFFFFC000  }
0x2c: {  	[spmem:s10] =	stream.linear.scatter [tilespmem:s19], [sflag:$0x2], $0x4000, $0x38;
	[tilespmem:$0x18100] =	vst v63  }
0x2d: {  	_ =	swait.ge [sflag:s20], $0x4000  }
0x2e: {  	[sflag:s20] =	ssyncset.done $0x0  }
0x2f: {  	[sflag:s20] =	ssyncadd.s32 $0xFFFFC000  }
0x30: {  	s26 =	sadd.s32 $0x0, s18;
	[bflag:$0x0] =	sbarrier.arrive $0xFFFF  }
0x31: {  	[tilespmem:s21], [sflag:$0x2] =	stream.linear.gather [hbm4b:s26+s3], $0x80, $0x38;
	[tilespmem:$0x18100] =	vst v63  }
0x32: {  	_ =	swait.ge [sflag:s20], $0x80  }
0x33: {  	[sflag:s20] =	ssyncset.done $0x0  }
0x34: {  	s31 =	sadd.s32 $0x0, s17;
	[sflag:s20] =	ssyncadd.s32 $0xFFFFFF80  }
0x35: {  	[tilespmem:s22], [sflag:$0x2] =	stream.linear.gather [hbm4b:s31+s3], $0x80, $0x38;
	[tilespmem:$0x18100] =	vst v63  }
0x36: {  	_ =	swait.ge [sflag:s20], $0x80  }
0x37: {  	[sflag:s20] =	ssyncset.done $0x0  }
0x38: {  	[sflag:s20] =	ssyncadd.s32 $0xFFFFFF80  }
0x39: {  	[tilespmem:s19], [sflag:$0x1] =	stream.indirect.gather [hbm4b:s4+s23], $0x80, s21, s23, $0xb8;
	[tilespmem:$0x18100] =	vst v63  }
0x3a: {  	_ =	swait.ge [sflag:s24], $0x4000  }
0x3b: {  	[sflag:s24] =	ssyncset.done $0x0  }
0x3c: {  	[sflag:s24] =	ssyncadd.s32 $0xFFFFC000  }
0x3d: {  	[spmem:s1] =	stream.indirect.scatter.add.f32 [tilespmem:s19], [sflag:$0x2], $0x80, s22, s23, $0xb8;
	[tilespmem:$0x18100] =	vst v63  }
0x3e: {  	_ =	swait.ge [sflag:s20], $0x4000  }
0x3f: {  	s28 =	simm.s32 $0x20;
	s26 =	simm.s32 $0x10;
	[sflag:s20] =	ssyncset.done $0x0  }
.LBB2_2:
0x40: {  	s29 =	sadd.s32 s26, s18  }
0x41: {  	[sflag:s20] =	ssyncadd.s32 $0xFFFFC000;
	s30 =	smov.u32 s28;
	s31 =	sadd.s32 $0x10, s28  }
0x42: {  	[tilespmem:s21], [sflag:$0x2] =	stream.linear.gather [hbm4b:s29+s3], $0x80, $0x38;
	[tilespmem:$0x18100] =	vst v63  }
0x43: {  	p0 =	sne.s32 s28, $0x4E0;
	_ =	swait.ge [sflag:s20], $0x80  }
0x44: {  	[sflag:s20] =	ssyncset.done $0x0  }
0x45: {  	s28 =	sadd.s32 s26, s17;
	s26 =	smov.u32 s30;
	[sflag:s20] =	ssyncadd.s32 $0xFFFFFF80  }
0x46: {  	[tilespmem:s22], [sflag:$0x2] =	stream.linear.gather [hbm4b:s28+s3], $0x80, $0x38;
	[tilespmem:$0x18100] =	vst v63  }
0x47: {  	_ =	swait.ge [sflag:s20], $0x80  }
0x48: {  	[sflag:s20] =	ssyncset.done $0x0  }
0x49: {  	[sflag:s20] =	ssyncadd.s32 $0xFFFFFF80  }
0x4a: {  	[tilespmem:s19], [sflag:$0x1] =	stream.indirect.gather [hbm4b:s4+s23], $0x80, s21, s23, $0xb8;
	[tilespmem:$0x18100] =	vst v63  }
0x4b: {  	_ =	swait.ge [sflag:s24], $0x4000  }
.Ltmp0:
0x4c: {  	[sflag:s24] =	ssyncset.done $0x0;
	(pc) =	sbr.rel @p0 .LBB2_2-.Ltmp0, $4  }
0x4d: {  	[sflag:s24] =	ssyncadd.s32 $0xFFFFC000  }
0x4e: {  	[spmem:s1] =	stream.indirect.scatter.add.f32 [tilespmem:s19], [sflag:$0x2], $0x80, s22, s23, $0xb8;
	[tilespmem:$0x18100] =	vst v63  }
0x4f: {  	_ =	swait.ge [sflag:s20], $0x4000  }
0x50: {  	s28 =	smov.u32 s31;
	[sflag:s20] =	ssyncset.done $0x0  }
0x51: {  	s28 =	sadd.s32 s26, s18;
	[sflag:s20] =	ssyncadd.s32 $0xFFFFC000  }
0x52: {  	[tilespmem:s21], [sflag:$0x2] =	stream.linear.gather [hbm4b:s28+s3], $0x80, $0x38;
	[tilespmem:$0x18100] =	vst v63  }
0x53: {  	_ =	swait.ge [sflag:s20], $0x80  }
0x54: {  	[sflag:s20] =	ssyncset.done $0x0  }
0x55: {  	s31 =	sadd.s32 s26, s17;
	[sflag:s20] =	ssyncadd.s32 $0xFFFFFF80  }
0x56: {  	[tilespmem:s22], [sflag:$0x2] =	stream.linear.gather [hbm4b:s31+s3], $0x80, $0x38;
	[tilespmem:$0x18100] =	vst v63  }
0x57: {  	_ =	swait.ge [sflag:s20], $0x80  }
0x58: {  	[sflag:s20] =	ssyncset.done $0x0  }
0x59: {  	[sflag:s20] =	ssyncadd.s32 $0xFFFFFF80  }
0x5a: {  	[tilespmem:s19], [sflag:$0x1] =	stream.indirect.gather [hbm4b:s4+s23], $0x80, s21, s23, $0xb8;
	[tilespmem:$0x18100] =	vst v63  }
0x5b: {  	_ =	swait.ge [sflag:s24], $0x4000  }
0x5c: {  	[sflag:s24] =	ssyncset.done $0x0  }
0x5d: {  	[sflag:s24] =	ssyncadd.s32 $0xFFFFC000  }
0x5e: {  	[spmem:s1] =	stream.indirect.scatter.add.f32 [tilespmem:s19], [sflag:$0x2], $0x80, s22, s23, $0xb8;
	[tilespmem:$0x18100] =	vst v63  }
0x5f: {  	_ =	swait.ge [sflag:s20], $0x4000  }
0x60: {  	[sflag:s20] =	ssyncset.done $0x0  }
0x61: {  	[sflag:s20] =	ssyncadd.s32 $0xFFFFC000  }
0x62: {  	[bflag:$0x0] =	sbarrier.arrive $0xFFFF  }
0x63: {  	[tilespmem:s19], [sflag:$0x2] =	stream.linear.gather [spmem:s6], $0x4000, $0x38;
	[tilespmem:$0x18100] =	vst v63  }
0x64: {  	_ =	swait.ge [sflag:s20], $0x4000  }
0x65: {  	[sflag:s20] =	ssyncset.done $0x0  }
0x66: {  	[sflag:s20] =	ssyncadd.s32 $0xFFFFC000  }
0x67: {  	[hbm4b:s11+s3] =	stream.linear.scatter [tilespmem:s19], [sflag:$0x2], $0x4000, $0x38;
	[tilespmem:$0x18100] =	vst v63  }
0x68: {  	_ =	swait.ge [sflag:s20], $0x4000  }
0x69: {  	[sflag:s20] =	ssyncset.done $0x0  }
0x6a: {  	[sflag:s20] =	ssyncadd.s32 $0xFFFFC000  }
0x6b: {  	[tilespmem:s19], [sflag:$0x2] =	stream.linear.gather [spmem:s7], $0x4000, $0x38;
	[tilespmem:$0x18100] =	vst v63  }
0x6c: {  	_ =	swait.ge [sflag:s20], $0x4000  }
0x6d: {  	[sflag:s20] =	ssyncset.done $0x0  }
0x6e: {  	[sflag:s20] =	ssyncadd.s32 $0xFFFFC000  }
0x6f: {  	[hbm4b:s12+s3] =	stream.linear.scatter [tilespmem:s19], [sflag:$0x2], $0x4000, $0x38;
	[tilespmem:$0x18100] =	vst v63  }
0x70: {  	_ =	swait.ge [sflag:s20], $0x4000  }
0x71: {  	[sflag:s20] =	ssyncset.done $0x0  }
0x72: {  	[sflag:s20] =	ssyncadd.s32 $0xFFFFC000  }
0x73: {  	[tilespmem:s19], [sflag:$0x2] =	stream.linear.gather [spmem:s8], $0x4000, $0x38;
	[tilespmem:$0x18100] =	vst v63  }
0x74: {  	_ =	swait.ge [sflag:s20], $0x4000  }
0x75: {  	[sflag:s20] =	ssyncset.done $0x0  }
0x76: {  	[sflag:s20] =	ssyncadd.s32 $0xFFFFC000  }
0x77: {  	[hbm4b:s13+s3] =	stream.linear.scatter [tilespmem:s19], [sflag:$0x2], $0x4000, $0x38;
	[tilespmem:$0x18100] =	vst v63  }
0x78: {  	_ =	swait.ge [sflag:s20], $0x4000  }
0x79: {  	[sflag:s20] =	ssyncset.done $0x0  }
0x7a: {  	[sflag:s20] =	ssyncadd.s32 $0xFFFFC000  }
0x7b: {  	[tilespmem:s19], [sflag:$0x2] =	stream.linear.gather [spmem:s9], $0x4000, $0x38;
	[tilespmem:$0x18100] =	vst v63  }
0x7c: {  	_ =	swait.ge [sflag:s20], $0x4000  }
0x7d: {  	[sflag:s20] =	ssyncset.done $0x0  }
0x7e: {  	[sflag:s20] =	ssyncadd.s32 $0xFFFFC000  }
0x7f: {  	[hbm4b:s14+s3] =	stream.linear.scatter [tilespmem:s19], [sflag:$0x2], $0x4000, $0x38;
	[tilespmem:$0x18100] =	vst v63  }
0x80: {  	_ =	swait.ge [sflag:s20], $0x4000  }
0x81: {  	[sflag:s20] =	ssyncset.done $0x0  }
0x82: {  	[sflag:s20] =	ssyncadd.s32 $0xFFFFC000  }
0x83: {  	[tilespmem:s19], [sflag:$0x2] =	stream.linear.gather [spmem:s10], $0x4000, $0x38;
	[tilespmem:$0x18100] =	vst v63  }
0x84: {  	s25 =	sadd.s32 $0x1, s25;
	_ =	swait.ge [sflag:s20], $0x4000  }
0x85: {  	p0 =	sne.s32 s25, s16;
	[sflag:s20] =	ssyncset.done $0x0  }
.Ltmp1:
0x86: {  	[sflag:s20] =	ssyncadd.s32 $0xFFFFC000;
	(pc) =	sbr.rel @p0 .LBB2_1-.Ltmp1, $4  }
0x87: {  	[hbm4b:s15+s3] =	stream.linear.scatter [tilespmem:s19], [sflag:$0x2], $0x4000, $0x38;
	[tilespmem:$0x18100] =	vst v63  }
0x88: {  	_ =	swait.ge [sflag:s20], $0x4000  }
0x89: {  	[sflag:s20] =	ssyncset.done $0x0  }
0x8a: {  	[sflag:s20] =	ssyncadd.s32 $0xFFFFC000  }
0x8b: {  	_ =	sfence.sel $0x180000  }
0x8c: {  	[bflag:$0x0] =	sbarrier.arrive $0xFFFF  }
0x8d: {  	p0 =	sne.s32 s2, $0x0;
	_ =	strace $0x9000004D  }
0x8e: {  	s0 =	sadd.s32 @!p0 $0x100000, s0;
	[bflag:$0x2] =	sbarrier.arrive $0xFFFF  }
0x8f: {  	[sflag:s0] =	ssyncadd.tile.s32 @!p0 $0x1;
	_ =	shalt  }
.Lfunc_end2:
_tile_overlayer_lowered:
.L_overlay_start_2:
0x90: {  	(tag) =	ssettag $0x2  }
0x91: {  	s0 =	rddreg [dreg:$0x0];
	s2 =	stileid.u32  }
0x92: {  	s1 =	rddreg [dreg:$0x1];
	p0 =	sne.s32 s2, $0x0  }
0x93: {  	s3 =	rddreg [dreg:$0x2];
	[bflag:$0x3] =	sbarrier.arrive $0xFFFF;
	s2 =	simm.s32 @!p0 $0x1C02  }
0x94: {  	[timem:s3], [sflag:s2] =	dma.local @!p0 [hbm:s0], s1  }
0x95: {  	s0 =	simm.s32 @!p0 $0x2  }
0x96: {  	_ =	swait.ge @!p0 [sflag:s0], s1  }
0x97: {  	s1 =	ssub.s32 @!p0 $0x0, s1;
	[sflag:s0] =	ssyncset.done @!p0 $0x0  }
0x98: {  	[sflag:s0] =	ssyncadd.s32 @!p0 s1  }
0x99: {  	[bflag:$0x3] =	sbarrier.arrive $0xFFFF  }
0x9a: {  	_ =	shalt  }

// kernel: kernel.8.cloned.1.call-start
scs
__scs_entry_jumppad:
0x0: {  	(pc) =	sbr.rel $0x88, $3  }
0x1: {  	(tag) =	ssettag $0x0;
	lr =	simm.s32 $0x1  }
0x2: {  	[smem:$0x3F99] =	sst lr;
	_ =	strace $0xD0000000  }
0x3: {  	_ = 	snop  }
0x4: {  	_ = 	snop  }
0x5: {  	_ = 	snop  }
0x6: {  	_ = 	snop  }
0x7: {  	_ = 	snop  }
__scs_overlays_trampoline_lowered:
0x8: {  	[smem:$0x3FA8] =	sst s0  }
0x9: {  	[smem:$0x3FA9] =	sst s1  }
0xa: {  	[smem:$0x3FAA] =	sst s2  }
0xb: {  	[smem:$0x3FAB] =	sst s3  }
0xc: {  	[smem:$0x3FAC] =	sst s4  }
0xd: {  	[smem:$0x3FAD] =	sst s5  }
0xe: {  	[smem:$0x3FAE] =	sst s6  }
0xf: {  	[smem:$0x3FAF] =	sst s7  }
0x10: {  	[smem:$0x3FB0] =	sst s8  }
0x11: {  	[smem:$0x3FB1] =	sst s9;
	s0 =	simm.s32 @!p0 $0x0  }
0x12: {  	s1 =	sld [smem:$0x3F97];
	s0 =	simm.s32 @p0 $0x1  }
0x13: {  	[smem:$0x3FB2] =	sst s0;
	s0 =	simm.s32 @!p1 $0x0  }
0x14: {  	s2 =	sld [smem:$0x3F96];
	s0 =	simm.s32 @p1 $0x1  }
0x15: {  	[smem:$0x3FB3] =	sst s0;
	s0 =	simm.s32 @!p2 $0x0  }
0x16: {  	s3 =	sld [smem:$0x3FDB];
	s0 =	simm.s32 @p2 $0x1  }
0x17: {  	s4 =	simm.s32 $0x1BF5;
	[smem:$0x3FB5] =	sst s0  }
0x18: {  	s0 =	sld [smem:$0x3F98];
	_ =	swait.ge [sflag:s4], $0x0  }
0x19: {  	s7 =	sld [smem:$0x3F99]  }
0x1a: {  	s8 =	sadd.s32 $0xFFFFE003, lr  }
0x1b: {  	s9 =	sadd.s32 $0xFFFFFEF7, lr;
	s5 =	simm.s32 $0xFFFFFFFF;
	p2 =	slt.u32 s8, $0xFFFFF086  }
0x1c: {  	p1 =	slt.u32 s9, $0xF7A;
	s5 =	simm.s32 @!p2 $0x0  }
0x1d: {  	s5 =	simm.s32 @p1 $0x1;
	p0 =	seq.s32 s7, s2  }
0x1e: {  	s7 =	smul.u32 @!p0 $0xF7A, s2;
	p2 =	seq.s32 @!p0 s5, $0x0  }
0x1f: {  	s9 =	smul.u32 $0xF7A, s1;
	s8 =	simm.s32 @!p0 $0x1BF5;
	p2 =	por !p2, p0  }
0x20: {  	[sflag:s8] =	ssyncset.s32 @!p0 $0xFFFFF086;
	s6 =	sadd.s32 @!p0 s3, s7;
	s7 =	simm.s32 @!p0 $0x108  }
0x21: {  	s3 =	sadd.s32 s3, s9;
	s6 =	sadd.s32 @!p0 $0x88, s6;
	s7 =	simm.s32 @p2 $0x1082  }
0x22: {  	[simem:s7], [sflag:s8] =	dma.local @!p0 [hbm:s6], $0xF7A  }
0x23: {  	s9 =	sor.u32 $0xD0000000, s2;
	s6 =	simm.s32 $0x108;
	_ =	swait.ge @!p0 [sflag:s8], $0x0  }
0x24: {  	s3 =	sadd.s32 $0x88, s3;
	s6 =	simm.s32 @!p1 $0x1082;
	[sflag:s4] =	ssyncset.s32 $0xFFFFF086  }
0x25: {  	[simem:s6], [sflag:s4] =	dma.local [hbm:s3], $0xF7A  }
0x26: {  	[smem:$0x3F99] =	sst s1;
	(tag) =	ssettag s2;
	_ =	strace s9  }
0x27: {  	s1 =	sld [smem:$0x3FA9]  }
0x28: {  	s2 =	sld [smem:$0x3FAA]  }
0x29: {  	s4 =	sld [smem:$0x3FAC]  }
0x2a: {  	p0 =	seq.s32 s5, $0x0;
	s5 =	sld [smem:$0x3FAD]  }
0x2b: {  	s6 =	sld [smem:$0x3FAE]  }
0x2c: {  	s7 =	sld [smem:$0x3FAF]  }
0x2d: {  	s3 =	simm.s32 $0x108;
	s8 =	sld [smem:$0x3FB0]  }
0x2e: {  	s3 =	simm.s32 @!p0 $0x1082;
	s9 =	sld [smem:$0x3FB1]  }
0x2f: {  	lr =	sadd.s32 s0, s3;
	s0 =	sld [smem:$0x3FA8]  }
0x30: {  	s3 =	sld [smem:$0x3FAB]  }
0x31: {  	[smem:$0x3FB4] =	sst s10  }
0x32: {  	s10 =	sld [smem:$0x3FB2];
	_ =	sdelay $0x3  }
0x33: {  	p0 =	seq.s32 s10, $0x1;
	s10 =	sld [smem:$0x3FB4];
	_ =	sdelay $0x3  }
0x34: {  	[smem:$0x3FB4] =	sst s10  }
0x35: {  	s10 =	sld [smem:$0x3FB3];
	_ =	sdelay $0x3  }
0x36: {  	p1 =	seq.s32 s10, $0x1;
	s10 =	sld [smem:$0x3FB4];
	_ =	sdelay $0x3  }
0x37: {  	[smem:$0x3FB4] =	sst s10  }
0x38: {  	s10 =	sld [smem:$0x3FB5]  }
0x39: {  	_ = 	snop;
	(pc) =	sbr.ind lr, $3  }
0x3a: {  	_ = 	snop  }
0x3b: {  	_ = 	snop  }
0x3c: {  	p2 =	seq.s32 s10, $0x1;
	s10 =	sld [smem:$0x3FB4]  }
0x3d: {  	_ =	shalt  }
0x3e: {  	_ =	shalt  }
0x3f: {  	_ =	shalt  }
0x40: {  	_ =	shalt  }
0x41: {  	_ =	shalt  }
0x42: {  	_ =	shalt  }
0x43: {  	_ =	shalt  }
0x44: {  	_ =	shalt  }
0x45: {  	_ =	shalt  }
0x46: {  	_ =	shalt  }
0x47: {  	_ =	shalt  }
0x48: {  	_ =	shalt  }
0x49: {  	_ =	shalt  }
0x4a: {  	_ =	shalt  }
0x4b: {  	_ =	shalt  }
0x4c: {  	_ =	shalt  }
0x4d: {  	_ =	shalt  }
0x4e: {  	_ =	shalt  }
0x4f: {  	_ =	shalt  }
0x50: {  	_ =	shalt  }
0x51: {  	_ =	shalt  }
0x52: {  	_ =	shalt  }
0x53: {  	_ =	shalt  }
0x54: {  	_ =	shalt  }
0x55: {  	_ =	shalt  }
0x56: {  	_ =	shalt  }
0x57: {  	_ =	shalt  }
0x58: {  	_ =	shalt  }
0x59: {  	_ =	shalt  }
0x5a: {  	_ =	shalt  }
0x5b: {  	_ =	shalt  }
0x5c: {  	_ =	shalt  }
0x5d: {  	_ =	shalt  }
0x5e: {  	_ =	shalt  }
0x5f: {  	_ =	shalt  }
0x60: {  	_ =	shalt  }
0x61: {  	_ =	shalt  }
0x62: {  	_ =	shalt  }
0x63: {  	_ =	shalt  }
0x64: {  	_ =	shalt  }
0x65: {  	_ =	shalt  }
0x66: {  	_ =	shalt  }
0x67: {  	_ =	shalt  }
0x68: {  	_ =	shalt  }
0x69: {  	_ =	shalt  }
0x6a: {  	_ =	shalt  }
0x6b: {  	_ =	shalt  }
0x6c: {  	_ =	shalt  }
0x6d: {  	_ =	shalt  }
0x6e: {  	_ =	shalt  }
0x6f: {  	_ =	shalt  }
0x70: {  	_ =	shalt  }
0x71: {  	_ =	shalt  }
0x72: {  	_ =	shalt  }
0x73: {  	_ =	shalt  }
0x74: {  	_ =	shalt  }
0x75: {  	_ =	shalt  }
0x76: {  	_ =	shalt  }
0x77: {  	_ =	shalt  }
0x78: {  	_ =	shalt  }
0x79: {  	_ =	shalt  }
0x7a: {  	_ =	shalt  }
0x7b: {  	_ =	shalt  }
0x7c: {  	_ =	shalt  }
0x7d: {  	_ =	shalt  }
0x7e: {  	_ =	shalt  }
0x7f: {  	_ =	shalt  }
0x80: {  	_ =	shalt  }
0x81: {  	_ =	shalt  }
0x82: {  	_ =	shalt  }
0x83: {  	_ =	shalt  }
0x84: {  	_ =	shalt  }
0x85: {  	_ =	shalt  }
0x86: {  	_ =	shalt  }
0x87: {  	_ =	shalt  }
.Lfunc_end0:
.L_simem_size_0:
called_computation_lowered:
.L_overlay_start_0:
0x88: {  	s2 =	sld [smem:$0x3FD9]  }
0x89: {  	s3 =	sld [smem:$0x3FFE];
	_ =	sdelay $0x1  }
0x8a: {  	s1 =	srdreg.scid  }
0x8b: {  	s0 =	sand.u32 $0x1, s1  }
0x8c: {  	s14 =	sshll.u32 s0, $0xA;
	s2 =	sadd.s32 s3, s2  }
0x8d: {  	s2 =	sadd.s32 s2, s14  }
0x8e: {  	[smem:$0x3FC0] =	sst s2  }
0x8f: {  	_ = 	snop  }
0x90: {  	s2 =	sld [smem:$0x3FD0];
	_ =	sdelay $0x2  }
0x91: {  	s15 =	simm.s32 $0xA;
	s4 =	simm.s32 $0x10  }
0x92: {  	[smem:s4], [sflag:s15] =	dma.local [hbm:s2], $0x1  }
0x93: {  	_ =	swait.eq [sflag:s15], $0x1  }
0x94: {  	[sflag:s15] =	ssyncset.done $0x0  }
0x95: {  	[sflag:s15] =	ssyncadd.s32 $0xFFFFFFFF  }
0x96: {  	s16 =	sld [smem:$0x11];
	(tm) =	ssettm $0x1  }
0x97: {  	s17 =	sld [smem:$0x3FFB];
	_ =	sdelay $0x3  }
0x98: {  	_ =	strace s17  }
0x99: {  	s3 =	sld [smem:$0x3FFC];
	_ =	sdelay $0x3  }
0x9a: {  	_ =	strace s3  }
0x9b: {  	s3 =	sld [smem:$0x3FFD];
	_ =	sdelay $0x3  }
0x9c: {  	_ =	strace s3  }
0x9d: {  	_ =	strace $0x8FFFFFFF  }
0x9e: {  	s18 =	sld [smem:$0x3FDB];
	_ =	sdelay $0x1  }
0x9f: {  	s19 =	simm.s32 $_scs_section_size  }
0xa0: {  	s5 =	simm.s32 $_size__tile_overlayer_lowered;
	s6 =	simm.s32 $_tile_overlayer_lowered  }
0xa1: {  	s22 =	simm.s32 $0x1BFF;
	s21 =	sshll.u32 s6, $0x1;
	s3 =	sadd.s32 s19, s18  }
0xa2: {  	s7 =	simm.s32 $0x0;
	s20 =	sshll.u32 s5, $0x1;
	s5 =	sadd.s32 s21, s3  }
0xa3: {  	[timem:s7], [sflag:s22] =	dma.local [hbm:s5], s20  }
0xa4: {  	_ =	swait.ge [sflag:s22], s20  }
0xa5: {  	s4 =	ssub.s32 $0x0, s20;
	[sflag:s22] =	ssyncset.done $0x0  }
0xa6: {  	[sflag:s22] =	ssyncadd.s32 s4;
	_ =	sdelay $0x1  }
0xa7: {  	s23 =	simm.s32 $0x1B8B  }
0xa8: {  	_ =	swait.ge [sflag:s23], $0x1  }
0xa9: {  	[sflag:s23] =	ssyncset.done $0x0  }
0xaa: {  	s25 =	simm.s32 $0x1B8E;
	s24 =	sld [smem:$0x3FFE];
	[sflag:s23] =	ssyncadd.s32 $0xFFFFFFFF  }
0xab: {  	s26 =	simm.s32 $execute0_lowered;
	[smem:$0x3FD2] =	sst s25  }
0xac: {  	s5 =	sshll.u32 s26, $0x1;
	_ =	strace $0x80000046;
	[dreg:$0x1] =	wrdreg $0xFFFFFFFF  }
0xad: {  	s28 =	simm.s32 $_size_execute0_lowered;
	s3 =	sadd.s32 s3, s5;
	[dreg:$0x0] =	wrdreg $0x0  }
0xae: {  	s5 =	sshll.u32 s28, $0x1;
	[dreg:$0x2] =	wrdreg s3  }
0xaf: {  	[dreg:$0x3] =	wrdreg s5  }
0xb0: {  	[dreg:$0x4] =	wrdreg $0xC0  }
0xb1: {  	_ =	task [dreg:s7], $0x5FFFF  }
0xb2: {  	[dreg:$0x1] =	wrdreg $0xFFFFFFFF  }
0xb3: {  	[dreg:$0x0] =	wrdreg $0x60  }
0xb4: {  	[dreg:$0x2] =	wrdreg s16  }
0xb5: {  	[dreg:$0x3] =	wrdreg s24  }
0xb6: {  	[dreg:$0x4] =	wrdreg $0x0  }
0xb7: {  	[dreg:$0x5] =	wrdreg $0x9  }
0xb8: {  	_ =	task.clear_ibuf [dreg:s7], $0x6FFFF;
	_ =	strace $0x90000046  }
0xb9: {  	s29 =	simm.s32 $0x9;
	_ =	strace $0x80000048  }
0xba: {  	_ =	swait.ge [sflag:s29], $0x1  }
0xbb: {  	[sflag:s29] =	ssyncadd.s32 $0xFFFFFFFF  }
0xbc: {  	_ =	strace $0x90000048  }
0xbd: {  	_ =	sfence  }
0xbe: {  	s30 =	sld [smem:$0x0];
	_ =	sdelay $0x2  }
0xbf: {  	s31 =	sshll.u32 s1, $0xD;
	s1 =	sshrl.u32 s1, $0x2  }
0xc0: {  	s3 =	sand.u32 $0x4000, s31;
	s1 =	sadd.s32 s1, s30  }
0xc1: {  	s0 =	sor.u32 s3, s0;
	s1 =	sshll.u32 s1, $0x11  }
0xc2: {  	s0 =	sor.u32 s1, s0  }
0xc3: {  	s0 =	sadd.s32 $0x8F2B, s0  }
0xc4: {  	[sflag:s0] =	ssyncadd.remote.s32 $0x1  }
0xc5: {  	_ =	sfence.sel $0xFFFF  }
0xc6: {  	[dreg:$0x0] =	wrdreg $0xFFFFFFFF;
	(pc) =	sbr.abs _section_cstart, $3  }
0xc7: {  	[dreg:$0x1] =	wrdreg $0xFFFFFFFF  }
0xc8: {  	_ =	task.clear_ibuf [dreg:s7], $0x2FFFF;
	_ =	strace $0x9FFFFFFF  }
0xc9: {  	(tm) =	ssettm $0x7FFFFFFF  }
tec
execute0_lowered:
.L_overlay_start_1:
0x0: {  	(tag) =	ssettag $0x1  }
0x1: {  	s15 =	rddreg [dreg:$0x0]  }
0x2: {  	s6 =	rddreg [dreg:$0x1]  }
0x3: {  	s2 =	rddreg [dreg:$0x2]  }
0x4: {  	s0 =	rddreg [dreg:$0x3]  }
0x5: {  	s3 =	simm.s32 $0x0;
	s1 =	stileid.u32;
	s5 =	srdreg.scid  }
0x6: {  	s22 =	simm.s32 $0x80;
	s23 =	simm.s32 $0x0;
	s7 =	smul.u32 $0x50000, s1  }
0x7: {  	[smem:$0x7FF] =	sst s3;
	s4 =	sadd.s32 $0x3000, s6;
	s11 =	smul.u32 $0x14000, s1  }
0x8: {  	s14 =	sand.u32 $0x1, s5;
	s5 =	sadd.s32 $0x2800, s6;
	s30 =	smul.u32 $0x4F0, s1  }
0x9: {  	s16 =	sadd.s32 $0x3800, s6;
	s26 =	ssub.s32 $0x2, s14;
	s19 =	smul.u32 $0x140000, s14  }
0xa: {  	_ =	strace $0x80000047;
	s21 =	smul.u32 $0x4F00, s14;
	s8 =	sshrl.u32 s26, $0x1  }
0xb: {  	s7 =	sshrl.u32 s7, $0x2;
	s12 =	sadd.s32 $0x4000, s11;
	s13 =	sadd.s32 $0x8000, s11  }
0xc: {  	s18 =	sadd.s32 $0xC000, s11;
	s20 =	sadd.s32 $0x10000, s11;
	s17 =	ssub.s32 s26, s8  }
0xd: {  	s6 =	sadd.s32 s7, s2;
	s7 =	sadd.s32 s12, s2;
	s8 =	sadd.s32 s13, s2  }
0xe: {  	s9 =	sadd.s32 s18, s2;
	s10 =	sadd.s32 s20, s2;
	s11 =	sadd.s32 s11, s19  }
0xf: {  	s12 =	sadd.s32 s19, s12;
	s13 =	sadd.s32 s19, s13;
	s18 =	sadd.s32 s19, s18  }
0x10: {  	s29 =	sadd.s32 s19, s20;
	s31 =	sadd.s32 s21, s15;
	s19 =	simm.s32 $0x1  }
0x11: {  	s20 =	simm.s32 $0x14000;
	s21 =	simm.s32 $0x1C000;
	s11 =	sshrl.u32 s11, $0x3  }
0x12: {  	s12 =	sshrl.u32 s12, $0x3;
	s13 =	sshrl.u32 s13, $0x3;
	s28 =	sshrl.u32 s18, $0x3  }
0x13: {  	s18 =	sshrl.u32 s29, $0x3;
	s11 =	sadd.s32 s16, s11;
	s12 =	sadd.s32 s16, s12  }
0x14: {  	s13 =	sadd.s32 s16, s13;
	s14 =	sadd.s32 s16, s28;
	s15 =	sadd.s32 s16, s18  }
0x15: {  	s16 =	smax.u32 s17, $0x1;
	s17 =	sadd.s32 s30, s31;
	s18 =	simm.s32 $0x18000  }
.LBB2_1:
0x16: {  	[tilespmem:s18], [sflag:$0x1] =	stream.linear.gather [hbm4b:s5+s3], $0x4000, $0x38;
	[tilespmem:$0x1C080] =	vst v63  }
0x17: {  	_ =	swait.ge [sflag:s19], $0x4000  }
0x18: {  	[sflag:s19] =	ssyncset.done $0x0  }
0x19: {  	[sflag:s19] =	ssyncadd.s32 $0xFFFFC000  }
0x1a: {  	[tilespmem:s20], [sflag:$0x1] =	stream.linear.gather [hbm4b:s4+s3], $0x4000, $0x38;
	[tilespmem:$0x1C080] =	vst v63  }
0x1b: {  	_ =	swait.ge [sflag:s19], $0x4000  }
0x1c: {  	[sflag:s19] =	ssyncset.done $0x0  }
0x1d: {  	[sflag:s19] =	ssyncadd.s32 $0xFFFFC000  }
0x1e: {  	[spmem:s6] =	stream.linear.scatter [tilespmem:s18], [sflag:$0x1], $0x4000, $0x38;
	[tilespmem:$0x1C080] =	vst v63  }
0x1f: {  	_ =	swait.ge [sflag:s19], $0x4000  }
0x20: {  	[sflag:s19] =	ssyncset.done $0x0  }
0x21: {  	[sflag:s19] =	ssyncadd.s32 $0xFFFFC000  }
0x22: {  	[spmem:s7] =	stream.linear.scatter [tilespmem:s18], [sflag:$0x1], $0x4000, $0x38;
	[tilespmem:$0x1C080] =	vst v63  }
0x23: {  	_ =	swait.ge [sflag:s19], $0x4000  }
0x24: {  	[sflag:s19] =	ssyncset.done $0x0  }
0x25: {  	[sflag:s19] =	ssyncadd.s32 $0xFFFFC000  }
0x26: {  	[spmem:s8] =	stream.linear.scatter [tilespmem:s18], [sflag:$0x1], $0x4000, $0x38;
	[tilespmem:$0x1C080] =	vst v63  }
0x27: {  	_ =	swait.ge [sflag:s19], $0x4000  }
0x28: {  	[sflag:s19] =	ssyncset.done $0x0  }
0x29: {  	[sflag:s19] =	ssyncadd.s32 $0xFFFFC000  }
0x2a: {  	[spmem:s9] =	stream.linear.scatter [tilespmem:s18], [sflag:$0x1], $0x4000, $0x38;
	[tilespmem:$0x1C080] =	vst v63  }
0x2b: {  	_ =	swait.ge [sflag:s19], $0x4000  }
0x2c: {  	[sflag:s19] =	ssyncset.done $0x0  }
0x2d: {  	[sflag:s19] =	ssyncadd.s32 $0xFFFFC000  }
0x2e: {  	[spmem:s10] =	stream.linear.scatter [tilespmem:s18], [sflag:$0x1], $0x4000, $0x38;
	[tilespmem:$0x1C080] =	vst v63  }
0x2f: {  	_ =	swait.ge [sflag:s19], $0x4000  }
0x30: {  	[sflag:s19] =	ssyncset.done $0x0  }
0x31: {  	[sflag:s19] =	ssyncadd.s32 $0xFFFFC000  }
0x32: {  	s24 =	sadd.s32 $0x0, s17;
	[bflag:$0x0] =	sbarrier.arrive $0xFFFF  }
0x33: {  	[tilespmem:s21], [sflag:$0x1] =	stream.linear.gather [hbm4b:s24+s3], $0x80, $0x38;
	[tilespmem:$0x1C080] =	vst v63  }
0x34: {  	_ =	swait.ge [sflag:s19], $0x80  }
0x35: {  	[sflag:s19] =	ssyncset.done $0x0  }
0x36: {  	[sflag:s19] =	ssyncadd.s32 $0xFFFFFF80  }
0x37: {  	[spmem:s2] =	stream.indirect.scatter.add.f32 [tilespmem:s20], [sflag:$0x1], $0x80, s21, s22, $0xb8;
	[tilespmem:$0x1C080] =	vst v63  }
0x38: {  	_ =	swait.ge [sflag:s19], $0x4000  }
0x39: {  	s25 =	simm.s32 $0x20;
	s24 =	simm.s32 $0x10;
	[sflag:s19] =	ssyncset.done $0x0  }
.LBB2_2:
0x3a: {  	s26 =	sadd.s32 s24, s17  }
0x3b: {  	[sflag:s19] =	ssyncadd.s32 $0xFFFFC000;
	s24 =	smov.u32 s25;
	s28 =	sadd.s32 $0x10, s25  }
0x3c: {  	[tilespmem:s21], [sflag:$0x1] =	stream.linear.gather [hbm4b:s26+s3], $0x80, $0x38;
	[tilespmem:$0x1C080] =	vst v63  }
0x3d: {  	p0 =	sne.s32 s25, $0x4E0;
	_ =	swait.ge [sflag:s19], $0x80  }
.Ltmp0:
0x3e: {  	[sflag:s19] =	ssyncset.done $0x0;
	(pc) =	sbr.rel @p0 .LBB2_2-.Ltmp0, $4  }
0x3f: {  	[sflag:s19] =	ssyncadd.s32 $0xFFFFFF80  }
0x40: {  	[spmem:s2] =	stream.indirect.scatter.add.f32 [tilespmem:s20], [sflag:$0x1], $0x80, s21, s22, $0xb8;
	[tilespmem:$0x1C080] =	vst v63  }
0x41: {  	_ =	swait.ge [sflag:s19], $0x4000  }
0x42: {  	s25 =	smov.u32 s28;
	[sflag:s19] =	ssyncset.done $0x0  }
0x43: {  	s24 =	sadd.s32 s24, s17;
	[sflag:s19] =	ssyncadd.s32 $0xFFFFC000  }
0x44: {  	[tilespmem:s21], [sflag:$0x1] =	stream.linear.gather [hbm4b:s24+s3], $0x80, $0x38;
	[tilespmem:$0x1C080] =	vst v63  }
0x45: {  	_ =	swait.ge [sflag:s19], $0x80  }
0x46: {  	[sflag:s19] =	ssyncset.done $0x0  }
0x47: {  	[sflag:s19] =	ssyncadd.s32 $0xFFFFFF80  }
0x48: {  	[spmem:s2] =	stream.indirect.scatter.add.f32 [tilespmem:s20], [sflag:$0x1], $0x80, s21, s22, $0xb8;
	[tilespmem:$0x1C080] =	vst v63  }
0x49: {  	_ =	swait.ge [sflag:s19], $0x4000  }
0x4a: {  	[sflag:s19] =	ssyncset.done $0x0  }
0x4b: {  	[sflag:s19] =	ssyncadd.s32 $0xFFFFC000  }
0x4c: {  	[bflag:$0x0] =	sbarrier.arrive $0xFFFF  }
0x4d: {  	[tilespmem:s18], [sflag:$0x1] =	stream.linear.gather [spmem:s6], $0x4000, $0x38;
	[tilespmem:$0x1C080] =	vst v63  }
0x4e: {  	_ =	swait.ge [sflag:s19], $0x4000  }
0x4f: {  	[sflag:s19] =	ssyncset.done $0x0  }
0x50: {  	[sflag:s19] =	ssyncadd.s32 $0xFFFFC000  }
0x51: {  	[hbm4b:s11+s3] =	stream.linear.scatter [tilespmem:s18], [sflag:$0x1], $0x4000, $0x38;
	[tilespmem:$0x1C080] =	vst v63  }
0x52: {  	_ =	swait.ge [sflag:s19], $0x4000  }
0x53: {  	[sflag:s19] =	ssyncset.done $0x0  }
0x54: {  	[sflag:s19] =	ssyncadd.s32 $0xFFFFC000  }
0x55: {  	[tilespmem:s18], [sflag:$0x1] =	stream.linear.gather [spmem:s7], $0x4000, $0x38;
	[tilespmem:$0x1C080] =	vst v63  }
0x56: {  	_ =	swait.ge [sflag:s19], $0x4000  }
0x57: {  	[sflag:s19] =	ssyncset.done $0x0  }
0x58: {  	[sflag:s19] =	ssyncadd.s32 $0xFFFFC000  }
0x59: {  	[hbm4b:s12+s3] =	stream.linear.scatter [tilespmem:s18], [sflag:$0x1], $0x4000, $0x38;
	[tilespmem:$0x1C080] =	vst v63  }
0x5a: {  	_ =	swait.ge [sflag:s19], $0x4000  }
0x5b: {  	[sflag:s19] =	ssyncset.done $0x0  }
0x5c: {  	[sflag:s19] =	ssyncadd.s32 $0xFFFFC000  }
0x5d: {  	[tilespmem:s18], [sflag:$0x1] =	stream.linear.gather [spmem:s8], $0x4000, $0x38;
	[tilespmem:$0x1C080] =	vst v63  }
0x5e: {  	_ =	swait.ge [sflag:s19], $0x4000  }
0x5f: {  	[sflag:s19] =	ssyncset.done $0x0  }
0x60: {  	[sflag:s19] =	ssyncadd.s32 $0xFFFFC000  }
0x61: {  	[hbm4b:s13+s3] =	stream.linear.scatter [tilespmem:s18], [sflag:$0x1], $0x4000, $0x38;
	[tilespmem:$0x1C080] =	vst v63  }
0x62: {  	_ =	swait.ge [sflag:s19], $0x4000  }
0x63: {  	[sflag:s19] =	ssyncset.done $0x0  }
0x64: {  	[sflag:s19] =	ssyncadd.s32 $0xFFFFC000  }
0x65: {  	[tilespmem:s18], [sflag:$0x1] =	stream.linear.gather [spmem:s9], $0x4000, $0x38;
	[tilespmem:$0x1C080] =	vst v63  }
0x66: {  	_ =	swait.ge [sflag:s19], $0x4000  }
0x67: {  	[sflag:s19] =	ssyncset.done $0x0  }
0x68: {  	[sflag:s19] =	ssyncadd.s32 $0xFFFFC000  }
0x69: {  	[hbm4b:s14+s3] =	stream.linear.scatter [tilespmem:s18], [sflag:$0x1], $0x4000, $0x38;
	[tilespmem:$0x1C080] =	vst v63  }
0x6a: {  	_ =	swait.ge [sflag:s19], $0x4000  }
0x6b: {  	[sflag:s19] =	ssyncset.done $0x0  }
0x6c: {  	[sflag:s19] =	ssyncadd.s32 $0xFFFFC000  }
0x6d: {  	[tilespmem:s18], [sflag:$0x1] =	stream.linear.gather [spmem:s10], $0x4000, $0x38;
	[tilespmem:$0x1C080] =	vst v63  }
0x6e: {  	s23 =	sadd.s32 $0x1, s23;
	_ =	swait.ge [sflag:s19], $0x4000  }
0x6f: {  	p0 =	sne.s32 s23, s16;
	[sflag:s19] =	ssyncset.done $0x0  }
.Ltmp1:
0x70: {  	[sflag:s19] =	ssyncadd.s32 $0xFFFFC000;
	(pc) =	sbr.rel @p0 .LBB2_1-.Ltmp1, $4  }
0x71: {  	[hbm4b:s15+s3] =	stream.linear.scatter [tilespmem:s18], [sflag:$0x1], $0x4000, $0x38;
	[tilespmem:$0x1C080] =	vst v63  }
0x72: {  	_ =	swait.ge [sflag:s19], $0x4000  }
0x73: {  	[sflag:s19] =	ssyncset.done $0x0  }
0x74: {  	[sflag:s19] =	ssyncadd.s32 $0xFFFFC000  }
0x75: {  	_ =	sfence.sel $0x180000  }
0x76: {  	[bflag:$0x0] =	sbarrier.arrive $0xFFFF  }
0x77: {  	p0 =	sne.s32 s1, $0x0;
	_ =	strace $0x90000047  }
0x78: {  	s0 =	sadd.s32 @!p0 $0x100000, s0;
	[bflag:$0x2] =	sbarrier.arrive $0xFFFF  }
0x79: {  	[sflag:s0] =	ssyncadd.tile.s32 @!p0 $0x1;
	_ =	shalt  }
.Lfunc_end2:
_tile_overlayer_lowered:
.L_overlay_start_2:
0x7a: {  	(tag) =	ssettag $0x2  }
0x7b: {  	s0 =	rddreg [dreg:$0x0];
	s2 =	stileid.u32  }
0x7c: {  	s1 =	rddreg [dreg:$0x1];
	p0 =	sne.s32 s2, $0x0  }
0x7d: {  	s3 =	rddreg [dreg:$0x2];
	[bflag:$0x3] =	sbarrier.arrive $0xFFFF;
	s2 =	simm.s32 @!p0 $0x1C01  }
0x7e: {  	[timem:s3], [sflag:s2] =	dma.local @!p0 [hbm:s0], s1  }
0x7f: {  	s0 =	simm.s32 @!p0 $0x1  }
0x80: {  	_ =	swait.ge @!p0 [sflag:s0], s1  }
0x81: {  	s1 =	ssub.s32 @!p0 $0x0, s1;
	[sflag:s0] =	ssyncset.done @!p0 $0x0  }
0x82: {  	[sflag:s0] =	ssyncadd.s32 @!p0 s1  }
0x83: {  	[bflag:$0x3] =	sbarrier.arrive $0xFFFF  }
0x84: {  	_ =	shalt  }

</sc_bundles>
